<compile_context>
chip_gen: v7x
topology: tpu7x:2x2x1
jax: 0.10.2.dev20260603
libtpu: 0.0.44.dev20260713+nightly
codegen_flags: <defaults>
</compile_context>

<pallas_src>
import functools

import jax
import jax.numpy as jnp
from jax import lax
from jax.experimental import pallas as pl
from jax.experimental.pallas import tpu as pltpu
from jax.experimental.pallas import tpu_sc as plsc

N = 10000
NP = 10240
E = 320000
D = 128
K = 3
EPS = 0.5
COEFF = D / (N * EPS * EPS)

NC = 2
NS = 16
NW = NC * NS
F_PER = D // NW
CHUNK = 8000
N_CHUNKS = E // CHUNK


def _sc_hops(xt, packed, val):
    xt_flat = xt.reshape(D * NP)
    mesh = plsc.VectorSubcoreMesh(
        core_axis_name="c", subcore_axis_name="s", num_cores=NC,
        num_subcores=NS)

    @functools.partial(
        pl.kernel,
        out_type=(
            jax.ShapeDtypeStruct((D * NP,), jnp.float32),
            jax.ShapeDtypeStruct((D * NP,), jnp.float32),
        ),
        mesh=mesh,
        compiler_params=pltpu.CompilerParams(needs_layout_passes=False),
        scratch_types=(
            [pltpu.VMEM((NP,), jnp.float32) for _ in range(F_PER)]
            + [pltpu.VMEM((NP,), jnp.float32) for _ in range(F_PER)]
            + [
                pltpu.VMEM((CHUNK,), jnp.int32),
                pltpu.VMEM((CHUNK,), jnp.int32),
                pltpu.VMEM((CHUNK,), jnp.float32),
                pltpu.VMEM((CHUNK,), jnp.float32),
                pltpu.SemaphoreType.DMA,
                pltpu.SemaphoreType.DMA,
                pltpu.SemaphoreType.DMA,
                pltpu.SemaphoreType.DMA,
            ]
        ),
    )
    def hops(xt_hbm, pk_hbm, val_hbm, y1_hbm, y2_hbm, *scratch):
        a = scratch[:F_PER]
        b = scratch[F_PER:2 * F_PER]
        (pkb0, pkb1, valb0, valb1,
         sem_pk0, sem_pk1, sem_val0, sem_val1) = scratch[2 * F_PER:]
        pkb = (pkb0, pkb1)
        valb = (valb0, valb1)
        sem_pk = (sem_pk0, sem_pk1)
        sem_val = (sem_val0, sem_val1)
        sid = lax.axis_index("s")
        wid = sid * NC + lax.axis_index("c")
        f0 = pl.multiple_of(wid * F_PER, F_PER)
        cstart = sid * (N_CHUNKS // NS)

        def chunk_base(c):
            cc = cstart + c
            cc = jnp.where(cc >= N_CHUNKS, cc - N_CHUNKS, cc)
            return pl.multiple_of(cc * CHUNK, CHUNK)

        def zero_rows(refs):
            @plsc.parallel_loop(0, NP, step=16, unroll=8)
            def zbody(i):
                for r in refs:
                    r[pl.ds(i, 16)] = jnp.zeros((16,), jnp.float32)

        def issue(c, s):
            base = chunk_base(c)
            pltpu.async_copy(pk_hbm.at[pl.ds(base, CHUNK)], pkb[s],
                             sem_pk[s])
            pltpu.async_copy(val_hbm.at[pl.ds(base, CHUNK)], valb[s],
                             sem_val[s])

        def drain(c, s):
            base = chunk_base(c)
            pltpu.make_async_copy(pk_hbm.at[pl.ds(base, CHUNK)], pkb[s],
                                  sem_pk[s]).wait()
            pltpu.make_async_copy(val_hbm.at[pl.ds(base, CHUNK)], valb[s],
                                  sem_val[s]).wait()

        def hop(src, dst):
            zero_rows(dst)
            issue(0, 0)

            def pair_body(p, _):
                for s in (0, 1):
                    c = 2 * p + s
                    issue(jnp.minimum(c + 1, N_CHUNKS - 1), 1 - s)
                    drain(c, s)

                    @plsc.parallel_loop(0, CHUNK, step=16, unroll=8)
                    def group_body(off):
                        p16 = pkb[s][pl.ds(off, 16)]
                        c16 = jnp.bitwise_and(p16, 16383)
                        r16 = lax.shift_right_logical(p16, 14)
                        v16 = valb[s][pl.ds(off, 16)]
                        for j in range(F_PER):
                            xv = plsc.load_gather(src[j], [c16])
                            plsc.addupdate_scatter(dst[j], [r16],
                                                   xv * v16)
                return 0

            lax.fori_loop(0, N_CHUNKS // 2, pair_body, 0)
            drain(N_CHUNKS - 1, 0)

        def rows_copy(hbm_ref, tiles, to_hbm):
            for j in range(F_PER):
                rb = pl.multiple_of((f0 + j) * NP, NP)
                hslice = hbm_ref.at[pl.ds(rb, NP)]
                if to_hbm:
                    pltpu.async_copy(tiles[j], hslice, sem_pk0)
                else:
                    pltpu.async_copy(hslice, tiles[j], sem_pk0)
            for j in range(F_PER):
                rb = pl.multiple_of((f0 + j) * NP, NP)
                hslice = hbm_ref.at[pl.ds(rb, NP)]
                if to_hbm:
                    pltpu.make_async_copy(tiles[j], hslice,
                                          sem_pk0).wait()
                else:
                    pltpu.make_async_copy(hslice, tiles[j],
                                          sem_pk0).wait()

        rows_copy(xt_hbm, a, to_hbm=False)
        hop(a, b)
        rows_copy(y1_hbm, b, to_hbm=True)
        hop(b, a)
        rows_copy(y2_hbm, a, to_hbm=True)

    y1_flat, y2_flat = hops(xt_flat, packed, val)
    return y1_flat.reshape(D, NP), y2_flat.reshape(D, NP)


_TR_BLK = 1280


def _transpose_body(x_ref, xt_ref):
    i = pl.program_id(0)
    r = lax.broadcasted_iota(jnp.int32, (_TR_BLK, D), 0) + i * _TR_BLK
    xm = jnp.where(r < N, x_ref[...], 0.0)
    xt_ref[...] = xm.T


def _transpose(x):
    return pl.pallas_call(
        _transpose_body,
        grid=(NP // _TR_BLK,),
        in_specs=[pl.BlockSpec((_TR_BLK, D), lambda i: (i, 0))],
        out_specs=pl.BlockSpec((D, _TR_BLK), lambda i: (0, i)),
        out_shape=jax.ShapeDtypeStruct((D, NP), jnp.float32),
    )(x)


_GR_BLK = 1280
_GR_STEPS = NP // _GR_BLK


def _tail_body(xt_ref, y1_ref, y2_ref, w_ref, tau_ref, out_ref, h_ref,
               c_ref):
    i = pl.program_id(0)

    @pl.when(i < _GR_STEPS)
    def _():
        dn = (((1,), (1,)), ((), ()))
        c0 = lax.dot_general(xt_ref[...], xt_ref[...], dn,
                             preferred_element_type=jnp.float32)
        c1 = lax.dot_general(y1_ref[...], y1_ref[...], dn,
                             preferred_element_type=jnp.float32)
        c2 = lax.dot_general(y2_ref[...], y2_ref[...], dn,
                             preferred_element_type=jnp.float32)
        c = jnp.stack([c0, c1, c2])

        @pl.when(i == 0)
        def _():
            c_ref[...] = c

        @pl.when(i > 0)
        def _():
            c_ref[...] += c

    @pl.when(i == _GR_STEPS)
    def _():
        gs = []
        for k in range(K):
            wk = w_ref[k]
            cw = lax.dot_general(c_ref[k], wk, (((1,), (0,)), ((), ())),
                                 preferred_element_type=jnp.float32)
            g = lax.dot_general(wk, cw, (((0,), (0,)), ((), ())),
                                preferred_element_type=jnp.float32)
            gs.append(g)
        g = jnp.stack(gs)
        rows = lax.broadcasted_iota(jnp.int32, (K, D, D), 1)
        cols = lax.broadcasted_iota(jnp.int32, (K, D, D), 2)
        eye = jnp.where(rows == cols, 1.0, 0.0)
        m = eye + COEFF * g

        def body(j, carry):
            a, acc = carry
            d = jnp.sum(jnp.where((rows == j) & (cols == j), a, 0.0),
                        axis=(1, 2), keepdims=True)
            colj = jnp.sum(jnp.where(cols == j, a, 0.0), axis=2,
                           keepdims=True)
            rowj = jnp.sum(jnp.where(rows == j, a, 0.0), axis=1,
                           keepdims=True)
            upd = jnp.where((rows > j) & (cols > j),
                            (colj * rowj) / d, 0.0)
            return a - upd, acc + jnp.log(d)

        _, acc = lax.fori_loop(0, D, body,
                               (m, jnp.zeros((K, 1, 1), jnp.float32)))
        r0 = 0.5 * acc[0, 0, 0]
        r1 = 0.5 * acc[1, 0, 0]
        r2 = 0.5 * acc[2, 0, 0]

        tau = jnp.log1p(jnp.exp(tau_ref[0, 0])) + 1e-4
        s0, s1, s2 = r0 / tau, r1 / tau, r2 / tau
        mx = jnp.maximum(s0, jnp.maximum(s1, s2))
        e0 = jnp.exp(s0 - mx)
        e1 = jnp.exp(s1 - mx)
        e2 = jnp.exp(s2 - mx)
        tot = e0 + e1 + e2
        q0, q1, q2 = e0 / tot, e1 / tot, e2 / tot
        kl = (q0 * jnp.log(q0 * K + 1e-8) + q1 * jnp.log(q1 * K + 1e-8)
              + q2 * jnp.log(q2 * K + 1e-8))

        r8 = lax.broadcasted_iota(jnp.int32, (8, 128), 0)
        c8 = lax.broadcasted_iota(jnp.int32, (8, 128), 1)
        out = (q0 * ((r8 == 0) & (c8 == 0))
               + q1 * ((r8 == 0) & (c8 == 1))
               + q2 * ((r8 == 0) & (c8 == 2))
               + kl * ((r8 == 1) & (c8 == 0)))
        out_ref[...] = out.astype(jnp.float32)

    @pl.when(i > _GR_STEPS)
    def _():
        q0 = out_ref[0, 0]
        q1 = out_ref[0, 1]
        q2 = out_ref[0, 2]
        dn_t = (((0,), (0,)), ((), ()))
        ht = q0 * lax.dot_general(w_ref[0], xt_ref[...], dn_t,
                                  preferred_element_type=jnp.float32)
        ht += q1 * lax.dot_general(w_ref[1], y1_ref[...], dn_t,
                                   preferred_element_type=jnp.float32)
        ht += q2 * lax.dot_general(w_ref[2], y2_ref[...], dn_t,
                                   preferred_element_type=jnp.float32)
        h_ref[...] = ht.T


def _tail(xt, y1t, y2t, w, raw_tau):
    def colblk(i):
        return jnp.where(i < _GR_STEPS, i,
                         jnp.where(i == _GR_STEPS, _GR_STEPS - 1,
                                   i - _GR_STEPS - 1))

    spec = pl.BlockSpec((D, _GR_BLK), lambda i: (0, colblk(i)))
    return pl.pallas_call(
        _tail_body,
        grid=(2 * _GR_STEPS + 1,),
        in_specs=[
            spec,
            spec,
            spec,
            pl.BlockSpec((K, D, D), lambda i: (0, 0, 0)),
            pl.BlockSpec((1, 1), lambda i: (0, 0)),
        ],
        out_specs=(
            pl.BlockSpec((8, 128), lambda i: (0, 0)),
            pl.BlockSpec((_GR_BLK, D),
                         lambda i: (jnp.maximum(i - _GR_STEPS - 1, 0), 0)),
        ),
        out_shape=(
            jax.ShapeDtypeStruct((8, 128), jnp.float32),
            jax.ShapeDtypeStruct((N, D), jnp.float32),
        ),
        scratch_shapes=[pltpu.VMEM((K, D, D), jnp.float32)],
    )(xt, y1t, y2t, w, raw_tau.reshape(1, 1))


def kernel(X, adj_indices, adj_values, W, raw_tau):
    row = adj_indices[0]
    col = adj_indices[1]
    packed = row * 16384 + col
    xt = _transpose(X)
    y1t, y2t = _sc_hops(xt, packed, adj_values)
    s, h = _tail(xt, y1t, y2t, W, raw_tau)
    return h, s[1, 0]

# --- scband reference (transcript-rebuilt; emitter-appended) ---
"""Pipeline reference for scband-variational-hop-layer-10849087390033 (READ-ONLY COPY).

The authoritative reference and input builder live on the scoring server;
editing this copy changes nothing except your own understanding.
"""

import jax, jax.numpy as jnp
import numpy as np

N = 10000
E = 320000
D_IN = 128
D_OUT = 128
NUM_HOPS = 2
K = NUM_HOPS + 1
EPS = 0.5


def setup_inputs(seed: int = 0):
    key = jax.random.key(seed)
    k1, k2, k3, k4 = jax.random.split(key, 4)
    X = jax.random.normal(k1, (N, D_IN), dtype=jnp.float32)
    adj_indices = jax.random.randint(k2, (2, E), 0, N, dtype=jnp.int32)
    adj_values = jax.random.uniform(k3, (E,), dtype=jnp.float32)
    # K independent Linear(in_dim, out_dim, bias=False) weights, stored as [K, D_IN, D_OUT]
    W = jax.random.normal(k4, (K, D_IN, D_OUT), dtype=jnp.float32) * (1.0 / np.sqrt(D_IN))
    raw_tau = jnp.zeros((1,), dtype=jnp.float32)
    return {"X": X, "adj_indices": adj_indices, "adj_values": adj_values, "W": W, "raw_tau": raw_tau}


def _coding_rate(Z, eps=EPS):
    n, d = Z.shape
    coeff = d / (n * eps * eps)
    if n < d:
        M = jnp.eye(n, dtype=Z.dtype) + coeff * (Z @ Z.T)
    else:
        M = jnp.eye(d, dtype=Z.dtype) + coeff * (Z.T @ Z)
    L = jnp.linalg.cholesky(M)
    return jnp.sum(jnp.log(jnp.diagonal(L)))


def reference(X, adj_indices, adj_values, W, raw_tau):
    row = adj_indices[0]
    col = adj_indices[1]

    def spmm(x):
        # sparse adj @ x : gather src rows, weight, scatter-add to dst rows
        msg = adj_values[:, None] * jnp.take(x, col, axis=0)
        return jnp.zeros((N, x.shape[1]), dtype=x.dtype).at[row].add(msg)

    tau = jax.nn.softplus(raw_tau)[0] + 1e-4

    hop_feats = []
    cur = X
    for k in range(K):
        hop_feats.append(cur)
        cur = spmm(cur)

    # dropout p=0.0 -> identity (eval-equivalent)
    Z_list = [hop_feats[k] @ W[k] for k in range(K)]

    R_vec = jnp.stack([_coding_rate(z) for z in Z_list])
    q = jax.nn.softmax(R_vec / tau, axis=0)
    kl = jnp.sum(q * jnp.log(q * K + 1e-8))

    H = q[0] * Z_list[0]
    for k in range(1, K):
        H = H + q[k] * Z_list[k]
    return (H, kl)

if __name__ == "__main__":
    import jax
    _d = setup_inputs()
    print(jax.jit(kernel)(*tuple(_d.values())))

</pallas_src>

<mosaic_0001>
#map = affine_map<(d0, d1) -> (0)>
module attributes {stable_mosaic.version = 14 : i64} {
  func.func @hops(%arg0: i32, %arg1: i32, %arg2: memref<1310720xf32, #tpu.memory_space<hbm>>, %arg3: memref<320000xi32, #tpu.memory_space<hbm>>, %arg4: memref<320000xf32, #tpu.memory_space<hbm>>, %arg5: memref<1310720xf32, #tpu.memory_space<hbm>>, %arg6: memref<1310720xf32, #tpu.memory_space<hbm>>, %arg7: memref<10240xf32, #tpu.memory_space<vmem>>, %arg8: memref<10240xf32, #tpu.memory_space<vmem>>, %arg9: memref<10240xf32, #tpu.memory_space<vmem>>, %arg10: memref<10240xf32, #tpu.memory_space<vmem>>, %arg11: memref<10240xf32, #tpu.memory_space<vmem>>, %arg12: memref<10240xf32, #tpu.memory_space<vmem>>, %arg13: memref<10240xf32, #tpu.memory_space<vmem>>, %arg14: memref<10240xf32, #tpu.memory_space<vmem>>, %arg15: memref<8000xi32, #tpu.memory_space<vmem>>, %arg16: memref<8000xi32, #tpu.memory_space<vmem>>, %arg17: memref<8000xf32, #tpu.memory_space<vmem>>, %arg18: memref<8000xf32, #tpu.memory_space<vmem>>, %arg19: memref<!tpu.dma_semaphore, #tpu.memory_space<semaphore_mem>>, %arg20: memref<!tpu.dma_semaphore, #tpu.memory_space<semaphore_mem>>, %arg21: memref<!tpu.dma_semaphore, #tpu.memory_space<semaphore_mem>>, %arg22: memref<!tpu.dma_semaphore, #tpu.memory_space<semaphore_mem>>) attributes {dimension_semantics = [#tpu.dimension_semantics<core_parallel>, #tpu.dimension_semantics<subcore_parallel>], iteration_bounds = array<i64: 2, 16>, scalar_prefetch = 0 : i64, scratch_operands = 16 : i64, tpu.core_type = #tpu.core_type<sc_vector_subcore>, window_params = [{transform_indices = #map}, {transform_indices = #map}, {transform_indices = #map}, {transform_indices = #map}, {transform_indices = #map}]} {
    %mul3A = arith.constant 2 : i32
    %mul3A_0 = arith.muli %arg1, %mul3A : i32
    %add3A = arith.addi %mul3A_0, %arg0 : i32
    %mul3A_1 = arith.constant 4 : i32
    %mul3A_2 = arith.muli %add3A, %mul3A_1 : i32
    %multiple_of3A = tpu.assume_multiple %mul3A_2, 4 : i32
    %mul3A_3 = arith.constant 2 : i32
    %mul3A_4 = arith.muli %arg1, %mul3A_3 : i32
    %add3A_5 = arith.constant 0 : i32
    %add3A_6 = arith.addi %multiple_of3A, %add3A_5 : i32
    %mul3A_7 = arith.constant 10240 : i32
    %mul3A_8 = arith.muli %add3A_6, %mul3A_7 : i32
    %multiple_of3A_9 = tpu.assume_multiple %mul3A_8, 10240 : i32
    %dma_start3A = tpu.memref_slice %arg2[%multiple_of3A_9] : memref<1310720xf32, #tpu.memory_space<hbm>> -> memref<10240xf32, #tpu.memory_space<hbm>>
    %dma_start3A_10 = tpu.memref_slice %arg2[%multiple_of3A_9] : memref<1310720xf32, #tpu.memory_space<hbm>> -> memref<10240xf32, #tpu.memory_space<hbm>>
    tpu.enqueue_dma source(%dma_start3A_10 : memref<10240xf32, #tpu.memory_space<hbm>>) target(%arg7 : memref<10240xf32, #tpu.memory_space<vmem>>) target_semaphore(%arg19 : memref<!tpu.dma_semaphore, #tpu.memory_space<semaphore_mem>>)
    %add3A_11 = arith.constant 1 : i32
    %add3A_12 = arith.addi %multiple_of3A, %add3A_11 : i32
    %mul3A_13 = arith.constant 10240 : i32
    %mul3A_14 = arith.muli %add3A_12, %mul3A_13 : i32
    %multiple_of3A_15 = tpu.assume_multiple %mul3A_14, 10240 : i32
    %dma_start3A_16 = tpu.memref_slice %arg2[%multiple_of3A_15] : memref<1310720xf32, #tpu.memory_space<hbm>> -> memref<10240xf32, #tpu.memory_space<hbm>>
    %dma_start3A_17 = tpu.memref_slice %arg2[%multiple_of3A_15] : memref<1310720xf32, #tpu.memory_space<hbm>> -> memref<10240xf32, #tpu.memory_space<hbm>>
    tpu.enqueue_dma source(%dma_start3A_17 : memref<10240xf32, #tpu.memory_space<hbm>>) target(%arg8 : memref<10240xf32, #tpu.memory_space<vmem>>) target_semaphore(%arg19 : memref<!tpu.dma_semaphore, #tpu.memory_space<semaphore_mem>>)
    %add3A_18 = arith.constant 2 : i32
    %add3A_19 = arith.addi %multiple_of3A, %add3A_18 : i32
    %mul3A_20 = arith.constant 10240 : i32
    %mul3A_21 = arith.muli %add3A_19, %mul3A_20 : i32
    %multiple_of3A_22 = tpu.assume_multiple %mul3A_21, 10240 : i32
    %dma_start3A_23 = tpu.memref_slice %arg2[%multiple_of3A_22] : memref<1310720xf32, #tpu.memory_space<hbm>> -> memref<10240xf32, #tpu.memory_space<hbm>>
    %dma_start3A_24 = tpu.memref_slice %arg2[%multiple_of3A_22] : memref<1310720xf32, #tpu.memory_space<hbm>> -> memref<10240xf32, #tpu.memory_space<hbm>>
    tpu.enqueue_dma source(%dma_start3A_24 : memref<10240xf32, #tpu.memory_space<hbm>>) target(%arg9 : memref<10240xf32, #tpu.memory_space<vmem>>) target_semaphore(%arg19 : memref<!tpu.dma_semaphore, #tpu.memory_space<semaphore_mem>>)
    %add3A_25 = arith.constant 3 : i32
    %add3A_26 = arith.addi %multiple_of3A, %add3A_25 : i32
    %mul3A_27 = arith.constant 10240 : i32
    %mul3A_28 = arith.muli %add3A_26, %mul3A_27 : i32
    %multiple_of3A_29 = tpu.assume_multiple %mul3A_28, 10240 : i32
    %dma_start3A_30 = tpu.memref_slice %arg2[%multiple_of3A_29] : memref<1310720xf32, #tpu.memory_space<hbm>> -> memref<10240xf32, #tpu.memory_space<hbm>>
    %dma_start3A_31 = tpu.memref_slice %arg2[%multiple_of3A_29] : memref<1310720xf32, #tpu.memory_space<hbm>> -> memref<10240xf32, #tpu.memory_space<hbm>>
    tpu.enqueue_dma source(%dma_start3A_31 : memref<10240xf32, #tpu.memory_space<hbm>>) target(%arg10 : memref<10240xf32, #tpu.memory_space<vmem>>) target_semaphore(%arg19 : memref<!tpu.dma_semaphore, #tpu.memory_space<semaphore_mem>>)
    %add3A_32 = arith.constant 0 : i32
    %add3A_33 = arith.addi %multiple_of3A, %add3A_32 : i32
    %mul3A_34 = arith.constant 10240 : i32
    %mul3A_35 = arith.muli %add3A_33, %mul3A_34 : i32
    %multiple_of3A_36 = tpu.assume_multiple %mul3A_35, 10240 : i32
    %dma_wait3A = tpu.memref_slice %arg2[%multiple_of3A_36] : memref<1310720xf32, #tpu.memory_space<hbm>> -> memref<10240xf32, #tpu.memory_space<hbm>>
    %dma_wait3A_37 = tpu.memref_slice %arg2[%multiple_of3A_36] : memref<1310720xf32, #tpu.memory_space<hbm>> -> memref<10240xf32, #tpu.memory_space<hbm>>
    tpu.wait_dma2 semaphore(%arg19 : memref<!tpu.dma_semaphore, #tpu.memory_space<semaphore_mem>>) src(%dma_wait3A_37 : memref<10240xf32, #tpu.memory_space<hbm>>) dst(%arg7 : memref<10240xf32, #tpu.memory_space<vmem>>)
    %add3A_38 = arith.constant 1 : i32
    %add3A_39 = arith.addi %multiple_of3A, %add3A_38 : i32
    %mul3A_40 = arith.constant 10240 : i32
    %mul3A_41 = arith.muli %add3A_39, %mul3A_40 : i32
    %multiple_of3A_42 = tpu.assume_multiple %mul3A_41, 10240 : i32
    %dma_wait3A_43 = tpu.memref_slice %arg2[%multiple_of3A_42] : memref<1310720xf32, #tpu.memory_space<hbm>> -> memref<10240xf32, #tpu.memory_space<hbm>>
    %dma_wait3A_44 = tpu.memref_slice %arg2[%multiple_of3A_42] : memref<1310720xf32, #tpu.memory_space<hbm>> -> memref<10240xf32, #tpu.memory_space<hbm>>
    tpu.wait_dma2 semaphore(%arg19 : memref<!tpu.dma_semaphore, #tpu.memory_space<semaphore_mem>>) src(%dma_wait3A_44 : memref<10240xf32, #tpu.memory_space<hbm>>) dst(%arg8 : memref<10240xf32, #tpu.memory_space<vmem>>)
    %add3A_45 = arith.constant 2 : i32
    %add3A_46 = arith.addi %multiple_of3A, %add3A_45 : i32
    %mul3A_47 = arith.constant 10240 : i32
    %mul3A_48 = arith.muli %add3A_46, %mul3A_47 : i32
    %multiple_of3A_49 = tpu.assume_multiple %mul3A_48, 10240 : i32
    %dma_wait3A_50 = tpu.memref_slice %arg2[%multiple_of3A_49] : memref<1310720xf32, #tpu.memory_space<hbm>> -> memref<10240xf32, #tpu.memory_space<hbm>>
    %dma_wait3A_51 = tpu.memref_slice %arg2[%multiple_of3A_49] : memref<1310720xf32, #tpu.memory_space<hbm>> -> memref<10240xf32, #tpu.memory_space<hbm>>
    tpu.wait_dma2 semaphore(%arg19 : memref<!tpu.dma_semaphore, #tpu.memory_space<semaphore_mem>>) src(%dma_wait3A_51 : memref<10240xf32, #tpu.memory_space<hbm>>) dst(%arg9 : memref<10240xf32, #tpu.memory_space<vmem>>)
    %add3A_52 = arith.constant 3 : i32
    %add3A_53 = arith.addi %multiple_of3A, %add3A_52 : i32
    %mul3A_54 = arith.constant 10240 : i32
    %mul3A_55 = arith.muli %add3A_53, %mul3A_54 : i32
    %multiple_of3A_56 = tpu.assume_multiple %mul3A_55, 10240 : i32
    %dma_wait3A_57 = tpu.memref_slice %arg2[%multiple_of3A_56] : memref<1310720xf32, #tpu.memory_space<hbm>> -> memref<10240xf32, #tpu.memory_space<hbm>>
    %dma_wait3A_58 = tpu.memref_slice %arg2[%multiple_of3A_56] : memref<1310720xf32, #tpu.memory_space<hbm>> -> memref<10240xf32, #tpu.memory_space<hbm>>
    tpu.wait_dma2 semaphore(%arg19 : memref<!tpu.dma_semaphore, #tpu.memory_space<semaphore_mem>>) src(%dma_wait3A_58 : memref<10240xf32, #tpu.memory_space<hbm>>) dst(%arg10 : memref<10240xf32, #tpu.memory_space<vmem>>)
    %parallel_loop3A = arith.constant 0 : i32
    %parallel_loop3A_59 = arith.constant 10240 : i32
    %parallel_loop3A_60 = arith.constant 16 : i32
    scf.for %parallel_loop3A_242 = %parallel_loop3A to %parallel_loop3A_59 step %parallel_loop3A_60  : i32 {
      %parallel_loop3A_243 = arith.constant 0.000000e+00 : f32
      %parallel_loop3A_244 = vector.broadcast %parallel_loop3A_243 : f32 to vector<16xf32>
      %parallel_loop3A_245 = arith.index_cast %parallel_loop3A_242 : i32 to index
      %parallel_loop3A_246 = tpu.vector_load %arg11[%parallel_loop3A_245] {strides = array<i32>} : memref<10240xf32, #tpu.memory_space<vmem>>, vector<16xf32>,
      tpu.vector_store %arg11[%parallel_loop3A_245], %parallel_loop3A_244 {strides = array<i32>} : memref<10240xf32, #tpu.memory_space<vmem>>, vector<16xf32>,
      %parallel_loop3A_247 = arith.constant 0.000000e+00 : f32
      %parallel_loop3A_248 = vector.broadcast %parallel_loop3A_247 : f32 to vector<16xf32>
      %parallel_loop3A_249 = arith.index_cast %parallel_loop3A_242 : i32 to index
      %parallel_loop3A_250 = tpu.vector_load %arg12[%parallel_loop3A_249] {strides = array<i32>} : memref<10240xf32, #tpu.memory_space<vmem>>, vector<16xf32>,
      tpu.vector_store %arg12[%parallel_loop3A_249], %parallel_loop3A_248 {strides = array<i32>} : memref<10240xf32, #tpu.memory_space<vmem>>, vector<16xf32>,
      %parallel_loop3A_251 = arith.constant 0.000000e+00 : f32
      %parallel_loop3A_252 = vector.broadcast %parallel_loop3A_251 : f32 to vector<16xf32>
      %parallel_loop3A_253 = arith.index_cast %parallel_loop3A_242 : i32 to index
      %parallel_loop3A_254 = tpu.vector_load %arg13[%parallel_loop3A_253] {strides = array<i32>} : memref<10240xf32, #tpu.memory_space<vmem>>, vector<16xf32>,
      tpu.vector_store %arg13[%parallel_loop3A_253], %parallel_loop3A_252 {strides = array<i32>} : memref<10240xf32, #tpu.memory_space<vmem>>, vector<16xf32>,
      %parallel_loop3A_255 = arith.constant 0.000000e+00 : f32
      %parallel_loop3A_256 = vector.broadcast %parallel_loop3A_255 : f32 to vector<16xf32>
      %parallel_loop3A_257 = arith.index_cast %parallel_loop3A_242 : i32 to index
      %parallel_loop3A_258 = tpu.vector_load %arg14[%parallel_loop3A_257] {strides = array<i32>} : memref<10240xf32, #tpu.memory_space<vmem>>, vector<16xf32>,
      tpu.vector_store %arg14[%parallel_loop3A_257], %parallel_loop3A_256 {strides = array<i32>} : memref<10240xf32, #tpu.memory_space<vmem>>, vector<16xf32>,
    } {sc.loop_unroll_factor = 8 : i64, sc.parallel_access}
    %add3A_61 = arith.constant 0 : i32
    %add3A_62 = arith.addi %mul3A_4, %add3A_61 : i32
    %ge3A = arith.constant 40 : i32
    %ge3A_63 = arith.cmpi sge, %add3A_62, %ge3A : i32
    %sub3A = arith.constant 40 : i32
    %sub3A_64 = arith.subi %add3A_62, %sub3A : i32
    %select_n3A = arith.select %ge3A_63, %sub3A_64, %add3A_62 : i32
    %mul3A_65 = arith.constant 8000 : i32
    %mul3A_66 = arith.muli %select_n3A, %mul3A_65 : i32
    %multiple_of3A_67 = tpu.assume_multiple %mul3A_66, 8000 : i32
    %dma_start3A_68 = tpu.memref_slice %arg3[%multiple_of3A_67] : memref<320000xi32, #tpu.memory_space<hbm>> -> memref<8000xi32, #tpu.memory_space<hbm>>
    %dma_start3A_69 = tpu.memref_slice %arg3[%multiple_of3A_67] : memref<320000xi32, #tpu.memory_space<hbm>> -> memref<8000xi32, #tpu.memory_space<hbm>>
    tpu.enqueue_dma source(%dma_start3A_69 : memref<8000xi32, #tpu.memory_space<hbm>>) target(%arg15 : memref<8000xi32, #tpu.memory_space<vmem>>) target_semaphore(%arg19 : memref<!tpu.dma_semaphore, #tpu.memory_space<semaphore_mem>>)
    %dma_start3A_70 = tpu.memref_slice %arg4[%multiple_of3A_67] : memref<320000xf32, #tpu.memory_space<hbm>> -> memref<8000xf32, #tpu.memory_space<hbm>>
    %dma_start3A_71 = tpu.memref_slice %arg4[%multiple_of3A_67] : memref<320000xf32, #tpu.memory_space<hbm>> -> memref<8000xf32, #tpu.memory_space<hbm>>
    tpu.enqueue_dma source(%dma_start3A_71 : memref<8000xf32, #tpu.memory_space<hbm>>) target(%arg17 : memref<8000xf32, #tpu.memory_space<vmem>>) target_semaphore(%arg21 : memref<!tpu.dma_semaphore, #tpu.memory_space<semaphore_mem>>)
    %scan3A = arith.constant 0 : i32
    %scan3A_72 = arith.constant 0 : i32
    %scan3A_73 = arith.constant 20 : i32
    %scan3A_74 = arith.addi %scan3A_72, %scan3A_73 : i32
    %scan3A_75 = arith.constant 1 : i32
    %scan3A_76 = scf.for %scan3A_242 = %scan3A_72 to %scan3A_74 step %scan3A_75 iter_args(%scan3A_243 = %scan3A) -> (i32)  : i32 {
      %mul3A_244 = arith.constant 2 : i32
      %mul3A_245 = arith.muli %mul3A_244, %scan3A_242 : i32
      %add3A_246 = arith.constant 0 : i32
      %add3A_247 = arith.addi %mul3A_245, %add3A_246 : i32
      %add3A_248 = arith.constant 1 : i32
      %add3A_249 = arith.addi %add3A_247, %add3A_248 : i32
      %min3A = arith.constant 39 : i32
      %min3A_250 = arith.minsi %add3A_249, %min3A : i32
      %add3A_251 = arith.addi %mul3A_4, %min3A_250 : i32
      %ge3A_252 = arith.constant 40 : i32
      %ge3A_253 = arith.cmpi sge, %add3A_251, %ge3A_252 : i32
      %sub3A_254 = arith.constant 40 : i32
      %sub3A_255 = arith.subi %add3A_251, %sub3A_254 : i32
      %select_n3A_256 = arith.select %ge3A_253, %sub3A_255, %add3A_251 : i32
      %mul3A_257 = arith.constant 8000 : i32
      %mul3A_258 = arith.muli %select_n3A_256, %mul3A_257 : i32
      %multiple_of3A_259 = tpu.assume_multiple %mul3A_258, 8000 : i32
      %dma_start3A_260 = tpu.memref_slice %arg3[%multiple_of3A_259] : memref<320000xi32, #tpu.memory_space<hbm>> -> memref<8000xi32, #tpu.memory_space<hbm>>
      %dma_start3A_261 = tpu.memref_slice %arg3[%multiple_of3A_259] : memref<320000xi32, #tpu.memory_space<hbm>> -> memref<8000xi32, #tpu.memory_space<hbm>>
      tpu.enqueue_dma source(%dma_start3A_261 : memref<8000xi32, #tpu.memory_space<hbm>>) target(%arg16 : memref<8000xi32, #tpu.memory_space<vmem>>) target_semaphore(%arg20 : memref<!tpu.dma_semaphore, #tpu.memory_space<semaphore_mem>>)
      %dma_start3A_262 = tpu.memref_slice %arg4[%multiple_of3A_259] : memref<320000xf32, #tpu.memory_space<hbm>> -> memref<8000xf32, #tpu.memory_space<hbm>>
      %dma_start3A_263 = tpu.memref_slice %arg4[%multiple_of3A_259] : memref<320000xf32, #tpu.memory_space<hbm>> -> memref<8000xf32, #tpu.memory_space<hbm>>
      tpu.enqueue_dma source(%dma_start3A_263 : memref<8000xf32, #tpu.memory_space<hbm>>) target(%arg18 : memref<8000xf32, #tpu.memory_space<vmem>>) target_semaphore(%arg22 : memref<!tpu.dma_semaphore, #tpu.memory_space<semaphore_mem>>)
      %add3A_264 = arith.addi %mul3A_4, %add3A_247 : i32
      %ge3A_265 = arith.constant 40 : i32
      %ge3A_266 = arith.cmpi sge, %add3A_264, %ge3A_265 : i32
      %sub3A_267 = arith.constant 40 : i32
      %sub3A_268 = arith.subi %add3A_264, %sub3A_267 : i32
      %select_n3A_269 = arith.select %ge3A_266, %sub3A_268, %add3A_264 : i32
      %mul3A_270 = arith.constant 8000 : i32
      %mul3A_271 = arith.muli %select_n3A_269, %mul3A_270 : i32
      %multiple_of3A_272 = tpu.assume_multiple %mul3A_271, 8000 : i32
      %dma_wait3A_273 = tpu.memref_slice %arg3[%multiple_of3A_272] : memref<320000xi32, #tpu.memory_space<hbm>> -> memref<8000xi32, #tpu.memory_space<hbm>>
      %dma_wait3A_274 = tpu.memref_slice %arg3[%multiple_of3A_272] : memref<320000xi32, #tpu.memory_space<hbm>> -> memref<8000xi32, #tpu.memory_space<hbm>>
      tpu.wait_dma2 semaphore(%arg19 : memref<!tpu.dma_semaphore, #tpu.memory_space<semaphore_mem>>) src(%dma_wait3A_274 : memref<8000xi32, #tpu.memory_space<hbm>>) dst(%arg15 : memref<8000xi32, #tpu.memory_space<vmem>>)
      %dma_wait3A_275 = tpu.memref_slice %arg4[%multiple_of3A_272] : memref<320000xf32, #tpu.memory_space<hbm>> -> memref<8000xf32, #tpu.memory_space<hbm>>
      %dma_wait3A_276 = tpu.memref_slice %arg4[%multiple_of3A_272] : memref<320000xf32, #tpu.memory_space<hbm>> -> memref<8000xf32, #tpu.memory_space<hbm>>
      tpu.wait_dma2 semaphore(%arg21 : memref<!tpu.dma_semaphore, #tpu.memory_space<semaphore_mem>>) src(%dma_wait3A_276 : memref<8000xf32, #tpu.memory_space<hbm>>) dst(%arg17 : memref<8000xf32, #tpu.memory_space<vmem>>)
      %parallel_loop3A_277 = arith.constant 0 : i32
      %parallel_loop3A_278 = arith.constant 8000 : i32
      %parallel_loop3A_279 = arith.constant 16 : i32
      scf.for %parallel_loop3A_318 = %parallel_loop3A_277 to %parallel_loop3A_278 step %parallel_loop3A_279  : i32 {
        %parallel_loop3A_319 = arith.index_cast %parallel_loop3A_318 : i32 to index
        %parallel_loop3A_320 = tpu.vector_load %arg15[%parallel_loop3A_319] {strides = array<i32>} : memref<8000xi32, #tpu.memory_space<vmem>>, vector<16xi32>,
        %parallel_loop3A_321 = arith.constant 16383 : i32
        %parallel_loop3A_322 = vector.broadcast %parallel_loop3A_321 : i32 to vector<16xi32>
        %parallel_loop3A_323 = arith.andi %parallel_loop3A_320, %parallel_loop3A_322 : vector<16xi32>
        %parallel_loop3A_324 = arith.constant 14 : i32
        %parallel_loop3A_325 = vector.broadcast %parallel_loop3A_324 : i32 to vector<16xi32>
        %parallel_loop3A_326 = arith.shrui %parallel_loop3A_320, %parallel_loop3A_325 : vector<16xi32>
        %parallel_loop3A_327 = arith.index_cast %parallel_loop3A_318 : i32 to index
        %parallel_loop3A_328 = tpu.vector_load %arg17[%parallel_loop3A_327] {strides = array<i32>} : memref<8000xf32, #tpu.memory_space<vmem>>, vector<16xf32>,
        %parallel_loop3A_329 = tpu.vector_load_idx %arg7[%parallel_loop3A_323] : memref<10240xf32, #tpu.memory_space<vmem>>[vector<16xi32>], vector<16xf32>,
        %parallel_loop3A_330 = arith.mulf %parallel_loop3A_329, %parallel_loop3A_328 : vector<16xf32>
        tpu.vector_store_idx %arg11[%parallel_loop3A_326], %parallel_loop3A_330 {add = true} : memref<10240xf32, #tpu.memory_space<vmem>>[vector<16xi32>], vector<16xf32>,
        %parallel_loop3A_331 = tpu.vector_load_idx %arg8[%parallel_loop3A_323] : memref<10240xf32, #tpu.memory_space<vmem>>[vector<16xi32>], vector<16xf32>,
        %parallel_loop3A_332 = arith.mulf %parallel_loop3A_331, %parallel_loop3A_328 : vector<16xf32>
        tpu.vector_store_idx %arg12[%parallel_loop3A_326], %parallel_loop3A_332 {add = true} : memref<10240xf32, #tpu.memory_space<vmem>>[vector<16xi32>], vector<16xf32>,
        %parallel_loop3A_333 = tpu.vector_load_idx %arg9[%parallel_loop3A_323] : memref<10240xf32, #tpu.memory_space<vmem>>[vector<16xi32>], vector<16xf32>,
        %parallel_loop3A_334 = arith.mulf %parallel_loop3A_333, %parallel_loop3A_328 : vector<16xf32>
        tpu.vector_store_idx %arg13[%parallel_loop3A_326], %parallel_loop3A_334 {add = true} : memref<10240xf32, #tpu.memory_space<vmem>>[vector<16xi32>], vector<16xf32>,
        %parallel_loop3A_335 = tpu.vector_load_idx %arg10[%parallel_loop3A_323] : memref<10240xf32, #tpu.memory_space<vmem>>[vector<16xi32>], vector<16xf32>,
        %parallel_loop3A_336 = arith.mulf %parallel_loop3A_335, %parallel_loop3A_328 : vector<16xf32>
        tpu.vector_store_idx %arg14[%parallel_loop3A_326], %parallel_loop3A_336 {add = true} : memref<10240xf32, #tpu.memory_space<vmem>>[vector<16xi32>], vector<16xf32>,
      } {sc.loop_unroll_factor = 8 : i64, sc.parallel_access}
      %mul3A_280 = arith.constant 2 : i32
      %mul3A_281 = arith.muli %mul3A_280, %scan3A_242 : i32
      %add3A_282 = arith.constant 1 : i32
      %add3A_283 = arith.addi %mul3A_281, %add3A_282 : i32
      %add3A_284 = arith.constant 1 : i32
      %add3A_285 = arith.addi %add3A_283, %add3A_284 : i32
      %min3A_286 = arith.constant 39 : i32
      %min3A_287 = arith.minsi %add3A_285, %min3A_286 : i32
      %add3A_288 = arith.addi %mul3A_4, %min3A_287 : i32
      %ge3A_289 = arith.constant 40 : i32
      %ge3A_290 = arith.cmpi sge, %add3A_288, %ge3A_289 : i32
      %sub3A_291 = arith.constant 40 : i32
      %sub3A_292 = arith.subi %add3A_288, %sub3A_291 : i32
      %select_n3A_293 = arith.select %ge3A_290, %sub3A_292, %add3A_288 : i32
      %mul3A_294 = arith.constant 8000 : i32
      %mul3A_295 = arith.muli %select_n3A_293, %mul3A_294 : i32
      %multiple_of3A_296 = tpu.assume_multiple %mul3A_295, 8000 : i32
      %dma_start3A_297 = tpu.memref_slice %arg3[%multiple_of3A_296] : memref<320000xi32, #tpu.memory_space<hbm>> -> memref<8000xi32, #tpu.memory_space<hbm>>
      %dma_start3A_298 = tpu.memref_slice %arg3[%multiple_of3A_296] : memref<320000xi32, #tpu.memory_space<hbm>> -> memref<8000xi32, #tpu.memory_space<hbm>>
      tpu.enqueue_dma source(%dma_start3A_298 : memref<8000xi32, #tpu.memory_space<hbm>>) target(%arg15 : memref<8000xi32, #tpu.memory_space<vmem>>) target_semaphore(%arg19 : memref<!tpu.dma_semaphore, #tpu.memory_space<semaphore_mem>>)
      %dma_start3A_299 = tpu.memref_slice %arg4[%multiple_of3A_296] : memref<320000xf32, #tpu.memory_space<hbm>> -> memref<8000xf32, #tpu.memory_space<hbm>>
      %dma_start3A_300 = tpu.memref_slice %arg4[%multiple_of3A_296] : memref<320000xf32, #tpu.memory_space<hbm>> -> memref<8000xf32, #tpu.memory_space<hbm>>
      tpu.enqueue_dma source(%dma_start3A_300 : memref<8000xf32, #tpu.memory_space<hbm>>) target(%arg17 : memref<8000xf32, #tpu.memory_space<vmem>>) target_semaphore(%arg21 : memref<!tpu.dma_semaphore, #tpu.memory_space<semaphore_mem>>)
      %add3A_301 = arith.addi %mul3A_4, %add3A_283 : i32
      %ge3A_302 = arith.constant 40 : i32
      %ge3A_303 = arith.cmpi sge, %add3A_301, %ge3A_302 : i32
      %sub3A_304 = arith.constant 40 : i32
      %sub3A_305 = arith.subi %add3A_301, %sub3A_304 : i32
      %select_n3A_306 = arith.select %ge3A_303, %sub3A_305, %add3A_301 : i32
      %mul3A_307 = arith.constant 8000 : i32
      %mul3A_308 = arith.muli %select_n3A_306, %mul3A_307 : i32
      %multiple_of3A_309 = tpu.assume_multiple %mul3A_308, 8000 : i32
      %dma_wait3A_310 = tpu.memref_slice %arg3[%multiple_of3A_309] : memref<320000xi32, #tpu.memory_space<hbm>> -> memref<8000xi32, #tpu.memory_space<hbm>>
      %dma_wait3A_311 = tpu.memref_slice %arg3[%multiple_of3A_309] : memref<320000xi32, #tpu.memory_space<hbm>> -> memref<8000xi32, #tpu.memory_space<hbm>>
      tpu.wait_dma2 semaphore(%arg20 : memref<!tpu.dma_semaphore, #tpu.memory_space<semaphore_mem>>) src(%dma_wait3A_311 : memref<8000xi32, #tpu.memory_space<hbm>>) dst(%arg16 : memref<8000xi32, #tpu.memory_space<vmem>>)
      %dma_wait3A_312 = tpu.memref_slice %arg4[%multiple_of3A_309] : memref<320000xf32, #tpu.memory_space<hbm>> -> memref<8000xf32, #tpu.memory_space<hbm>>
      %dma_wait3A_313 = tpu.memref_slice %arg4[%multiple_of3A_309] : memref<320000xf32, #tpu.memory_space<hbm>> -> memref<8000xf32, #tpu.memory_space<hbm>>
      tpu.wait_dma2 semaphore(%arg22 : memref<!tpu.dma_semaphore, #tpu.memory_space<semaphore_mem>>) src(%dma_wait3A_313 : memref<8000xf32, #tpu.memory_space<hbm>>) dst(%arg18 : memref<8000xf32, #tpu.memory_space<vmem>>)
      %parallel_loop3A_314 = arith.constant 0 : i32
      %parallel_loop3A_315 = arith.constant 8000 : i32
      %parallel_loop3A_316 = arith.constant 16 : i32
      scf.for %parallel_loop3A_318 = %parallel_loop3A_314 to %parallel_loop3A_315 step %parallel_loop3A_316  : i32 {
        %parallel_loop3A_319 = arith.index_cast %parallel_loop3A_318 : i32 to index
        %parallel_loop3A_320 = tpu.vector_load %arg16[%parallel_loop3A_319] {strides = array<i32>} : memref<8000xi32, #tpu.memory_space<vmem>>, vector<16xi32>,
        %parallel_loop3A_321 = arith.constant 16383 : i32
        %parallel_loop3A_322 = vector.broadcast %parallel_loop3A_321 : i32 to vector<16xi32>
        %parallel_loop3A_323 = arith.andi %parallel_loop3A_320, %parallel_loop3A_322 : vector<16xi32>
        %parallel_loop3A_324 = arith.constant 14 : i32
        %parallel_loop3A_325 = vector.broadcast %parallel_loop3A_324 : i32 to vector<16xi32>
        %parallel_loop3A_326 = arith.shrui %parallel_loop3A_320, %parallel_loop3A_325 : vector<16xi32>
        %parallel_loop3A_327 = arith.index_cast %parallel_loop3A_318 : i32 to index
        %parallel_loop3A_328 = tpu.vector_load %arg18[%parallel_loop3A_327] {strides = array<i32>} : memref<8000xf32, #tpu.memory_space<vmem>>, vector<16xf32>,
        %parallel_loop3A_329 = tpu.vector_load_idx %arg7[%parallel_loop3A_323] : memref<10240xf32, #tpu.memory_space<vmem>>[vector<16xi32>], vector<16xf32>,
        %parallel_loop3A_330 = arith.mulf %parallel_loop3A_329, %parallel_loop3A_328 : vector<16xf32>
        tpu.vector_store_idx %arg11[%parallel_loop3A_326], %parallel_loop3A_330 {add = true} : memref<10240xf32, #tpu.memory_space<vmem>>[vector<16xi32>], vector<16xf32>,
        %parallel_loop3A_331 = tpu.vector_load_idx %arg8[%parallel_loop3A_323] : memref<10240xf32, #tpu.memory_space<vmem>>[vector<16xi32>], vector<16xf32>,
        %parallel_loop3A_332 = arith.mulf %parallel_loop3A_331, %parallel_loop3A_328 : vector<16xf32>
        tpu.vector_store_idx %arg12[%parallel_loop3A_326], %parallel_loop3A_332 {add = true} : memref<10240xf32, #tpu.memory_space<vmem>>[vector<16xi32>], vector<16xf32>,
        %parallel_loop3A_333 = tpu.vector_load_idx %arg9[%parallel_loop3A_323] : memref<10240xf32, #tpu.memory_space<vmem>>[vector<16xi32>], vector<16xf32>,
        %parallel_loop3A_334 = arith.mulf %parallel_loop3A_333, %parallel_loop3A_328 : vector<16xf32>
        tpu.vector_store_idx %arg13[%parallel_loop3A_326], %parallel_loop3A_334 {add = true} : memref<10240xf32, #tpu.memory_space<vmem>>[vector<16xi32>], vector<16xf32>,
        %parallel_loop3A_335 = tpu.vector_load_idx %arg10[%parallel_loop3A_323] : memref<10240xf32, #tpu.memory_space<vmem>>[vector<16xi32>], vector<16xf32>,
        %parallel_loop3A_336 = arith.mulf %parallel_loop3A_335, %parallel_loop3A_328 : vector<16xf32>
        tpu.vector_store_idx %arg14[%parallel_loop3A_326], %parallel_loop3A_336 {add = true} : memref<10240xf32, #tpu.memory_space<vmem>>[vector<16xi32>], vector<16xf32>,
      } {sc.loop_unroll_factor = 8 : i64, sc.parallel_access}
      %scan3A_317 = arith.constant 0 : i32
      scf.yield %scan3A_317 : i32
    }
    %scan3A_77 = arith.constant 20 : i32
    %add3A_78 = arith.constant 39 : i32
    %add3A_79 = arith.addi %mul3A_4, %add3A_78 : i32
    %ge3A_80 = arith.constant 40 : i32
    %ge3A_81 = arith.cmpi sge, %add3A_79, %ge3A_80 : i32
    %sub3A_82 = arith.constant 40 : i32
    %sub3A_83 = arith.subi %add3A_79, %sub3A_82 : i32
    %select_n3A_84 = arith.select %ge3A_81, %sub3A_83, %add3A_79 : i32
    %mul3A_85 = arith.constant 8000 : i32
    %mul3A_86 = arith.muli %select_n3A_84, %mul3A_85 : i32
    %multiple_of3A_87 = tpu.assume_multiple %mul3A_86, 8000 : i32
    %dma_wait3A_88 = tpu.memref_slice %arg3[%multiple_of3A_87] : memref<320000xi32, #tpu.memory_space<hbm>> -> memref<8000xi32, #tpu.memory_space<hbm>>
    %dma_wait3A_89 = tpu.memref_slice %arg3[%multiple_of3A_87] : memref<320000xi32, #tpu.memory_space<hbm>> -> memref<8000xi32, #tpu.memory_space<hbm>>
    tpu.wait_dma2 semaphore(%arg19 : memref<!tpu.dma_semaphore, #tpu.memory_space<semaphore_mem>>) src(%dma_wait3A_89 : memref<8000xi32, #tpu.memory_space<hbm>>) dst(%arg15 : memref<8000xi32, #tpu.memory_space<vmem>>)
    %dma_wait3A_90 = tpu.memref_slice %arg4[%multiple_of3A_87] : memref<320000xf32, #tpu.memory_space<hbm>> -> memref<8000xf32, #tpu.memory_space<hbm>>
    %dma_wait3A_91 = tpu.memref_slice %arg4[%multiple_of3A_87] : memref<320000xf32, #tpu.memory_space<hbm>> -> memref<8000xf32, #tpu.memory_space<hbm>>
    tpu.wait_dma2 semaphore(%arg21 : memref<!tpu.dma_semaphore, #tpu.memory_space<semaphore_mem>>) src(%dma_wait3A_91 : memref<8000xf32, #tpu.memory_space<hbm>>) dst(%arg17 : memref<8000xf32, #tpu.memory_space<vmem>>)
    %add3A_92 = arith.constant 0 : i32
    %add3A_93 = arith.addi %multiple_of3A, %add3A_92 : i32
    %mul3A_94 = arith.constant 10240 : i32
    %mul3A_95 = arith.muli %add3A_93, %mul3A_94 : i32
    %multiple_of3A_96 = tpu.assume_multiple %mul3A_95, 10240 : i32
    %dma_start3A_97 = tpu.memref_slice %arg5[%multiple_of3A_96] : memref<1310720xf32, #tpu.memory_space<hbm>> -> memref<10240xf32, #tpu.memory_space<hbm>>
    %dma_start3A_98 = tpu.memref_slice %arg5[%multiple_of3A_96] : memref<1310720xf32, #tpu.memory_space<hbm>> -> memref<10240xf32, #tpu.memory_space<hbm>>
    tpu.enqueue_dma source(%arg11 : memref<10240xf32, #tpu.memory_space<vmem>>) target(%dma_start3A_98 : memref<10240xf32, #tpu.memory_space<hbm>>) target_semaphore(%arg19 : memref<!tpu.dma_semaphore, #tpu.memory_space<semaphore_mem>>)
    %add3A_99 = arith.constant 1 : i32
    %add3A_100 = arith.addi %multiple_of3A, %add3A_99 : i32
    %mul3A_101 = arith.constant 10240 : i32
    %mul3A_102 = arith.muli %add3A_100, %mul3A_101 : i32
    %multiple_of3A_103 = tpu.assume_multiple %mul3A_102, 10240 : i32
    %dma_start3A_104 = tpu.memref_slice %arg5[%multiple_of3A_103] : memref<1310720xf32, #tpu.memory_space<hbm>> -> memref<10240xf32, #tpu.memory_space<hbm>>
    %dma_start3A_105 = tpu.memref_slice %arg5[%multiple_of3A_103] : memref<1310720xf32, #tpu.memory_space<hbm>> -> memref<10240xf32, #tpu.memory_space<hbm>>
    tpu.enqueue_dma source(%arg12 : memref<10240xf32, #tpu.memory_space<vmem>>) target(%dma_start3A_105 : memref<10240xf32, #tpu.memory_space<hbm>>) target_semaphore(%arg19 : memref<!tpu.dma_semaphore, #tpu.memory_space<semaphore_mem>>)
    %add3A_106 = arith.constant 2 : i32
    %add3A_107 = arith.addi %multiple_of3A, %add3A_106 : i32
    %mul3A_108 = arith.constant 10240 : i32
    %mul3A_109 = arith.muli %add3A_107, %mul3A_108 : i32
    %multiple_of3A_110 = tpu.assume_multiple %mul3A_109, 10240 : i32
    %dma_start3A_111 = tpu.memref_slice %arg5[%multiple_of3A_110] : memref<1310720xf32, #tpu.memory_space<hbm>> -> memref<10240xf32, #tpu.memory_space<hbm>>
    %dma_start3A_112 = tpu.memref_slice %arg5[%multiple_of3A_110] : memref<1310720xf32, #tpu.memory_space<hbm>> -> memref<10240xf32, #tpu.memory_space<hbm>>
    tpu.enqueue_dma source(%arg13 : memref<10240xf32, #tpu.memory_space<vmem>>) target(%dma_start3A_112 : memref<10240xf32, #tpu.memory_space<hbm>>) target_semaphore(%arg19 : memref<!tpu.dma_semaphore, #tpu.memory_space<semaphore_mem>>)
    %add3A_113 = arith.constant 3 : i32
    %add3A_114 = arith.addi %multiple_of3A, %add3A_113 : i32
    %mul3A_115 = arith.constant 10240 : i32
    %mul3A_116 = arith.muli %add3A_114, %mul3A_115 : i32
    %multiple_of3A_117 = tpu.assume_multiple %mul3A_116, 10240 : i32
    %dma_start3A_118 = tpu.memref_slice %arg5[%multiple_of3A_117] : memref<1310720xf32, #tpu.memory_space<hbm>> -> memref<10240xf32, #tpu.memory_space<hbm>>
    %dma_start3A_119 = tpu.memref_slice %arg5[%multiple_of3A_117] : memref<1310720xf32, #tpu.memory_space<hbm>> -> memref<10240xf32, #tpu.memory_space<hbm>>
    tpu.enqueue_dma source(%arg14 : memref<10240xf32, #tpu.memory_space<vmem>>) target(%dma_start3A_119 : memref<10240xf32, #tpu.memory_space<hbm>>) target_semaphore(%arg19 : memref<!tpu.dma_semaphore, #tpu.memory_space<semaphore_mem>>)
    %add3A_120 = arith.constant 0 : i32
    %add3A_121 = arith.addi %multiple_of3A, %add3A_120 : i32
    %mul3A_122 = arith.constant 10240 : i32
    %mul3A_123 = arith.muli %add3A_121, %mul3A_122 : i32
    %multiple_of3A_124 = tpu.assume_multiple %mul3A_123, 10240 : i32
    %dma_wait3A_125 = tpu.memref_slice %arg5[%multiple_of3A_124] : memref<1310720xf32, #tpu.memory_space<hbm>> -> memref<10240xf32, #tpu.memory_space<hbm>>
    %dma_wait3A_126 = tpu.memref_slice %arg5[%multiple_of3A_124] : memref<1310720xf32, #tpu.memory_space<hbm>> -> memref<10240xf32, #tpu.memory_space<hbm>>
    tpu.wait_dma2 semaphore(%arg19 : memref<!tpu.dma_semaphore, #tpu.memory_space<semaphore_mem>>) src(%arg11 : memref<10240xf32, #tpu.memory_space<vmem>>) dst(%dma_wait3A_126 : memref<10240xf32, #tpu.memory_space<hbm>>)
    %add3A_127 = arith.constant 1 : i32
    %add3A_128 = arith.addi %multiple_of3A, %add3A_127 : i32
    %mul3A_129 = arith.constant 10240 : i32
    %mul3A_130 = arith.muli %add3A_128, %mul3A_129 : i32
    %multiple_of3A_131 = tpu.assume_multiple %mul3A_130, 10240 : i32
    %dma_wait3A_132 = tpu.memref_slice %arg5[%multiple_of3A_131] : memref<1310720xf32, #tpu.memory_space<hbm>> -> memref<10240xf32, #tpu.memory_space<hbm>>
    %dma_wait3A_133 = tpu.memref_slice %arg5[%multiple_of3A_131] : memref<1310720xf32, #tpu.memory_space<hbm>> -> memref<10240xf32, #tpu.memory_space<hbm>>
    tpu.wait_dma2 semaphore(%arg19 : memref<!tpu.dma_semaphore, #tpu.memory_space<semaphore_mem>>) src(%arg12 : memref<10240xf32, #tpu.memory_space<vmem>>) dst(%dma_wait3A_133 : memref<10240xf32, #tpu.memory_space<hbm>>)
    %add3A_134 = arith.constant 2 : i32
    %add3A_135 = arith.addi %multiple_of3A, %add3A_134 : i32
    %mul3A_136 = arith.constant 10240 : i32
    %mul3A_137 = arith.muli %add3A_135, %mul3A_136 : i32
    %multiple_of3A_138 = tpu.assume_multiple %mul3A_137, 10240 : i32
    %dma_wait3A_139 = tpu.memref_slice %arg5[%multiple_of3A_138] : memref<1310720xf32, #tpu.memory_space<hbm>> -> memref<10240xf32, #tpu.memory_space<hbm>>
    %dma_wait3A_140 = tpu.memref_slice %arg5[%multiple_of3A_138] : memref<1310720xf32, #tpu.memory_space<hbm>> -> memref<10240xf32, #tpu.memory_space<hbm>>
    tpu.wait_dma2 semaphore(%arg19 : memref<!tpu.dma_semaphore, #tpu.memory_space<semaphore_mem>>) src(%arg13 : memref<10240xf32, #tpu.memory_space<vmem>>) dst(%dma_wait3A_140 : memref<10240xf32, #tpu.memory_space<hbm>>)
    %add3A_141 = arith.constant 3 : i32
    %add3A_142 = arith.addi %multiple_of3A, %add3A_141 : i32
    %mul3A_143 = arith.constant 10240 : i32
    %mul3A_144 = arith.muli %add3A_142, %mul3A_143 : i32
    %multiple_of3A_145 = tpu.assume_multiple %mul3A_144, 10240 : i32
    %dma_wait3A_146 = tpu.memref_slice %arg5[%multiple_of3A_145] : memref<1310720xf32, #tpu.memory_space<hbm>> -> memref<10240xf32, #tpu.memory_space<hbm>>
    %dma_wait3A_147 = tpu.memref_slice %arg5[%multiple_of3A_145] : memref<1310720xf32, #tpu.memory_space<hbm>> -> memref<10240xf32, #tpu.memory_space<hbm>>
    tpu.wait_dma2 semaphore(%arg19 : memref<!tpu.dma_semaphore, #tpu.memory_space<semaphore_mem>>) src(%arg14 : memref<10240xf32, #tpu.memory_space<vmem>>) dst(%dma_wait3A_147 : memref<10240xf32, #tpu.memory_space<hbm>>)
    %parallel_loop3A_148 = arith.constant 0 : i32
    %parallel_loop3A_149 = arith.constant 10240 : i32
    %parallel_loop3A_150 = arith.constant 16 : i32
    scf.for %parallel_loop3A_242 = %parallel_loop3A_148 to %parallel_loop3A_149 step %parallel_loop3A_150  : i32 {
      %parallel_loop3A_243 = arith.constant 0.000000e+00 : f32
      %parallel_loop3A_244 = vector.broadcast %parallel_loop3A_243 : f32 to vector<16xf32>
      %parallel_loop3A_245 = arith.index_cast %parallel_loop3A_242 : i32 to index
      %parallel_loop3A_246 = tpu.vector_load %arg7[%parallel_loop3A_245] {strides = array<i32>} : memref<10240xf32, #tpu.memory_space<vmem>>, vector<16xf32>,
      tpu.vector_store %arg7[%parallel_loop3A_245], %parallel_loop3A_244 {strides = array<i32>} : memref<10240xf32, #tpu.memory_space<vmem>>, vector<16xf32>,
      %parallel_loop3A_247 = arith.constant 0.000000e+00 : f32
      %parallel_loop3A_248 = vector.broadcast %parallel_loop3A_247 : f32 to vector<16xf32>
      %parallel_loop3A_249 = arith.index_cast %parallel_loop3A_242 : i32 to index
      %parallel_loop3A_250 = tpu.vector_load %arg8[%parallel_loop3A_249] {strides = array<i32>} : memref<10240xf32, #tpu.memory_space<vmem>>, vector<16xf32>,
      tpu.vector_store %arg8[%parallel_loop3A_249], %parallel_loop3A_248 {strides = array<i32>} : memref<10240xf32, #tpu.memory_space<vmem>>, vector<16xf32>,
      %parallel_loop3A_251 = arith.constant 0.000000e+00 : f32
      %parallel_loop3A_252 = vector.broadcast %parallel_loop3A_251 : f32 to vector<16xf32>
      %parallel_loop3A_253 = arith.index_cast %parallel_loop3A_242 : i32 to index
      %parallel_loop3A_254 = tpu.vector_load %arg9[%parallel_loop3A_253] {strides = array<i32>} : memref<10240xf32, #tpu.memory_space<vmem>>, vector<16xf32>,
      tpu.vector_store %arg9[%parallel_loop3A_253], %parallel_loop3A_252 {strides = array<i32>} : memref<10240xf32, #tpu.memory_space<vmem>>, vector<16xf32>,
      %parallel_loop3A_255 = arith.constant 0.000000e+00 : f32
      %parallel_loop3A_256 = vector.broadcast %parallel_loop3A_255 : f32 to vector<16xf32>
      %parallel_loop3A_257 = arith.index_cast %parallel_loop3A_242 : i32 to index
      %parallel_loop3A_258 = tpu.vector_load %arg10[%parallel_loop3A_257] {strides = array<i32>} : memref<10240xf32, #tpu.memory_space<vmem>>, vector<16xf32>,
      tpu.vector_store %arg10[%parallel_loop3A_257], %parallel_loop3A_256 {strides = array<i32>} : memref<10240xf32, #tpu.memory_space<vmem>>, vector<16xf32>,
    } {sc.loop_unroll_factor = 8 : i64, sc.parallel_access}
    %add3A_151 = arith.constant 0 : i32
    %add3A_152 = arith.addi %mul3A_4, %add3A_151 : i32
    %ge3A_153 = arith.constant 40 : i32
    %ge3A_154 = arith.cmpi sge, %add3A_152, %ge3A_153 : i32
    %sub3A_155 = arith.constant 40 : i32
    %sub3A_156 = arith.subi %add3A_152, %sub3A_155 : i32
    %select_n3A_157 = arith.select %ge3A_154, %sub3A_156, %add3A_152 : i32
    %mul3A_158 = arith.constant 8000 : i32
    %mul3A_159 = arith.muli %select_n3A_157, %mul3A_158 : i32
    %multiple_of3A_160 = tpu.assume_multiple %mul3A_159, 8000 : i32
    %dma_start3A_161 = tpu.memref_slice %arg3[%multiple_of3A_160] : memref<320000xi32, #tpu.memory_space<hbm>> -> memref<8000xi32, #tpu.memory_space<hbm>>
    %dma_start3A_162 = tpu.memref_slice %arg3[%multiple_of3A_160] : memref<320000xi32, #tpu.memory_space<hbm>> -> memref<8000xi32, #tpu.memory_space<hbm>>
    tpu.enqueue_dma source(%dma_start3A_162 : memref<8000xi32, #tpu.memory_space<hbm>>) target(%arg15 : memref<8000xi32, #tpu.memory_space<vmem>>) target_semaphore(%arg19 : memref<!tpu.dma_semaphore, #tpu.memory_space<semaphore_mem>>)
    %dma_start3A_163 = tpu.memref_slice %arg4[%multiple_of3A_160] : memref<320000xf32, #tpu.memory_space<hbm>> -> memref<8000xf32, #tpu.memory_space<hbm>>
    %dma_start3A_164 = tpu.memref_slice %arg4[%multiple_of3A_160] : memref<320000xf32, #tpu.memory_space<hbm>> -> memref<8000xf32, #tpu.memory_space<hbm>>
    tpu.enqueue_dma source(%dma_start3A_164 : memref<8000xf32, #tpu.memory_space<hbm>>) target(%arg17 : memref<8000xf32, #tpu.memory_space<vmem>>) target_semaphore(%arg21 : memref<!tpu.dma_semaphore, #tpu.memory_space<semaphore_mem>>)
    %scan3A_165 = arith.constant 0 : i32
    %scan3A_166 = arith.constant 0 : i32
    %scan3A_167 = arith.constant 20 : i32
    %scan3A_168 = arith.addi %scan3A_166, %scan3A_167 : i32
    %scan3A_169 = arith.constant 1 : i32
    %scan3A_170 = scf.for %scan3A_242 = %scan3A_166 to %scan3A_168 step %scan3A_169 iter_args(%scan3A_243 = %scan3A_165) -> (i32)  : i32 {
      %mul3A_244 = arith.constant 2 : i32
      %mul3A_245 = arith.muli %mul3A_244, %scan3A_242 : i32
      %add3A_246 = arith.constant 0 : i32
      %add3A_247 = arith.addi %mul3A_245, %add3A_246 : i32
      %add3A_248 = arith.constant 1 : i32
      %add3A_249 = arith.addi %add3A_247, %add3A_248 : i32
      %min3A = arith.constant 39 : i32
      %min3A_250 = arith.minsi %add3A_249, %min3A : i32
      %add3A_251 = arith.addi %mul3A_4, %min3A_250 : i32
      %ge3A_252 = arith.constant 40 : i32
      %ge3A_253 = arith.cmpi sge, %add3A_251, %ge3A_252 : i32
      %sub3A_254 = arith.constant 40 : i32
      %sub3A_255 = arith.subi %add3A_251, %sub3A_254 : i32
      %select_n3A_256 = arith.select %ge3A_253, %sub3A_255, %add3A_251 : i32
      %mul3A_257 = arith.constant 8000 : i32
      %mul3A_258 = arith.muli %select_n3A_256, %mul3A_257 : i32
      %multiple_of3A_259 = tpu.assume_multiple %mul3A_258, 8000 : i32
      %dma_start3A_260 = tpu.memref_slice %arg3[%multiple_of3A_259] : memref<320000xi32, #tpu.memory_space<hbm>> -> memref<8000xi32, #tpu.memory_space<hbm>>
      %dma_start3A_261 = tpu.memref_slice %arg3[%multiple_of3A_259] : memref<320000xi32, #tpu.memory_space<hbm>> -> memref<8000xi32, #tpu.memory_space<hbm>>
      tpu.enqueue_dma source(%dma_start3A_261 : memref<8000xi32, #tpu.memory_space<hbm>>) target(%arg16 : memref<8000xi32, #tpu.memory_space<vmem>>) target_semaphore(%arg20 : memref<!tpu.dma_semaphore, #tpu.memory_space<semaphore_mem>>)
      %dma_start3A_262 = tpu.memref_slice %arg4[%multiple_of3A_259] : memref<320000xf32, #tpu.memory_space<hbm>> -> memref<8000xf32, #tpu.memory_space<hbm>>
      %dma_start3A_263 = tpu.memref_slice %arg4[%multiple_of3A_259] : memref<320000xf32, #tpu.memory_space<hbm>> -> memref<8000xf32, #tpu.memory_space<hbm>>
      tpu.enqueue_dma source(%dma_start3A_263 : memref<8000xf32, #tpu.memory_space<hbm>>) target(%arg18 : memref<8000xf32, #tpu.memory_space<vmem>>) target_semaphore(%arg22 : memref<!tpu.dma_semaphore, #tpu.memory_space<semaphore_mem>>)
      %add3A_264 = arith.addi %mul3A_4, %add3A_247 : i32
      %ge3A_265 = arith.constant 40 : i32
      %ge3A_266 = arith.cmpi sge, %add3A_264, %ge3A_265 : i32
      %sub3A_267 = arith.constant 40 : i32
      %sub3A_268 = arith.subi %add3A_264, %sub3A_267 : i32
      %select_n3A_269 = arith.select %ge3A_266, %sub3A_268, %add3A_264 : i32
      %mul3A_270 = arith.constant 8000 : i32
      %mul3A_271 = arith.muli %select_n3A_269, %mul3A_270 : i32
      %multiple_of3A_272 = tpu.assume_multiple %mul3A_271, 8000 : i32
      %dma_wait3A_273 = tpu.memref_slice %arg3[%multiple_of3A_272] : memref<320000xi32, #tpu.memory_space<hbm>> -> memref<8000xi32, #tpu.memory_space<hbm>>
      %dma_wait3A_274 = tpu.memref_slice %arg3[%multiple_of3A_272] : memref<320000xi32, #tpu.memory_space<hbm>> -> memref<8000xi32, #tpu.memory_space<hbm>>
      tpu.wait_dma2 semaphore(%arg19 : memref<!tpu.dma_semaphore, #tpu.memory_space<semaphore_mem>>) src(%dma_wait3A_274 : memref<8000xi32, #tpu.memory_space<hbm>>) dst(%arg15 : memref<8000xi32, #tpu.memory_space<vmem>>)
      %dma_wait3A_275 = tpu.memref_slice %arg4[%multiple_of3A_272] : memref<320000xf32, #tpu.memory_space<hbm>> -> memref<8000xf32, #tpu.memory_space<hbm>>
      %dma_wait3A_276 = tpu.memref_slice %arg4[%multiple_of3A_272] : memref<320000xf32, #tpu.memory_space<hbm>> -> memref<8000xf32, #tpu.memory_space<hbm>>
      tpu.wait_dma2 semaphore(%arg21 : memref<!tpu.dma_semaphore, #tpu.memory_space<semaphore_mem>>) src(%dma_wait3A_276 : memref<8000xf32, #tpu.memory_space<hbm>>) dst(%arg17 : memref<8000xf32, #tpu.memory_space<vmem>>)
      %parallel_loop3A_277 = arith.constant 0 : i32
      %parallel_loop3A_278 = arith.constant 8000 : i32
      %parallel_loop3A_279 = arith.constant 16 : i32
      scf.for %parallel_loop3A_318 = %parallel_loop3A_277 to %parallel_loop3A_278 step %parallel_loop3A_279  : i32 {
        %parallel_loop3A_319 = arith.index_cast %parallel_loop3A_318 : i32 to index
        %parallel_loop3A_320 = tpu.vector_load %arg15[%parallel_loop3A_319] {strides = array<i32>} : memref<8000xi32, #tpu.memory_space<vmem>>, vector<16xi32>,
        %parallel_loop3A_321 = arith.constant 16383 : i32
        %parallel_loop3A_322 = vector.broadcast %parallel_loop3A_321 : i32 to vector<16xi32>
        %parallel_loop3A_323 = arith.andi %parallel_loop3A_320, %parallel_loop3A_322 : vector<16xi32>
        %parallel_loop3A_324 = arith.constant 14 : i32
        %parallel_loop3A_325 = vector.broadcast %parallel_loop3A_324 : i32 to vector<16xi32>
        %parallel_loop3A_326 = arith.shrui %parallel_loop3A_320, %parallel_loop3A_325 : vector<16xi32>
        %parallel_loop3A_327 = arith.index_cast %parallel_loop3A_318 : i32 to index
        %parallel_loop3A_328 = tpu.vector_load %arg17[%parallel_loop3A_327] {strides = array<i32>} : memref<8000xf32, #tpu.memory_space<vmem>>, vector<16xf32>,
        %parallel_loop3A_329 = tpu.vector_load_idx %arg11[%parallel_loop3A_323] : memref<10240xf32, #tpu.memory_space<vmem>>[vector<16xi32>], vector<16xf32>,
        %parallel_loop3A_330 = arith.mulf %parallel_loop3A_329, %parallel_loop3A_328 : vector<16xf32>
        tpu.vector_store_idx %arg7[%parallel_loop3A_326], %parallel_loop3A_330 {add = true} : memref<10240xf32, #tpu.memory_space<vmem>>[vector<16xi32>], vector<16xf32>,
        %parallel_loop3A_331 = tpu.vector_load_idx %arg12[%parallel_loop3A_323] : memref<10240xf32, #tpu.memory_space<vmem>>[vector<16xi32>], vector<16xf32>,
        %parallel_loop3A_332 = arith.mulf %parallel_loop3A_331, %parallel_loop3A_328 : vector<16xf32>
        tpu.vector_store_idx %arg8[%parallel_loop3A_326], %parallel_loop3A_332 {add = true} : memref<10240xf32, #tpu.memory_space<vmem>>[vector<16xi32>], vector<16xf32>,
        %parallel_loop3A_333 = tpu.vector_load_idx %arg13[%parallel_loop3A_323] : memref<10240xf32, #tpu.memory_space<vmem>>[vector<16xi32>], vector<16xf32>,
        %parallel_loop3A_334 = arith.mulf %parallel_loop3A_333, %parallel_loop3A_328 : vector<16xf32>
        tpu.vector_store_idx %arg9[%parallel_loop3A_326], %parallel_loop3A_334 {add = true} : memref<10240xf32, #tpu.memory_space<vmem>>[vector<16xi32>], vector<16xf32>,
        %parallel_loop3A_335 = tpu.vector_load_idx %arg14[%parallel_loop3A_323] : memref<10240xf32, #tpu.memory_space<vmem>>[vector<16xi32>], vector<16xf32>,
        %parallel_loop3A_336 = arith.mulf %parallel_loop3A_335, %parallel_loop3A_328 : vector<16xf32>
        tpu.vector_store_idx %arg10[%parallel_loop3A_326], %parallel_loop3A_336 {add = true} : memref<10240xf32, #tpu.memory_space<vmem>>[vector<16xi32>], vector<16xf32>,
      } {sc.loop_unroll_factor = 8 : i64, sc.parallel_access}
      %mul3A_280 = arith.constant 2 : i32
      %mul3A_281 = arith.muli %mul3A_280, %scan3A_242 : i32
      %add3A_282 = arith.constant 1 : i32
      %add3A_283 = arith.addi %mul3A_281, %add3A_282 : i32
      %add3A_284 = arith.constant 1 : i32
      %add3A_285 = arith.addi %add3A_283, %add3A_284 : i32
      %min3A_286 = arith.constant 39 : i32
      %min3A_287 = arith.minsi %add3A_285, %min3A_286 : i32
      %add3A_288 = arith.addi %mul3A_4, %min3A_287 : i32
      %ge3A_289 = arith.constant 40 : i32
      %ge3A_290 = arith.cmpi sge, %add3A_288, %ge3A_289 : i32
      %sub3A_291 = arith.constant 40 : i32
      %sub3A_292 = arith.subi %add3A_288, %sub3A_291 : i32
      %select_n3A_293 = arith.select %ge3A_290, %sub3A_292, %add3A_288 : i32
      %mul3A_294 = arith.constant 8000 : i32
      %mul3A_295 = arith.muli %select_n3A_293, %mul3A_294 : i32
      %multiple_of3A_296 = tpu.assume_multiple %mul3A_295, 8000 : i32
      %dma_start3A_297 = tpu.memref_slice %arg3[%multiple_of3A_296] : memref<320000xi32, #tpu.memory_space<hbm>> -> memref<8000xi32, #tpu.memory_space<hbm>>
      %dma_start3A_298 = tpu.memref_slice %arg3[%multiple_of3A_296] : memref<320000xi32, #tpu.memory_space<hbm>> -> memref<8000xi32, #tpu.memory_space<hbm>>
      tpu.enqueue_dma source(%dma_start3A_298 : memref<8000xi32, #tpu.memory_space<hbm>>) target(%arg15 : memref<8000xi32, #tpu.memory_space<vmem>>) target_semaphore(%arg19 : memref<!tpu.dma_semaphore, #tpu.memory_space<semaphore_mem>>)
      %dma_start3A_299 = tpu.memref_slice %arg4[%multiple_of3A_296] : memref<320000xf32, #tpu.memory_space<hbm>> -> memref<8000xf32, #tpu.memory_space<hbm>>
      %dma_start3A_300 = tpu.memref_slice %arg4[%multiple_of3A_296] : memref<320000xf32, #tpu.memory_space<hbm>> -> memref<8000xf32, #tpu.memory_space<hbm>>
      tpu.enqueue_dma source(%dma_start3A_300 : memref<8000xf32, #tpu.memory_space<hbm>>) target(%arg17 : memref<8000xf32, #tpu.memory_space<vmem>>) target_semaphore(%arg21 : memref<!tpu.dma_semaphore, #tpu.memory_space<semaphore_mem>>)
      %add3A_301 = arith.addi %mul3A_4, %add3A_283 : i32
      %ge3A_302 = arith.constant 40 : i32
      %ge3A_303 = arith.cmpi sge, %add3A_301, %ge3A_302 : i32
      %sub3A_304 = arith.constant 40 : i32
      %sub3A_305 = arith.subi %add3A_301, %sub3A_304 : i32
      %select_n3A_306 = arith.select %ge3A_303, %sub3A_305, %add3A_301 : i32
      %mul3A_307 = arith.constant 8000 : i32
      %mul3A_308 = arith.muli %select_n3A_306, %mul3A_307 : i32
      %multiple_of3A_309 = tpu.assume_multiple %mul3A_308, 8000 : i32
      %dma_wait3A_310 = tpu.memref_slice %arg3[%multiple_of3A_309] : memref<320000xi32, #tpu.memory_space<hbm>> -> memref<8000xi32, #tpu.memory_space<hbm>>
      %dma_wait3A_311 = tpu.memref_slice %arg3[%multiple_of3A_309] : memref<320000xi32, #tpu.memory_space<hbm>> -> memref<8000xi32, #tpu.memory_space<hbm>>
      tpu.wait_dma2 semaphore(%arg20 : memref<!tpu.dma_semaphore, #tpu.memory_space<semaphore_mem>>) src(%dma_wait3A_311 : memref<8000xi32, #tpu.memory_space<hbm>>) dst(%arg16 : memref<8000xi32, #tpu.memory_space<vmem>>)
      %dma_wait3A_312 = tpu.memref_slice %arg4[%multiple_of3A_309] : memref<320000xf32, #tpu.memory_space<hbm>> -> memref<8000xf32, #tpu.memory_space<hbm>>
      %dma_wait3A_313 = tpu.memref_slice %arg4[%multiple_of3A_309] : memref<320000xf32, #tpu.memory_space<hbm>> -> memref<8000xf32, #tpu.memory_space<hbm>>
      tpu.wait_dma2 semaphore(%arg22 : memref<!tpu.dma_semaphore, #tpu.memory_space<semaphore_mem>>) src(%dma_wait3A_313 : memref<8000xf32, #tpu.memory_space<hbm>>) dst(%arg18 : memref<8000xf32, #tpu.memory_space<vmem>>)
      %parallel_loop3A_314 = arith.constant 0 : i32
      %parallel_loop3A_315 = arith.constant 8000 : i32
      %parallel_loop3A_316 = arith.constant 16 : i32
      scf.for %parallel_loop3A_318 = %parallel_loop3A_314 to %parallel_loop3A_315 step %parallel_loop3A_316  : i32 {
        %parallel_loop3A_319 = arith.index_cast %parallel_loop3A_318 : i32 to index
        %parallel_loop3A_320 = tpu.vector_load %arg16[%parallel_loop3A_319] {strides = array<i32>} : memref<8000xi32, #tpu.memory_space<vmem>>, vector<16xi32>,
        %parallel_loop3A_321 = arith.constant 16383 : i32
        %parallel_loop3A_322 = vector.broadcast %parallel_loop3A_321 : i32 to vector<16xi32>
        %parallel_loop3A_323 = arith.andi %parallel_loop3A_320, %parallel_loop3A_322 : vector<16xi32>
        %parallel_loop3A_324 = arith.constant 14 : i32
        %parallel_loop3A_325 = vector.broadcast %parallel_loop3A_324 : i32 to vector<16xi32>
        %parallel_loop3A_326 = arith.shrui %parallel_loop3A_320, %parallel_loop3A_325 : vector<16xi32>
        %parallel_loop3A_327 = arith.index_cast %parallel_loop3A_318 : i32 to index
        %parallel_loop3A_328 = tpu.vector_load %arg18[%parallel_loop3A_327] {strides = array<i32>} : memref<8000xf32, #tpu.memory_space<vmem>>, vector<16xf32>,
        %parallel_loop3A_329 = tpu.vector_load_idx %arg11[%parallel_loop3A_323] : memref<10240xf32, #tpu.memory_space<vmem>>[vector<16xi32>], vector<16xf32>,
        %parallel_loop3A_330 = arith.mulf %parallel_loop3A_329, %parallel_loop3A_328 : vector<16xf32>
        tpu.vector_store_idx %arg7[%parallel_loop3A_326], %parallel_loop3A_330 {add = true} : memref<10240xf32, #tpu.memory_space<vmem>>[vector<16xi32>], vector<16xf32>,
        %parallel_loop3A_331 = tpu.vector_load_idx %arg12[%parallel_loop3A_323] : memref<10240xf32, #tpu.memory_space<vmem>>[vector<16xi32>], vector<16xf32>,
        %parallel_loop3A_332 = arith.mulf %parallel_loop3A_331, %parallel_loop3A_328 : vector<16xf32>
        tpu.vector_store_idx %arg8[%parallel_loop3A_326], %parallel_loop3A_332 {add = true} : memref<10240xf32, #tpu.memory_space<vmem>>[vector<16xi32>], vector<16xf32>,
        %parallel_loop3A_333 = tpu.vector_load_idx %arg13[%parallel_loop3A_323] : memref<10240xf32, #tpu.memory_space<vmem>>[vector<16xi32>], vector<16xf32>,
        %parallel_loop3A_334 = arith.mulf %parallel_loop3A_333, %parallel_loop3A_328 : vector<16xf32>
        tpu.vector_store_idx %arg9[%parallel_loop3A_326], %parallel_loop3A_334 {add = true} : memref<10240xf32, #tpu.memory_space<vmem>>[vector<16xi32>], vector<16xf32>,
        %parallel_loop3A_335 = tpu.vector_load_idx %arg14[%parallel_loop3A_323] : memref<10240xf32, #tpu.memory_space<vmem>>[vector<16xi32>], vector<16xf32>,
        %parallel_loop3A_336 = arith.mulf %parallel_loop3A_335, %parallel_loop3A_328 : vector<16xf32>
        tpu.vector_store_idx %arg10[%parallel_loop3A_326], %parallel_loop3A_336 {add = true} : memref<10240xf32, #tpu.memory_space<vmem>>[vector<16xi32>], vector<16xf32>,
      } {sc.loop_unroll_factor = 8 : i64, sc.parallel_access}
      %scan3A_317 = arith.constant 0 : i32
      scf.yield %scan3A_317 : i32
    }
    %scan3A_171 = arith.constant 20 : i32
    %add3A_172 = arith.constant 39 : i32
    %add3A_173 = arith.addi %mul3A_4, %add3A_172 : i32
    %ge3A_174 = arith.constant 40 : i32
    %ge3A_175 = arith.cmpi sge, %add3A_173, %ge3A_174 : i32
    %sub3A_176 = arith.constant 40 : i32
    %sub3A_177 = arith.subi %add3A_173, %sub3A_176 : i32
    %select_n3A_178 = arith.select %ge3A_175, %sub3A_177, %add3A_173 : i32
    %mul3A_179 = arith.constant 8000 : i32
    %mul3A_180 = arith.muli %select_n3A_178, %mul3A_179 : i32
    %multiple_of3A_181 = tpu.assume_multiple %mul3A_180, 8000 : i32
    %dma_wait3A_182 = tpu.memref_slice %arg3[%multiple_of3A_181] : memref<320000xi32, #tpu.memory_space<hbm>> -> memref<8000xi32, #tpu.memory_space<hbm>>
    %dma_wait3A_183 = tpu.memref_slice %arg3[%multiple_of3A_181] : memref<320000xi32, #tpu.memory_space<hbm>> -> memref<8000xi32, #tpu.memory_space<hbm>>
    tpu.wait_dma2 semaphore(%arg19 : memref<!tpu.dma_semaphore, #tpu.memory_space<semaphore_mem>>) src(%dma_wait3A_183 : memref<8000xi32, #tpu.memory_space<hbm>>) dst(%arg15 : memref<8000xi32, #tpu.memory_space<vmem>>)
    %dma_wait3A_184 = tpu.memref_slice %arg4[%multiple_of3A_181] : memref<320000xf32, #tpu.memory_space<hbm>> -> memref<8000xf32, #tpu.memory_space<hbm>>
    %dma_wait3A_185 = tpu.memref_slice %arg4[%multiple_of3A_181] : memref<320000xf32, #tpu.memory_space<hbm>> -> memref<8000xf32, #tpu.memory_space<hbm>>
    tpu.wait_dma2 semaphore(%arg21 : memref<!tpu.dma_semaphore, #tpu.memory_space<semaphore_mem>>) src(%dma_wait3A_185 : memref<8000xf32, #tpu.memory_space<hbm>>) dst(%arg17 : memref<8000xf32, #tpu.memory_space<vmem>>)
    %add3A_186 = arith.constant 0 : i32
    %add3A_187 = arith.addi %multiple_of3A, %add3A_186 : i32
    %mul3A_188 = arith.constant 10240 : i32
    %mul3A_189 = arith.muli %add3A_187, %mul3A_188 : i32
    %multiple_of3A_190 = tpu.assume_multiple %mul3A_189, 10240 : i32
    %dma_start3A_191 = tpu.memref_slice %arg6[%multiple_of3A_190] : memref<1310720xf32, #tpu.memory_space<hbm>> -> memref<10240xf32, #tpu.memory_space<hbm>>
    %dma_start3A_192 = tpu.memref_slice %arg6[%multiple_of3A_190] : memref<1310720xf32, #tpu.memory_space<hbm>> -> memref<10240xf32, #tpu.memory_space<hbm>>
    tpu.enqueue_dma source(%arg7 : memref<10240xf32, #tpu.memory_space<vmem>>) target(%dma_start3A_192 : memref<10240xf32, #tpu.memory_space<hbm>>) target_semaphore(%arg19 : memref<!tpu.dma_semaphore, #tpu.memory_space<semaphore_mem>>)
    %add3A_193 = arith.constant 1 : i32
    %add3A_194 = arith.addi %multiple_of3A, %add3A_193 : i32
    %mul3A_195 = arith.constant 10240 : i32
    %mul3A_196 = arith.muli %add3A_194, %mul3A_195 : i32
    %multiple_of3A_197 = tpu.assume_multiple %mul3A_196, 10240 : i32
    %dma_start3A_198 = tpu.memref_slice %arg6[%multiple_of3A_197] : memref<1310720xf32, #tpu.memory_space<hbm>> -> memref<10240xf32, #tpu.memory_space<hbm>>
    %dma_start3A_199 = tpu.memref_slice %arg6[%multiple_of3A_197] : memref<1310720xf32, #tpu.memory_space<hbm>> -> memref<10240xf32, #tpu.memory_space<hbm>>
    tpu.enqueue_dma source(%arg8 : memref<10240xf32, #tpu.memory_space<vmem>>) target(%dma_start3A_199 : memref<10240xf32, #tpu.memory_space<hbm>>) target_semaphore(%arg19 : memref<!tpu.dma_semaphore, #tpu.memory_space<semaphore_mem>>)
    %add3A_200 = arith.constant 2 : i32
    %add3A_201 = arith.addi %multiple_of3A, %add3A_200 : i32
    %mul3A_202 = arith.constant 10240 : i32
    %mul3A_203 = arith.muli %add3A_201, %mul3A_202 : i32
    %multiple_of3A_204 = tpu.assume_multiple %mul3A_203, 10240 : i32
    %dma_start3A_205 = tpu.memref_slice %arg6[%multiple_of3A_204] : memref<1310720xf32, #tpu.memory_space<hbm>> -> memref<10240xf32, #tpu.memory_space<hbm>>
    %dma_start3A_206 = tpu.memref_slice %arg6[%multiple_of3A_204] : memref<1310720xf32, #tpu.memory_space<hbm>> -> memref<10240xf32, #tpu.memory_space<hbm>>
    tpu.enqueue_dma source(%arg9 : memref<10240xf32, #tpu.memory_space<vmem>>) target(%dma_start3A_206 : memref<10240xf32, #tpu.memory_space<hbm>>) target_semaphore(%arg19 : memref<!tpu.dma_semaphore, #tpu.memory_space<semaphore_mem>>)
    %add3A_207 = arith.constant 3 : i32
    %add3A_208 = arith.addi %multiple_of3A, %add3A_207 : i32
    %mul3A_209 = arith.constant 10240 : i32
    %mul3A_210 = arith.muli %add3A_208, %mul3A_209 : i32
    %multiple_of3A_211 = tpu.assume_multiple %mul3A_210, 10240 : i32
    %dma_start3A_212 = tpu.memref_slice %arg6[%multiple_of3A_211] : memref<1310720xf32, #tpu.memory_space<hbm>> -> memref<10240xf32, #tpu.memory_space<hbm>>
    %dma_start3A_213 = tpu.memref_slice %arg6[%multiple_of3A_211] : memref<1310720xf32, #tpu.memory_space<hbm>> -> memref<10240xf32, #tpu.memory_space<hbm>>
    tpu.enqueue_dma source(%arg10 : memref<10240xf32, #tpu.memory_space<vmem>>) target(%dma_start3A_213 : memref<10240xf32, #tpu.memory_space<hbm>>) target_semaphore(%arg19 : memref<!tpu.dma_semaphore, #tpu.memory_space<semaphore_mem>>)
    %add3A_214 = arith.constant 0 : i32
    %add3A_215 = arith.addi %multiple_of3A, %add3A_214 : i32
    %mul3A_216 = arith.constant 10240 : i32
    %mul3A_217 = arith.muli %add3A_215, %mul3A_216 : i32
    %multiple_of3A_218 = tpu.assume_multiple %mul3A_217, 10240 : i32
    %dma_wait3A_219 = tpu.memref_slice %arg6[%multiple_of3A_218] : memref<1310720xf32, #tpu.memory_space<hbm>> -> memref<10240xf32, #tpu.memory_space<hbm>>
    %dma_wait3A_220 = tpu.memref_slice %arg6[%multiple_of3A_218] : memref<1310720xf32, #tpu.memory_space<hbm>> -> memref<10240xf32, #tpu.memory_space<hbm>>
    tpu.wait_dma2 semaphore(%arg19 : memref<!tpu.dma_semaphore, #tpu.memory_space<semaphore_mem>>) src(%arg7 : memref<10240xf32, #tpu.memory_space<vmem>>) dst(%dma_wait3A_220 : memref<10240xf32, #tpu.memory_space<hbm>>)
    %add3A_221 = arith.constant 1 : i32
    %add3A_222 = arith.addi %multiple_of3A, %add3A_221 : i32
    %mul3A_223 = arith.constant 10240 : i32
    %mul3A_224 = arith.muli %add3A_222, %mul3A_223 : i32
    %multiple_of3A_225 = tpu.assume_multiple %mul3A_224, 10240 : i32
    %dma_wait3A_226 = tpu.memref_slice %arg6[%multiple_of3A_225] : memref<1310720xf32, #tpu.memory_space<hbm>> -> memref<10240xf32, #tpu.memory_space<hbm>>
    %dma_wait3A_227 = tpu.memref_slice %arg6[%multiple_of3A_225] : memref<1310720xf32, #tpu.memory_space<hbm>> -> memref<10240xf32, #tpu.memory_space<hbm>>
    tpu.wait_dma2 semaphore(%arg19 : memref<!tpu.dma_semaphore, #tpu.memory_space<semaphore_mem>>) src(%arg8 : memref<10240xf32, #tpu.memory_space<vmem>>) dst(%dma_wait3A_227 : memref<10240xf32, #tpu.memory_space<hbm>>)
    %add3A_228 = arith.constant 2 : i32
    %add3A_229 = arith.addi %multiple_of3A, %add3A_228 : i32
    %mul3A_230 = arith.constant 10240 : i32
    %mul3A_231 = arith.muli %add3A_229, %mul3A_230 : i32
    %multiple_of3A_232 = tpu.assume_multiple %mul3A_231, 10240 : i32
    %dma_wait3A_233 = tpu.memref_slice %arg6[%multiple_of3A_232] : memref<1310720xf32, #tpu.memory_space<hbm>> -> memref<10240xf32, #tpu.memory_space<hbm>>
    %dma_wait3A_234 = tpu.memref_slice %arg6[%multiple_of3A_232] : memref<1310720xf32, #tpu.memory_space<hbm>> -> memref<10240xf32, #tpu.memory_space<hbm>>
    tpu.wait_dma2 semaphore(%arg19 : memref<!tpu.dma_semaphore, #tpu.memory_space<semaphore_mem>>) src(%arg9 : memref<10240xf32, #tpu.memory_space<vmem>>) dst(%dma_wait3A_234 : memref<10240xf32, #tpu.memory_space<hbm>>)
    %add3A_235 = arith.constant 3 : i32
    %add3A_236 = arith.addi %multiple_of3A, %add3A_235 : i32
    %mul3A_237 = arith.constant 10240 : i32
    %mul3A_238 = arith.muli %add3A_236, %mul3A_237 : i32
    %multiple_of3A_239 = tpu.assume_multiple %mul3A_238, 10240 : i32
    %dma_wait3A_240 = tpu.memref_slice %arg6[%multiple_of3A_239] : memref<1310720xf32, #tpu.memory_space<hbm>> -> memref<10240xf32, #tpu.memory_space<hbm>>
    %dma_wait3A_241 = tpu.memref_slice %arg6[%multiple_of3A_239] : memref<1310720xf32, #tpu.memory_space<hbm>> -> memref<10240xf32, #tpu.memory_space<hbm>>
    tpu.wait_dma2 semaphore(%arg19 : memref<!tpu.dma_semaphore, #tpu.memory_space<semaphore_mem>>) src(%arg10 : memref<10240xf32, #tpu.memory_space<vmem>>) dst(%dma_wait3A_241 : memref<10240xf32, #tpu.memory_space<hbm>>)
    return
  }
}

module attributes {stable_mosaic.version = 14 : i64} {
  func.func @_transpose_body(%arg0: i32, %arg1: memref<1280x128xf32, #tpu.memory_space<vmem>>, %arg2: memref<128x1280xf32, #tpu.memory_space<vmem>>) attributes {dimension_semantics = [#tpu.dimension_semantics<arbitrary>], iteration_bounds = array<i64: 8>, scalar_prefetch = 0 : i64, scratch_operands = 0 : i64, tpu.core_type = #tpu.core_type<tc>, window_params = [{transform_indices = @transform_0, window_bounds = array<i64: 1280, 128>}, {transform_indices = @transform_1, window_bounds = array<i64: 128, 1280>}]} {
    %iota3A = tpu.iota {dimensions = array<i32: 0>} : vector<1280x128xi32>
    %mul3A = arith.constant 1280 : i32
    %mul3A_0 = arith.muli %arg0, %mul3A : i32
    %add3A = vector.broadcast %mul3A_0 : i32 to vector<1280x128xi32>
    %add3A_1 = arith.addi %iota3A, %add3A : vector<1280x128xi32>
    %lt3A = arith.constant 10000 : i32
    %lt3A_2 = vector.broadcast %lt3A : i32 to vector<1280x128xi32>
    %lt3A_3 = arith.cmpi slt, %add3A_1, %lt3A_2 : vector<1280x128xi32>
    %get3A = arith.constant 0 : index
    %get3A_4 = arith.constant 0 : index
    %get3A_5 = vector.load %arg1[%get3A, %get3A_4] : memref<1280x128xf32, #tpu.memory_space<vmem>>, vector<1280x128xf32>
    %jit3A = arith.constant 0.000000e+00 : f32
    %broadcast_in_dim3A = vector.broadcast %jit3A : f32 to vector<1280x128xf32>
    %select_n3A = arith.select %lt3A_3, %get3A_5, %broadcast_in_dim3A : vector<1280x128xi1>, vector<1280x128xf32>
    %transpose3A = tpu.transpose %select_n3A, [1, 0] : vector<1280x128xf32> -> vector<128x1280xf32>
    %swap3A = arith.constant 0 : index
    %swap3A_6 = arith.constant 0 : index
    %swap3A_7 = vector.load %arg2[%swap3A, %swap3A_6] : memref<128x1280xf32, #tpu.memory_space<vmem>>, vector<128x1280xf32>
    tpu.vector_store %arg2[%swap3A, %swap3A_6], %transpose3A {strides = array<i32>} : memref<128x1280xf32, #tpu.memory_space<vmem>>, vector<128x1280xf32>,
    return
  }
  func.func @transform_0(%arg0: i32) -> (i32, i32) {
    %c0_i32 = arith.constant 0 : i32
    %c0_i32_0 = arith.constant 0 : i32
    return %arg0, %c0_i32 : i32, i32
  }
  func.func @transform_1(%arg0: i32) -> (i32, i32) {
    %c0_i32 = arith.constant 0 : i32
    %c0_i32_0 = arith.constant 0 : i32
    return %c0_i32, %arg0 : i32, i32
  }
}

module attributes {stable_mosaic.version = 14 : i64} {
  func.func @_tail_body(%arg0: i32, %arg1: memref<128x1280xf32, #tpu.memory_space<vmem>>, %arg2: memref<128x1280xf32, #tpu.memory_space<vmem>>, %arg3: memref<128x1280xf32, #tpu.memory_space<vmem>>, %arg4: memref<3x128x128xf32, #tpu.memory_space<vmem>>, %arg5: memref<1x1xf32, #tpu.memory_space<vmem>>, %arg6: memref<8x128xf32, #tpu.memory_space<vmem>>, %arg7: memref<1280x128xf32, #tpu.memory_space<vmem>>, %arg8: memref<3x128x128xf32, #tpu.memory_space<vmem>>) attributes {dimension_semantics = [#tpu.dimension_semantics<arbitrary>], iteration_bounds = array<i64: 17>, scalar_prefetch = 0 : i64, scratch_operands = 1 : i64, tpu.core_type = #tpu.core_type<tc>, window_params = [{transform_indices = @transform_0, window_bounds = array<i64: 128, 1280>}, {transform_indices = @transform_1, window_bounds = array<i64: 128, 1280>}, {transform_indices = @transform_2, window_bounds = array<i64: 128, 1280>}, {pipeline_mode = #tpu.pipeline_mode<synchronous>, transform_indices = @transform_3, window_bounds = array<i64: 3, 128, 128>}, {pipeline_mode = #tpu.pipeline_mode<synchronous>, transform_indices = @transform_4, window_bounds = array<i64: 1, 1>}, {pipeline_mode = #tpu.pipeline_mode<synchronous>, transform_indices = @transform_5, window_bounds = array<i64: 8, 128>}, {transform_indices = @transform_6, window_bounds = array<i64: 1280, 128>}]} {
    %lt3A = arith.constant 8 : i32
    %lt3A_0 = arith.cmpi slt, %arg0, %lt3A : i32
    %convert_element_type3A = arith.extui %lt3A_0 : i1 to i32
    %cond3A = arith.constant 0 : i32
    %cond3A_1 = arith.cmpi ne, %convert_element_type3A, %cond3A : i32
    scf.if %cond3A_1 {
      %get3A = arith.constant 0 : index
      %get3A_10 = arith.constant 0 : index
      %get3A_11 = vector.load %arg1[%get3A, %get3A_10] : memref<128x1280xf32, #tpu.memory_space<vmem>>, vector<128x1280xf32>
      %get3A_12 = arith.constant 0 : index
      %get3A_13 = arith.constant 0 : index
      %get3A_14 = vector.load %arg1[%get3A_12, %get3A_13] : memref<128x1280xf32, #tpu.memory_space<vmem>>, vector<128x1280xf32>
      %dot_general3A = arith.constant dense<0.000000e+00> : vector<128x128xf32>
      %dot_general3A_15 = tpu.matmul %get3A_11, %get3A_14, %dot_general3A {dimension_numbers = #tpu.dot_dimension_numbers<[1], [1], [0], [0], [0, 0, 1, 0], [], []>, transpose_lhs_hint = false} : vector<128x1280xf32>, vector<128x1280xf32>, vector<128x128xf32> -> vector<128x128xf32>
      %get3A_16 = arith.constant 0 : index
      %get3A_17 = arith.constant 0 : index
      %get3A_18 = vector.load %arg2[%get3A_16, %get3A_17] : memref<128x1280xf32, #tpu.memory_space<vmem>>, vector<128x1280xf32>
      %get3A_19 = arith.constant 0 : index
      %get3A_20 = arith.constant 0 : index
      %get3A_21 = vector.load %arg2[%get3A_19, %get3A_20] : memref<128x1280xf32, #tpu.memory_space<vmem>>, vector<128x1280xf32>
      %dot_general3A_22 = arith.constant dense<0.000000e+00> : vector<128x128xf32>
      %dot_general3A_23 = tpu.matmul %get3A_18, %get3A_21, %dot_general3A_22 {dimension_numbers = #tpu.dot_dimension_numbers<[1], [1], [0], [0], [0, 0, 1, 0], [], []>, transpose_lhs_hint = false} : vector<128x1280xf32>, vector<128x1280xf32>, vector<128x128xf32> -> vector<128x128xf32>
      %get3A_24 = arith.constant 0 : index
      %get3A_25 = arith.constant 0 : index
      %get3A_26 = vector.load %arg3[%get3A_24, %get3A_25] : memref<128x1280xf32, #tpu.memory_space<vmem>>, vector<128x1280xf32>
      %get3A_27 = arith.constant 0 : index
      %get3A_28 = arith.constant 0 : index
      %get3A_29 = vector.load %arg3[%get3A_27, %get3A_28] : memref<128x1280xf32, #tpu.memory_space<vmem>>, vector<128x1280xf32>
      %dot_general3A_30 = arith.constant dense<0.000000e+00> : vector<128x128xf32>
      %dot_general3A_31 = tpu.matmul %get3A_26, %get3A_29, %dot_general3A_30 {dimension_numbers = #tpu.dot_dimension_numbers<[1], [1], [0], [0], [0, 0, 1, 0], [], []>, transpose_lhs_hint = false} : vector<128x1280xf32>, vector<128x1280xf32>, vector<128x128xf32> -> vector<128x128xf32>
      %stack3A = vector.shape_cast %dot_general3A_15 : vector<128x128xf32> to vector<1x128x128xf32>
      %stack3A_32 = vector.shape_cast %dot_general3A_23 : vector<128x128xf32> to vector<1x128x128xf32>
      %stack3A_33 = vector.shape_cast %dot_general3A_31 : vector<128x128xf32> to vector<1x128x128xf32>
      %stack3A_34 = tpu.concatenate %stack3A, %stack3A_32, %stack3A_33 in 0 : vector<1x128x128xf32>, vector<1x128x128xf32>, vector<1x128x128xf32> -> vector<3x128x128xf32>
      %eq3A_35 = arith.constant 0 : i32
      %eq3A_36 = arith.cmpi eq, %arg0, %eq3A_35 : i32
      %convert_element_type3A_37 = arith.extui %eq3A_36 : i1 to i32
      %cond3A_38 = arith.constant 0 : i32
      %cond3A_39 = arith.cmpi ne, %convert_element_type3A_37, %cond3A_38 : i32
      scf.if %cond3A_39 {
        %swap3A = arith.constant 0 : index
        %swap3A_45 = arith.constant 0 : index
        %swap3A_46 = arith.constant 0 : index
        %swap3A_47 = vector.load %arg8[%swap3A, %swap3A_45, %swap3A_46] : memref<3x128x128xf32, #tpu.memory_space<vmem>>, vector<3x128x128xf32>
        tpu.vector_store %arg8[%swap3A, %swap3A_45, %swap3A_46], %stack3A_34 {strides = array<i32>} : memref<3x128x128xf32, #tpu.memory_space<vmem>>, vector<3x128x128xf32>,
      } else {
      }
      %gt3A_40 = arith.constant 0 : i32
      %gt3A_41 = arith.cmpi sgt, %arg0, %gt3A_40 : i32
      %convert_element_type3A_42 = arith.extui %gt3A_41 : i1 to i32
      %cond3A_43 = arith.constant 0 : i32
      %cond3A_44 = arith.cmpi ne, %convert_element_type3A_42, %cond3A_43 : i32
      scf.if %cond3A_44 {
        %get3A_45 = arith.constant 0 : index
        %get3A_46 = arith.constant 0 : index
        %get3A_47 = arith.constant 0 : index
        %get3A_48 = vector.load %arg8[%get3A_45, %get3A_46, %get3A_47] : memref<3x128x128xf32, #tpu.memory_space<vmem>>, vector<3x128x128xf32>
        %add3A = arith.addf %get3A_48, %stack3A_34 : vector<3x128x128xf32>
        %swap3A = arith.constant 0 : index
        %swap3A_49 = arith.constant 0 : index
        %swap3A_50 = arith.constant 0 : index
        %swap3A_51 = vector.load %arg8[%swap3A, %swap3A_49, %swap3A_50] : memref<3x128x128xf32, #tpu.memory_space<vmem>>, vector<3x128x128xf32>
        tpu.vector_store %arg8[%swap3A, %swap3A_49, %swap3A_50], %add3A {strides = array<i32>} : memref<3x128x128xf32, #tpu.memory_space<vmem>>, vector<3x128x128xf32>,
      } else {
      }
    } else {
    }
    %eq3A = arith.constant 8 : i32
    %eq3A_2 = arith.cmpi eq, %arg0, %eq3A : i32
    %convert_element_type3A_3 = arith.extui %eq3A_2 : i1 to i32
    %cond3A_4 = arith.constant 0 : i32
    %cond3A_5 = arith.cmpi ne, %convert_element_type3A_3, %cond3A_4 : i32
    scf.if %cond3A_5 {
      %get3A = arith.constant 0 : index
      %get3A_10 = arith.constant 0 : index
      %get3A_11 = arith.constant 0 : index
      %get3A_12 = vector.load %arg4[%get3A, %get3A_10, %get3A_11] : memref<3x128x128xf32, #tpu.memory_space<vmem>>, vector<1x128x128xf32>
      %get3A_13 = vector.shape_cast %get3A_12 : vector<1x128x128xf32> to vector<128x128xf32>
      %get3A_14 = arith.constant 0 : index
      %get3A_15 = arith.constant 0 : index
      %get3A_16 = arith.constant 0 : index
      %get3A_17 = vector.load %arg8[%get3A_14, %get3A_15, %get3A_16] : memref<3x128x128xf32, #tpu.memory_space<vmem>>, vector<1x128x128xf32>
      %get3A_18 = vector.shape_cast %get3A_17 : vector<1x128x128xf32> to vector<128x128xf32>
      %dot_general3A = arith.constant dense<0.000000e+00> : vector<128x128xf32>
      %dot_general3A_19 = tpu.matmul %get3A_18, %get3A_13, %dot_general3A {dimension_numbers = #tpu.dot_dimension_numbers<[1], [0], [0], [1], [0, 0, 1, 1], [], []>, transpose_lhs_hint = false} : vector<128x128xf32>, vector<128x128xf32>, vector<128x128xf32> -> vector<128x128xf32>
      %dot_general3A_20 = arith.constant dense<0.000000e+00> : vector<128x128xf32>
      %dot_general3A_21 = tpu.matmul %get3A_13, %dot_general3A_19, %dot_general3A_20 {dimension_numbers = #tpu.dot_dimension_numbers<[0], [0], [1], [1], [0, 1, 1, 1], [], []>, transpose_lhs_hint = false} : vector<128x128xf32>, vector<128x128xf32>, vector<128x128xf32> -> vector<128x128xf32>
      %get3A_22 = arith.constant 1 : index
      %get3A_23 = arith.constant 0 : index
      %get3A_24 = arith.constant 0 : index
      %get3A_25 = vector.load %arg4[%get3A_22, %get3A_23, %get3A_24] : memref<3x128x128xf32, #tpu.memory_space<vmem>>, vector<1x128x128xf32>
      %get3A_26 = vector.shape_cast %get3A_25 : vector<1x128x128xf32> to vector<128x128xf32>
      %get3A_27 = arith.constant 1 : index
      %get3A_28 = arith.constant 0 : index
      %get3A_29 = arith.constant 0 : index
      %get3A_30 = vector.load %arg8[%get3A_27, %get3A_28, %get3A_29] : memref<3x128x128xf32, #tpu.memory_space<vmem>>, vector<1x128x128xf32>
      %get3A_31 = vector.shape_cast %get3A_30 : vector<1x128x128xf32> to vector<128x128xf32>
      %dot_general3A_32 = arith.constant dense<0.000000e+00> : vector<128x128xf32>
      %dot_general3A_33 = tpu.matmul %get3A_31, %get3A_26, %dot_general3A_32 {dimension_numbers = #tpu.dot_dimension_numbers<[1], [0], [0], [1], [0, 0, 1, 1], [], []>, transpose_lhs_hint = false} : vector<128x128xf32>, vector<128x128xf32>, vector<128x128xf32> -> vector<128x128xf32>
      %dot_general3A_34 = arith.constant dense<0.000000e+00> : vector<128x128xf32>
      %dot_general3A_35 = tpu.matmul %get3A_26, %dot_general3A_33, %dot_general3A_34 {dimension_numbers = #tpu.dot_dimension_numbers<[0], [0], [1], [1], [0, 1, 1, 1], [], []>, transpose_lhs_hint = false} : vector<128x128xf32>, vector<128x128xf32>, vector<128x128xf32> -> vector<128x128xf32>
      %get3A_36 = arith.constant 2 : index
      %get3A_37 = arith.constant 0 : index
      %get3A_38 = arith.constant 0 : index
      %get3A_39 = vector.load %arg4[%get3A_36, %get3A_37, %get3A_38] : memref<3x128x128xf32, #tpu.memory_space<vmem>>, vector<1x128x128xf32>
      %get3A_40 = vector.shape_cast %get3A_39 : vector<1x128x128xf32> to vector<128x128xf32>
      %get3A_41 = arith.constant 2 : index
      %get3A_42 = arith.constant 0 : index
      %get3A_43 = arith.constant 0 : index
      %get3A_44 = vector.load %arg8[%get3A_41, %get3A_42, %get3A_43] : memref<3x128x128xf32, #tpu.memory_space<vmem>>, vector<1x128x128xf32>
      %get3A_45 = vector.shape_cast %get3A_44 : vector<1x128x128xf32> to vector<128x128xf32>
      %dot_general3A_46 = arith.constant dense<0.000000e+00> : vector<128x128xf32>
      %dot_general3A_47 = tpu.matmul %get3A_45, %get3A_40, %dot_general3A_46 {dimension_numbers = #tpu.dot_dimension_numbers<[1], [0], [0], [1], [0, 0, 1, 1], [], []>, transpose_lhs_hint = false} : vector<128x128xf32>, vector<128x128xf32>, vector<128x128xf32> -> vector<128x128xf32>
      %dot_general3A_48 = arith.constant dense<0.000000e+00> : vector<128x128xf32>
      %dot_general3A_49 = tpu.matmul %get3A_40, %dot_general3A_47, %dot_general3A_48 {dimension_numbers = #tpu.dot_dimension_numbers<[0], [0], [1], [1], [0, 1, 1, 1], [], []>, transpose_lhs_hint = false} : vector<128x128xf32>, vector<128x128xf32>, vector<128x128xf32> -> vector<128x128xf32>
      %stack3A = vector.shape_cast %dot_general3A_21 : vector<128x128xf32> to vector<1x128x128xf32>
      %stack3A_50 = vector.shape_cast %dot_general3A_35 : vector<128x128xf32> to vector<1x128x128xf32>
      %stack3A_51 = vector.shape_cast %dot_general3A_49 : vector<128x128xf32> to vector<1x128x128xf32>
      %stack3A_52 = tpu.concatenate %stack3A, %stack3A_50, %stack3A_51 in 0 : vector<1x128x128xf32>, vector<1x128x128xf32>, vector<1x128x128xf32> -> vector<3x128x128xf32>
      %iota3A = tpu.iota {dimensions = array<i32: 1>} : vector<3x128x128xi32>
      %iota3A_53 = tpu.iota {dimensions = array<i32: 2>} : vector<3x128x128xi32>
      %eq3A_54 = arith.cmpi eq, %iota3A, %iota3A_53 : vector<3x128x128xi32>
      %jit3A = arith.constant 1.000000e+00 : f32
      %jit3A_55 = arith.constant 0.000000e+00 : f32
      %broadcast_in_dim3A = vector.broadcast %jit3A : f32 to vector<3x128x128xf32>
      %broadcast_in_dim3A_56 = vector.broadcast %jit3A_55 : f32 to vector<3x128x128xf32>
      %select_n3A = arith.select %eq3A_54, %broadcast_in_dim3A, %broadcast_in_dim3A_56 : vector<3x128x128xi1>, vector<3x128x128xf32>
      %mul3A = arith.constant 5.120000e-02 : f32
      %mul3A_57 = vector.broadcast %mul3A : f32 to vector<3x128x128xf32>
      %mul3A_58 = arith.mulf %mul3A_57, %stack3A_52 : vector<3x128x128xf32>
      %add3A = arith.addf %select_n3A, %mul3A_58 : vector<3x128x128xf32>
      %broadcast_in_dim3A_59 = arith.constant 0.000000e+00 : f32
      %broadcast_in_dim3A_60 = vector.broadcast %broadcast_in_dim3A_59 : f32 to vector<3x1x1xf32>
      %scan3A = arith.constant 0 : i32
      %scan3A_61 = arith.constant 128 : i32
      %scan3A_62 = arith.addi %scan3A, %scan3A_61 : i32
      %scan3A_63 = arith.constant 1 : i32
      %scan3A_64:2 = scf.for %scan3A_164 = %scan3A to %scan3A_62 step %scan3A_63 iter_args(%scan3A_165 = %add3A, %scan3A_166 = %broadcast_in_dim3A_60) -> (vector<3x128x128xf32>, vector<3x1x1xf32>)  : i32 {
        %eq3A_167 = vector.broadcast %scan3A_164 : i32 to vector<3x128x128xi32>
        %eq3A_168 = arith.cmpi eq, %iota3A, %eq3A_167 : vector<3x128x128xi32>
        %eq3A_169 = vector.broadcast %scan3A_164 : i32 to vector<3x128x128xi32>
        %eq3A_170 = arith.cmpi eq, %iota3A_53, %eq3A_169 : vector<3x128x128xi32>
        %and3A_171 = arith.andi %eq3A_168, %eq3A_170 : vector<3x128x128xi1>
        %jit3A_172 = arith.constant 0.000000e+00 : f32
        %broadcast_in_dim3A_173 = vector.broadcast %jit3A_172 : f32 to vector<3x128x128xf32>
        %select_n3A_174 = arith.select %and3A_171, %scan3A_165, %broadcast_in_dim3A_173 : vector<3x128x128xi1>, vector<3x128x128xf32>
        %reduce_sum3A = arith.constant dense<0.000000e+00> : vector<3xf32>
        %reduce_sum3A_175 = vector.multi_reduction <add>, %select_n3A_174, %reduce_sum3A [1, 2] : vector<3x128x128xf32> to vector<3xf32>
        %broadcast_in_dim3A_176 = vector.shape_cast %reduce_sum3A_175 : vector<3xf32> to vector<3x1x1xf32>
        %eq3A_177 = vector.broadcast %scan3A_164 : i32 to vector<3x128x128xi32>
        %eq3A_178 = arith.cmpi eq, %iota3A_53, %eq3A_177 : vector<3x128x128xi32>
        %jit3A_179 = arith.constant 0.000000e+00 : f32
        %broadcast_in_dim3A_180 = vector.broadcast %jit3A_179 : f32 to vector<3x128x128xf32>
        %select_n3A_181 = arith.select %eq3A_178, %scan3A_165, %broadcast_in_dim3A_180 : vector<3x128x128xi1>, vector<3x128x128xf32>
        %reduce_sum3A_182 = arith.constant dense<0.000000e+00> : vector<3x128xf32>
        %reduce_sum3A_183 = vector.multi_reduction <add>, %select_n3A_181, %reduce_sum3A_182 [2] : vector<3x128x128xf32> to vector<3x128xf32>
        %broadcast_in_dim3A_184 = vector.shape_cast %reduce_sum3A_183 : vector<3x128xf32> to vector<3x128x1xf32>
        %eq3A_185 = vector.broadcast %scan3A_164 : i32 to vector<3x128x128xi32>
        %eq3A_186 = arith.cmpi eq, %iota3A, %eq3A_185 : vector<3x128x128xi32>
        %jit3A_187 = arith.constant 0.000000e+00 : f32
        %broadcast_in_dim3A_188 = vector.broadcast %jit3A_187 : f32 to vector<3x128x128xf32>
        %select_n3A_189 = arith.select %eq3A_186, %scan3A_165, %broadcast_in_dim3A_188 : vector<3x128x128xi1>, vector<3x128x128xf32>
        %reduce_sum3A_190 = arith.constant dense<0.000000e+00> : vector<3x128xf32>
        %reduce_sum3A_191 = vector.multi_reduction <add>, %select_n3A_189, %reduce_sum3A_190 [1] : vector<3x128x128xf32> to vector<3x128xf32>
        %broadcast_in_dim3A_192 = vector.shape_cast %reduce_sum3A_191 : vector<3x128xf32> to vector<3x1x128xf32>
        %gt3A_193 = vector.broadcast %scan3A_164 : i32 to vector<3x128x128xi32>
        %gt3A_194 = arith.cmpi sgt, %iota3A, %gt3A_193 : vector<3x128x128xi32>
        %gt3A_195 = vector.broadcast %scan3A_164 : i32 to vector<3x128x128xi32>
        %gt3A_196 = arith.cmpi sgt, %iota3A_53, %gt3A_195 : vector<3x128x128xi32>
        %and3A_197 = arith.andi %gt3A_194, %gt3A_196 : vector<3x128x128xi1>
        %mul3A_198 = vector.broadcast %broadcast_in_dim3A_184 : vector<3x128x1xf32> to vector<3x128x128xf32>
        %mul3A_199 = vector.broadcast %broadcast_in_dim3A_192 : vector<3x1x128xf32> to vector<3x128x128xf32>
        %mul3A_200 = arith.mulf %mul3A_198, %mul3A_199 : vector<3x128x128xf32>
        %div3A_201 = vector.broadcast %broadcast_in_dim3A_176 : vector<3x1x1xf32> to vector<3x128x128xf32>
        %div3A_202 = arith.divf %mul3A_200, %div3A_201 : vector<3x128x128xf32>
        %jit3A_203 = arith.constant 0.000000e+00 : f32
        %broadcast_in_dim3A_204 = vector.broadcast %jit3A_203 : f32 to vector<3x128x128xf32>
        %select_n3A_205 = arith.select %and3A_197, %div3A_202, %broadcast_in_dim3A_204 : vector<3x128x128xi1>, vector<3x128x128xf32>
        %sub3A_206 = arith.subf %scan3A_165, %select_n3A_205 : vector<3x128x128xf32>
        %log3A_207 = math.log %broadcast_in_dim3A_176 : vector<3x1x1xf32>
        %add3A_208 = arith.addf %scan3A_166, %log3A_207 : vector<3x1x1xf32>
        scf.yield %sub3A_206, %add3A_208 : vector<3x128x128xf32>, vector<3x1x1xf32>
      }
      %scan3A_65 = arith.constant 128 : i32
      %slice3A = vector.extract_strided_slice %scan3A_64#1 {offsets = [0, 0, 0], sizes = [1, 1, 1], strides = [1, 1, 1]} : vector<3x1x1xf32> to vector<1x1x1xf32>
      %squeeze3A = vector.extract %slice3A[0, 0, 0] : f32 from vector<1x1x1xf32>
      %mul3A_66 = arith.constant 5.000000e-01 : f32
      %mul3A_67 = arith.mulf %mul3A_66, %squeeze3A : f32
      %slice3A_68 = vector.extract_strided_slice %scan3A_64#1 {offsets = [1, 0, 0], sizes = [1, 1, 1], strides = [1, 1, 1]} : vector<3x1x1xf32> to vector<1x1x1xf32>
      %squeeze3A_69 = vector.extract %slice3A_68[0, 0, 0] : f32 from vector<1x1x1xf32>
      %mul3A_70 = arith.constant 5.000000e-01 : f32
      %mul3A_71 = arith.mulf %mul3A_70, %squeeze3A_69 : f32
      %slice3A_72 = vector.extract_strided_slice %scan3A_64#1 {offsets = [2, 0, 0], sizes = [1, 1, 1], strides = [1, 1, 1]} : vector<3x1x1xf32> to vector<1x1x1xf32>
      %squeeze3A_73 = vector.extract %slice3A_72[0, 0, 0] : f32 from vector<1x1x1xf32>
      %mul3A_74 = arith.constant 5.000000e-01 : f32
      %mul3A_75 = arith.mulf %mul3A_74, %squeeze3A_73 : f32
      %get3A_76 = arith.constant 0 : index
      %get3A_77 = arith.constant 0 : index
      %get3A_78 = vector.load %arg5[%get3A_76, %get3A_77] : memref<1x1xf32, #tpu.memory_space<vmem>>, vector<1x1xf32>
      %get3A_79 = vector.extract %get3A_78[0, 0] : f32 from vector<1x1xf32>
      %exp3A = math.exp %get3A_79 : f32
      %log1p3A = math.log1p %exp3A : f32
      %add3A_80 = arith.constant 9.99999974E-5 : f32
      %add3A_81 = arith.addf %log1p3A, %add3A_80 : f32
      %div3A = arith.divf %mul3A_67, %add3A_81 : f32
      %div3A_82 = arith.divf %mul3A_71, %add3A_81 : f32
      %div3A_83 = arith.divf %mul3A_75, %add3A_81 : f32
      %max3A = arith.maximumf %div3A_82, %div3A_83 : f32
      %max3A_84 = arith.maximumf %div3A, %max3A : f32
      %sub3A = arith.subf %div3A, %max3A_84 : f32
      %exp3A_85 = math.exp %sub3A : f32
      %sub3A_86 = arith.subf %div3A_82, %max3A_84 : f32
      %exp3A_87 = math.exp %sub3A_86 : f32
      %sub3A_88 = arith.subf %div3A_83, %max3A_84 : f32
      %exp3A_89 = math.exp %sub3A_88 : f32
      %add3A_90 = arith.addf %exp3A_85, %exp3A_87 : f32
      %add3A_91 = arith.addf %add3A_90, %exp3A_89 : f32
      %div3A_92 = arith.divf %exp3A_85, %add3A_91 : f32
      %div3A_93 = arith.divf %exp3A_87, %add3A_91 : f32
      %div3A_94 = arith.divf %exp3A_89, %add3A_91 : f32
      %mul3A_95 = arith.constant 3.000000e+00 : f32
      %mul3A_96 = arith.mulf %div3A_92, %mul3A_95 : f32
      %add3A_97 = arith.constant 9.99999993E-9 : f32
      %add3A_98 = arith.addf %mul3A_96, %add3A_97 : f32
      %log3A = math.log %add3A_98 : f32
      %mul3A_99 = arith.mulf %div3A_92, %log3A : f32
      %mul3A_100 = arith.constant 3.000000e+00 : f32
      %mul3A_101 = arith.mulf %div3A_93, %mul3A_100 : f32
      %add3A_102 = arith.constant 9.99999993E-9 : f32
      %add3A_103 = arith.addf %mul3A_101, %add3A_102 : f32
      %log3A_104 = math.log %add3A_103 : f32
      %mul3A_105 = arith.mulf %div3A_93, %log3A_104 : f32
      %add3A_106 = arith.addf %mul3A_99, %mul3A_105 : f32
      %mul3A_107 = arith.constant 3.000000e+00 : f32
      %mul3A_108 = arith.mulf %div3A_94, %mul3A_107 : f32
      %add3A_109 = arith.constant 9.99999993E-9 : f32
      %add3A_110 = arith.addf %mul3A_108, %add3A_109 : f32
      %log3A_111 = math.log %add3A_110 : f32
      %mul3A_112 = arith.mulf %div3A_94, %log3A_111 : f32
      %add3A_113 = arith.addf %add3A_106, %mul3A_112 : f32
      %iota3A_114 = tpu.iota {dimensions = array<i32: 0>} : vector<8x128xi32>
      %iota3A_115 = tpu.iota {dimensions = array<i32: 1>} : vector<8x128xi32>
      %eq3A_116 = arith.constant 0 : i32
      %eq3A_117 = vector.broadcast %eq3A_116 : i32 to vector<8x128xi32>
      %eq3A_118 = arith.cmpi eq, %iota3A_114, %eq3A_117 : vector<8x128xi32>
      %eq3A_119 = arith.constant 0 : i32
      %eq3A_120 = vector.broadcast %eq3A_119 : i32 to vector<8x128xi32>
      %eq3A_121 = arith.cmpi eq, %iota3A_115, %eq3A_120 : vector<8x128xi32>
      %and3A = arith.andi %eq3A_118, %eq3A_121 : vector<8x128xi1>
      %convert_element_type3A_122 = arith.extui %and3A : vector<8x128xi1> to vector<8x128xi32>
      %convert_element_type3A_123 = arith.sitofp %convert_element_type3A_122 : vector<8x128xi32> to vector<8x128xf32>
      %mul3A_124 = vector.broadcast %div3A_92 : f32 to vector<8x128xf32>
      %mul3A_125 = arith.mulf %mul3A_124, %convert_element_type3A_123 : vector<8x128xf32>
      %eq3A_126 = arith.constant 0 : i32
      %eq3A_127 = vector.broadcast %eq3A_126 : i32 to vector<8x128xi32>
      %eq3A_128 = arith.cmpi eq, %iota3A_114, %eq3A_127 : vector<8x128xi32>
      %eq3A_129 = arith.constant 1 : i32
      %eq3A_130 = vector.broadcast %eq3A_129 : i32 to vector<8x128xi32>
      %eq3A_131 = arith.cmpi eq, %iota3A_115, %eq3A_130 : vector<8x128xi32>
      %and3A_132 = arith.andi %eq3A_128, %eq3A_131 : vector<8x128xi1>
      %convert_element_type3A_133 = arith.extui %and3A_132 : vector<8x128xi1> to vector<8x128xi32>
      %convert_element_type3A_134 = arith.sitofp %convert_element_type3A_133 : vector<8x128xi32> to vector<8x128xf32>
      %mul3A_135 = vector.broadcast %div3A_93 : f32 to vector<8x128xf32>
      %mul3A_136 = arith.mulf %mul3A_135, %convert_element_type3A_134 : vector<8x128xf32>
      %add3A_137 = arith.addf %mul3A_125, %mul3A_136 : vector<8x128xf32>
      %eq3A_138 = arith.constant 0 : i32
      %eq3A_139 = vector.broadcast %eq3A_138 : i32 to vector<8x128xi32>
      %eq3A_140 = arith.cmpi eq, %iota3A_114, %eq3A_139 : vector<8x128xi32>
      %eq3A_141 = arith.constant 2 : i32
      %eq3A_142 = vector.broadcast %eq3A_141 : i32 to vector<8x128xi32>
      %eq3A_143 = arith.cmpi eq, %iota3A_115, %eq3A_142 : vector<8x128xi32>
      %and3A_144 = arith.andi %eq3A_140, %eq3A_143 : vector<8x128xi1>
      %convert_element_type3A_145 = arith.extui %and3A_144 : vector<8x128xi1> to vector<8x128xi32>
      %convert_element_type3A_146 = arith.sitofp %convert_element_type3A_145 : vector<8x128xi32> to vector<8x128xf32>
      %mul3A_147 = vector.broadcast %div3A_94 : f32 to vector<8x128xf32>
      %mul3A_148 = arith.mulf %mul3A_147, %convert_element_type3A_146 : vector<8x128xf32>
      %add3A_149 = arith.addf %add3A_137, %mul3A_148 : vector<8x128xf32>
      %eq3A_150 = arith.constant 1 : i32
      %eq3A_151 = vector.broadcast %eq3A_150 : i32 to vector<8x128xi32>
      %eq3A_152 = arith.cmpi eq, %iota3A_114, %eq3A_151 : vector<8x128xi32>
      %eq3A_153 = arith.constant 0 : i32
      %eq3A_154 = vector.broadcast %eq3A_153 : i32 to vector<8x128xi32>
      %eq3A_155 = arith.cmpi eq, %iota3A_115, %eq3A_154 : vector<8x128xi32>
      %and3A_156 = arith.andi %eq3A_152, %eq3A_155 : vector<8x128xi1>
      %convert_element_type3A_157 = arith.extui %and3A_156 : vector<8x128xi1> to vector<8x128xi32>
      %convert_element_type3A_158 = arith.sitofp %convert_element_type3A_157 : vector<8x128xi32> to vector<8x128xf32>
      %mul3A_159 = vector.broadcast %add3A_113 : f32 to vector<8x128xf32>
      %mul3A_160 = arith.mulf %mul3A_159, %convert_element_type3A_158 : vector<8x128xf32>
      %add3A_161 = arith.addf %add3A_149, %mul3A_160 : vector<8x128xf32>
      %swap3A = arith.constant 0 : index
      %swap3A_162 = arith.constant 0 : index
      %swap3A_163 = vector.load %arg6[%swap3A, %swap3A_162] : memref<8x128xf32, #tpu.memory_space<vmem>>, vector<8x128xf32>
      tpu.vector_store %arg6[%swap3A, %swap3A_162], %add3A_161 {strides = array<i32>} : memref<8x128xf32, #tpu.memory_space<vmem>>, vector<8x128xf32>,
    } else {
    }
    %gt3A = arith.constant 8 : i32
    %gt3A_6 = arith.cmpi sgt, %arg0, %gt3A : i32
    %convert_element_type3A_7 = arith.extui %gt3A_6 : i1 to i32
    %cond3A_8 = arith.constant 0 : i32
    %cond3A_9 = arith.cmpi ne, %convert_element_type3A_7, %cond3A_8 : i32
    scf.if %cond3A_9 {
      %get3A = arith.constant 0 : index
      %get3A_10 = arith.constant 0 : index
      %get3A_11 = vector.load %arg6[%get3A, %get3A_10] : memref<8x128xf32, #tpu.memory_space<vmem>>, vector<1x1xf32>
      %get3A_12 = vector.extract %get3A_11[0, 0] : f32 from vector<1x1xf32>
      %get3A_13 = arith.constant 0 : index
      %get3A_14 = arith.constant 1 : index
      %get3A_15 = vector.load %arg6[%get3A_13, %get3A_14] : memref<8x128xf32, #tpu.memory_space<vmem>>, vector<1x1xf32>
      %get3A_16 = vector.extract %get3A_15[0, 0] : f32 from vector<1x1xf32>
      %get3A_17 = arith.constant 0 : index
      %get3A_18 = arith.constant 2 : index
      %get3A_19 = vector.load %arg6[%get3A_17, %get3A_18] : memref<8x128xf32, #tpu.memory_space<vmem>>, vector<1x1xf32>
      %get3A_20 = vector.extract %get3A_19[0, 0] : f32 from vector<1x1xf32>
      %get3A_21 = arith.constant 0 : index
      %get3A_22 = arith.constant 0 : index
      %get3A_23 = arith.constant 0 : index
      %get3A_24 = vector.load %arg4[%get3A_21, %get3A_22, %get3A_23] : memref<3x128x128xf32, #tpu.memory_space<vmem>>, vector<1x128x128xf32>
      %get3A_25 = vector.shape_cast %get3A_24 : vector<1x128x128xf32> to vector<128x128xf32>
      %get3A_26 = arith.constant 0 : index
      %get3A_27 = arith.constant 0 : index
      %get3A_28 = vector.load %arg1[%get3A_26, %get3A_27] : memref<128x1280xf32, #tpu.memory_space<vmem>>, vector<128x1280xf32>
      %dot_general3A = arith.constant dense<0.000000e+00> : vector<128x1280xf32>
      %dot_general3A_29 = tpu.matmul %get3A_25, %get3A_28, %dot_general3A {dimension_numbers = #tpu.dot_dimension_numbers<[0], [0], [1], [1], [0, 1, 1, 1], [], []>, transpose_lhs_hint = false} : vector<128x128xf32>, vector<128x1280xf32>, vector<128x1280xf32> -> vector<128x1280xf32>
      %mul3A = vector.broadcast %get3A_12 : f32 to vector<128x1280xf32>
      %mul3A_30 = arith.mulf %mul3A, %dot_general3A_29 : vector<128x1280xf32>
      %get3A_31 = arith.constant 1 : index
      %get3A_32 = arith.constant 0 : index
      %get3A_33 = arith.constant 0 : index
      %get3A_34 = vector.load %arg4[%get3A_31, %get3A_32, %get3A_33] : memref<3x128x128xf32, #tpu.memory_space<vmem>>, vector<1x128x128xf32>
      %get3A_35 = vector.shape_cast %get3A_34 : vector<1x128x128xf32> to vector<128x128xf32>
      %get3A_36 = arith.constant 0 : index
      %get3A_37 = arith.constant 0 : index
      %get3A_38 = vector.load %arg2[%get3A_36, %get3A_37] : memref<128x1280xf32, #tpu.memory_space<vmem>>, vector<128x1280xf32>
      %dot_general3A_39 = arith.constant dense<0.000000e+00> : vector<128x1280xf32>
      %dot_general3A_40 = tpu.matmul %get3A_35, %get3A_38, %dot_general3A_39 {dimension_numbers = #tpu.dot_dimension_numbers<[0], [0], [1], [1], [0, 1, 1, 1], [], []>, transpose_lhs_hint = false} : vector<128x128xf32>, vector<128x1280xf32>, vector<128x1280xf32> -> vector<128x1280xf32>
      %mul3A_41 = vector.broadcast %get3A_16 : f32 to vector<128x1280xf32>
      %mul3A_42 = arith.mulf %mul3A_41, %dot_general3A_40 : vector<128x1280xf32>
      %add3A = arith.addf %mul3A_30, %mul3A_42 : vector<128x1280xf32>
      %get3A_43 = arith.constant 2 : index
      %get3A_44 = arith.constant 0 : index
      %get3A_45 = arith.constant 0 : index
      %get3A_46 = vector.load %arg4[%get3A_43, %get3A_44, %get3A_45] : memref<3x128x128xf32, #tpu.memory_space<vmem>>, vector<1x128x128xf32>
      %get3A_47 = vector.shape_cast %get3A_46 : vector<1x128x128xf32> to vector<128x128xf32>
      %get3A_48 = arith.constant 0 : index
      %get3A_49 = arith.constant 0 : index
      %get3A_50 = vector.load %arg3[%get3A_48, %get3A_49] : memref<128x1280xf32, #tpu.memory_space<vmem>>, vector<128x1280xf32>
      %dot_general3A_51 = arith.constant dense<0.000000e+00> : vector<128x1280xf32>
      %dot_general3A_52 = tpu.matmul %get3A_47, %get3A_50, %dot_general3A_51 {dimension_numbers = #tpu.dot_dimension_numbers<[0], [0], [1], [1], [0, 1, 1, 1], [], []>, transpose_lhs_hint = false} : vector<128x128xf32>, vector<128x1280xf32>, vector<128x1280xf32> -> vector<128x1280xf32>
      %mul3A_53 = vector.broadcast %get3A_20 : f32 to vector<128x1280xf32>
      %mul3A_54 = arith.mulf %mul3A_53, %dot_general3A_52 : vector<128x1280xf32>
      %add3A_55 = arith.addf %add3A, %mul3A_54 : vector<128x1280xf32>
      %transpose3A = tpu.transpose %add3A_55, [1, 0] : vector<128x1280xf32> -> vector<1280x128xf32>
      %swap3A = arith.constant 0 : index
      %swap3A_56 = arith.constant 0 : index
      %swap3A_57 = vector.load %arg7[%swap3A, %swap3A_56] : memref<1280x128xf32, #tpu.memory_space<vmem>>, vector<1280x128xf32>
      tpu.vector_store %arg7[%swap3A, %swap3A_56], %transpose3A {strides = array<i32>} : memref<1280x128xf32, #tpu.memory_space<vmem>>, vector<1280x128xf32>,
    } else {
    }
    return
  }
  func.func @transform_0(%arg0: i32) -> (i32, i32) {
    %lt3A = arith.constant 8 : i32
    %lt3A_0 = arith.cmpi slt, %arg0, %lt3A : i32
    %eq3A = arith.constant 8 : i32
    %eq3A_1 = arith.cmpi eq, %arg0, %eq3A : i32
    %sub3A = arith.constant 8 : i32
    %sub3A_2 = arith.subi %arg0, %sub3A : i32
    %sub3A_3 = arith.constant 1 : i32
    %sub3A_4 = arith.subi %sub3A_2, %sub3A_3 : i32
    %jit3A = arith.constant 7 : i32
    %select_n3A = arith.select %eq3A_1, %jit3A, %sub3A_4 : i32
    %select_n3A_5 = arith.select %lt3A_0, %arg0, %select_n3A : i32
    %c0_i32 = arith.constant 0 : i32
    %c0_i32_6 = arith.constant 0 : i32
    return %c0_i32, %select_n3A_5 : i32, i32
  }
  func.func @transform_1(%arg0: i32) -> (i32, i32) {
    %lt3A = arith.constant 8 : i32
    %lt3A_0 = arith.cmpi slt, %arg0, %lt3A : i32
    %eq3A = arith.constant 8 : i32
    %eq3A_1 = arith.cmpi eq, %arg0, %eq3A : i32
    %sub3A = arith.constant 8 : i32
    %sub3A_2 = arith.subi %arg0, %sub3A : i32
    %sub3A_3 = arith.constant 1 : i32
    %sub3A_4 = arith.subi %sub3A_2, %sub3A_3 : i32
    %jit3A = arith.constant 7 : i32
    %select_n3A = arith.select %eq3A_1, %jit3A, %sub3A_4 : i32
    %select_n3A_5 = arith.select %lt3A_0, %arg0, %select_n3A : i32
    %c0_i32 = arith.constant 0 : i32
    %c0_i32_6 = arith.constant 0 : i32
    return %c0_i32, %select_n3A_5 : i32, i32
  }
  func.func @transform_2(%arg0: i32) -> (i32, i32) {
    %lt3A = arith.constant 8 : i32
    %lt3A_0 = arith.cmpi slt, %arg0, %lt3A : i32
    %eq3A = arith.constant 8 : i32
    %eq3A_1 = arith.cmpi eq, %arg0, %eq3A : i32
    %sub3A = arith.constant 8 : i32
    %sub3A_2 = arith.subi %arg0, %sub3A : i32
    %sub3A_3 = arith.constant 1 : i32
    %sub3A_4 = arith.subi %sub3A_2, %sub3A_3 : i32
    %jit3A = arith.constant 7 : i32
    %select_n3A = arith.select %eq3A_1, %jit3A, %sub3A_4 : i32
    %select_n3A_5 = arith.select %lt3A_0, %arg0, %select_n3A : i32
    %c0_i32 = arith.constant 0 : i32
    %c0_i32_6 = arith.constant 0 : i32
    return %c0_i32, %select_n3A_5 : i32, i32
  }
  func.func @transform_3(%arg0: i32) -> (i32, i32, i32) {
    %c0_i32 = arith.constant 0 : i32
    %c0_i32_0 = arith.constant 0 : i32
    %c0_i32_1 = arith.constant 0 : i32
    %c0_i32_2 = arith.constant 0 : i32
    return %c0_i32, %c0_i32_0, %c0_i32_1 : i32, i32, i32
  }
  func.func @transform_4(%arg0: i32) -> (i32, i32) {
    %c0_i32 = arith.constant 0 : i32
    %c0_i32_0 = arith.constant 0 : i32
    %c0_i32_1 = arith.constant 0 : i32
    return %c0_i32, %c0_i32_0 : i32, i32
  }
  func.func @transform_5(%arg0: i32) -> (i32, i32) {
    %c0_i32 = arith.constant 0 : i32
    %c0_i32_0 = arith.constant 0 : i32
    %c0_i32_1 = arith.constant 0 : i32
    return %c0_i32, %c0_i32_0 : i32, i32
  }
  func.func @transform_6(%arg0: i32) -> (i32, i32) {
    %sub3A = arith.constant 8 : i32
    %sub3A_0 = arith.subi %arg0, %sub3A : i32
    %sub3A_1 = arith.constant 1 : i32
    %sub3A_2 = arith.subi %sub3A_0, %sub3A_1 : i32
    %max3A = arith.constant 0 : i32
    %max3A_3 = arith.maxsi %sub3A_2, %max3A : i32
    %c0_i32 = arith.constant 0 : i32
    %c0_i32_4 = arith.constant 0 : i32
    return %max3A_3, %c0_i32 : i32, i32
  }
}

</mosaic_0001>

<sc_bundles>
// kernel: kernel.5.cloned.1.call-start
scs
__scs_entry_jumppad:
0x0: {  	(pc) =	sbr.rel $0x88, $3  }
0x1: {  	(tag) =	ssettag $0x0;
	lr =	simm.s32 $0x1  }
0x2: {  	[smem:$0x3F9C] =	sst lr;
	_ =	strace $0xD0000000  }
0x3: {  	_ = 	snop  }
0x4: {  	_ = 	snop  }
0x5: {  	_ = 	snop  }
0x6: {  	_ = 	snop  }
0x7: {  	_ = 	snop  }
__scs_overlays_trampoline_lowered:
0x8: {  	[smem:$0x3FAB] =	sst s0  }
0x9: {  	[smem:$0x3FAC] =	sst s1  }
0xa: {  	[smem:$0x3FAD] =	sst s2  }
0xb: {  	[smem:$0x3FAE] =	sst s3  }
0xc: {  	[smem:$0x3FAF] =	sst s4  }
0xd: {  	[smem:$0x3FB0] =	sst s5  }
0xe: {  	[smem:$0x3FB1] =	sst s6  }
0xf: {  	[smem:$0x3FB2] =	sst s7  }
0x10: {  	[smem:$0x3FB3] =	sst s8  }
0x11: {  	[smem:$0x3FB4] =	sst s9;
	s0 =	simm.s32 @!p0 $0x0  }
0x12: {  	s1 =	sld [smem:$0x3F9A];
	s0 =	simm.s32 @p0 $0x1  }
0x13: {  	[smem:$0x3FB5] =	sst s0;
	s0 =	simm.s32 @!p1 $0x0  }
0x14: {  	s2 =	sld [smem:$0x3F99];
	s0 =	simm.s32 @p1 $0x1  }
0x15: {  	[smem:$0x3FB6] =	sst s0;
	s0 =	simm.s32 @!p2 $0x0  }
0x16: {  	s3 =	sld [smem:$0x3FDB];
	s0 =	simm.s32 @p2 $0x1  }
0x17: {  	s4 =	simm.s32 $0x1BF5;
	[smem:$0x3FB8] =	sst s0  }
0x18: {  	s0 =	sld [smem:$0x3F9B];
	_ =	swait.ge [sflag:s4], $0x0  }
0x19: {  	s7 =	sld [smem:$0x3F9C]  }
0x1a: {  	s8 =	sadd.s32 $0xFFFFE003, lr  }
0x1b: {  	s9 =	sadd.s32 $0xFFFFFEF7, lr;
	s5 =	simm.s32 $0xFFFFFFFF;
	p2 =	slt.u32 s8, $0xFFFFF086  }
0x1c: {  	p1 =	slt.u32 s9, $0xF7A;
	s5 =	simm.s32 @!p2 $0x0  }
0x1d: {  	s5 =	simm.s32 @p1 $0x1;
	p0 =	seq.s32 s7, s2  }
0x1e: {  	s7 =	smul.u32 @!p0 $0xF7A, s2;
	p2 =	seq.s32 @!p0 s5, $0x0  }
0x1f: {  	s9 =	smul.u32 $0xF7A, s1;
	s8 =	simm.s32 @!p0 $0x1BF5;
	p2 =	por !p2, p0  }
0x20: {  	[sflag:s8] =	ssyncset.s32 @!p0 $0xFFFFF086;
	s6 =	sadd.s32 @!p0 s3, s7;
	s7 =	simm.s32 @!p0 $0x108  }
0x21: {  	s3 =	sadd.s32 s3, s9;
	s6 =	sadd.s32 @!p0 $0x88, s6;
	s7 =	simm.s32 @p2 $0x1082  }
0x22: {  	[simem:s7], [sflag:s8] =	dma.local @!p0 [hbm:s6], $0xF7A  }
0x23: {  	s9 =	sor.u32 $0xD0000000, s2;
	s6 =	simm.s32 $0x108;
	_ =	swait.ge @!p0 [sflag:s8], $0x0  }
0x24: {  	s3 =	sadd.s32 $0x88, s3;
	s6 =	simm.s32 @!p1 $0x1082;
	[sflag:s4] =	ssyncset.s32 $0xFFFFF086  }
0x25: {  	[simem:s6], [sflag:s4] =	dma.local [hbm:s3], $0xF7A  }
0x26: {  	[smem:$0x3F9C] =	sst s1;
	(tag) =	ssettag s2;
	_ =	strace s9  }
0x27: {  	s1 =	sld [smem:$0x3FAC]  }
0x28: {  	s2 =	sld [smem:$0x3FAD]  }
0x29: {  	s4 =	sld [smem:$0x3FAF]  }
0x2a: {  	p0 =	seq.s32 s5, $0x0;
	s5 =	sld [smem:$0x3FB0]  }
0x2b: {  	s6 =	sld [smem:$0x3FB1]  }
0x2c: {  	s7 =	sld [smem:$0x3FB2]  }
0x2d: {  	s3 =	simm.s32 $0x108;
	s8 =	sld [smem:$0x3FB3]  }
0x2e: {  	s3 =	simm.s32 @!p0 $0x1082;
	s9 =	sld [smem:$0x3FB4]  }
0x2f: {  	lr =	sadd.s32 s0, s3;
	s0 =	sld [smem:$0x3FAB]  }
0x30: {  	s3 =	sld [smem:$0x3FAE]  }
0x31: {  	[smem:$0x3FB7] =	sst s10  }
0x32: {  	s10 =	sld [smem:$0x3FB5];
	_ =	sdelay $0x3  }
0x33: {  	p0 =	seq.s32 s10, $0x1;
	s10 =	sld [smem:$0x3FB7];
	_ =	sdelay $0x3  }
0x34: {  	[smem:$0x3FB7] =	sst s10  }
0x35: {  	s10 =	sld [smem:$0x3FB6];
	_ =	sdelay $0x3  }
0x36: {  	p1 =	seq.s32 s10, $0x1;
	s10 =	sld [smem:$0x3FB7];
	_ =	sdelay $0x3  }
0x37: {  	[smem:$0x3FB7] =	sst s10  }
0x38: {  	s10 =	sld [smem:$0x3FB8]  }
0x39: {  	_ = 	snop;
	(pc) =	sbr.ind lr, $3  }
0x3a: {  	_ = 	snop  }
0x3b: {  	_ = 	snop  }
0x3c: {  	p2 =	seq.s32 s10, $0x1;
	s10 =	sld [smem:$0x3FB7]  }
0x3d: {  	_ =	shalt  }
0x3e: {  	_ =	shalt  }
0x3f: {  	_ =	shalt  }
0x40: {  	_ =	shalt  }
0x41: {  	_ =	shalt  }
0x42: {  	_ =	shalt  }
0x43: {  	_ =	shalt  }
0x44: {  	_ =	shalt  }
0x45: {  	_ =	shalt  }
0x46: {  	_ =	shalt  }
0x47: {  	_ =	shalt  }
0x48: {  	_ =	shalt  }
0x49: {  	_ =	shalt  }
0x4a: {  	_ =	shalt  }
0x4b: {  	_ =	shalt  }
0x4c: {  	_ =	shalt  }
0x4d: {  	_ =	shalt  }
0x4e: {  	_ =	shalt  }
0x4f: {  	_ =	shalt  }
0x50: {  	_ =	shalt  }
0x51: {  	_ =	shalt  }
0x52: {  	_ =	shalt  }
0x53: {  	_ =	shalt  }
0x54: {  	_ =	shalt  }
0x55: {  	_ =	shalt  }
0x56: {  	_ =	shalt  }
0x57: {  	_ =	shalt  }
0x58: {  	_ =	shalt  }
0x59: {  	_ =	shalt  }
0x5a: {  	_ =	shalt  }
0x5b: {  	_ =	shalt  }
0x5c: {  	_ =	shalt  }
0x5d: {  	_ =	shalt  }
0x5e: {  	_ =	shalt  }
0x5f: {  	_ =	shalt  }
0x60: {  	_ =	shalt  }
0x61: {  	_ =	shalt  }
0x62: {  	_ =	shalt  }
0x63: {  	_ =	shalt  }
0x64: {  	_ =	shalt  }
0x65: {  	_ =	shalt  }
0x66: {  	_ =	shalt  }
0x67: {  	_ =	shalt  }
0x68: {  	_ =	shalt  }
0x69: {  	_ =	shalt  }
0x6a: {  	_ =	shalt  }
0x6b: {  	_ =	shalt  }
0x6c: {  	_ =	shalt  }
0x6d: {  	_ =	shalt  }
0x6e: {  	_ =	shalt  }
0x6f: {  	_ =	shalt  }
0x70: {  	_ =	shalt  }
0x71: {  	_ =	shalt  }
0x72: {  	_ =	shalt  }
0x73: {  	_ =	shalt  }
0x74: {  	_ =	shalt  }
0x75: {  	_ =	shalt  }
0x76: {  	_ =	shalt  }
0x77: {  	_ =	shalt  }
0x78: {  	_ =	shalt  }
0x79: {  	_ =	shalt  }
0x7a: {  	_ =	shalt  }
0x7b: {  	_ =	shalt  }
0x7c: {  	_ =	shalt  }
0x7d: {  	_ =	shalt  }
0x7e: {  	_ =	shalt  }
0x7f: {  	_ =	shalt  }
0x80: {  	_ =	shalt  }
0x81: {  	_ =	shalt  }
0x82: {  	_ =	shalt  }
0x83: {  	_ =	shalt  }
0x84: {  	_ =	shalt  }
0x85: {  	_ =	shalt  }
0x86: {  	_ =	shalt  }
0x87: {  	_ =	shalt  }
.Lfunc_end0:
.L_simem_size_0:
called_computation_lowered:
.L_overlay_start_0:
0x88: {  	s2 =	sld [smem:$0x3FD9]  }
0x89: {  	s3 =	sld [smem:$0x3FFE];
	_ =	sdelay $0x1  }
0x8a: {  	s1 =	srdreg.scid  }
0x8b: {  	s0 =	sand.u32 $0x1, s1  }
0x8c: {  	s14 =	sshll.u32 s0, $0xA;
	s2 =	sadd.s32 s3, s2  }
0x8d: {  	s2 =	sadd.s32 s2, s14  }
0x8e: {  	[smem:$0x3FC3] =	sst s2  }
0x8f: {  	_ = 	snop  }
0x90: {  	s2 =	sld [smem:$0x3FD0];
	_ =	sdelay $0x2  }
0x91: {  	s4 =	simm.s32 $0xA;
	s5 =	simm.s32 $0x10;
	s15 =	sld [smem:$0x3FC7]  }
0x92: {  	[smem:s5], [sflag:s4] =	dma.local [hbm:s2], $0x1  }
0x93: {  	_ =	swait.eq [sflag:s4], $0x1  }
0x94: {  	[sflag:s4] =	ssyncset.done $0x0  }
0x95: {  	[sflag:s4] =	ssyncadd.s32 $0xFFFFFFFF  }
0x96: {  	s16 =	sld [smem:$0x10];
	(tm) =	ssettm $0x1  }
0x97: {  	s17 =	sld [smem:$0x3FFB];
	_ =	sdelay $0x3  }
0x98: {  	_ =	strace s17  }
0x99: {  	s4 =	sld [smem:$0x3FFC];
	_ =	sdelay $0x3  }
0x9a: {  	_ =	strace s4  }
0x9b: {  	s4 =	sld [smem:$0x3FFD];
	_ =	sdelay $0x3  }
0x9c: {  	_ =	strace s4  }
0x9d: {  	_ =	strace $0x8FFFFFFF  }
0x9e: {  	s18 =	sld [smem:$0x3FDB];
	_ =	sdelay $0x1  }
0x9f: {  	s19 =	simm.s32 $_scs_section_size  }
0xa0: {  	s6 =	simm.s32 $_size__tile_overlayer_lowered;
	s7 =	simm.s32 $_tile_overlayer_lowered  }
0xa1: {  	s22 =	simm.s32 $0x1BFF;
	s21 =	sshll.u32 s7, $0x1;
	s4 =	sadd.s32 s19, s18  }
0xa2: {  	s8 =	simm.s32 $0x0;
	s20 =	sshll.u32 s6, $0x1;
	s6 =	sadd.s32 s21, s4  }
0xa3: {  	[timem:s8], [sflag:s22] =	dma.local [hbm:s6], s20  }
0xa4: {  	_ =	swait.ge [sflag:s22], s20  }
0xa5: {  	s5 =	ssub.s32 $0x0, s20;
	[sflag:s22] =	ssyncset.done $0x0  }
0xa6: {  	[sflag:s22] =	ssyncadd.s32 s5;
	_ =	sdelay $0x1  }
0xa7: {  	s23 =	simm.s32 $0x1B8B  }
0xa8: {  	_ =	swait.ge [sflag:s23], $0x1  }
0xa9: {  	[sflag:s23] =	ssyncset.done $0x0  }
0xaa: {  	s25 =	simm.s32 $0x1B8E;
	s24 =	sld [smem:$0x3FFE];
	[sflag:s23] =	ssyncadd.s32 $0xFFFFFFFF  }
0xab: {  	s26 =	simm.s32 $execute0_lowered;
	[smem:$0x3FD2] =	sst s25  }
0xac: {  	s6 =	sshll.u32 s26, $0x1;
	_ =	strace $0x80000046;
	[dreg:$0x1] =	wrdreg $0xFFFFFFFF  }
0xad: {  	s28 =	simm.s32 $_size_execute0_lowered;
	s4 =	sadd.s32 s4, s6;
	[dreg:$0x0] =	wrdreg $0x0  }
0xae: {  	s6 =	sshll.u32 s28, $0x1;
	[dreg:$0x2] =	wrdreg s4  }
0xaf: {  	[dreg:$0x3] =	wrdreg s6  }
0xb0: {  	[dreg:$0x4] =	wrdreg $0xC0  }
0xb1: {  	_ =	task [dreg:s8], $0x5FFFF  }
0xb2: {  	[dreg:$0x1] =	wrdreg $0xFFFFFFFF  }
0xb3: {  	[dreg:$0x0] =	wrdreg $0x60  }
0xb4: {  	[dreg:$0x2] =	wrdreg s24  }
0xb5: {  	[dreg:$0x3] =	wrdreg s16  }
0xb6: {  	[dreg:$0x4] =	wrdreg s15  }
0xb7: {  	[dreg:$0x5] =	wrdreg $0x9  }
0xb8: {  	_ =	task.clear_ibuf [dreg:s8], $0x6FFFF;
	_ =	strace $0x90000046  }
0xb9: {  	s29 =	simm.s32 $0x9;
	_ =	strace $0x80000048  }
0xba: {  	_ =	swait.ge [sflag:s29], $0x1  }
0xbb: {  	[sflag:s29] =	ssyncadd.s32 $0xFFFFFFFF  }
0xbc: {  	_ =	strace $0x90000048  }
0xbd: {  	_ =	sfence  }
0xbe: {  	s30 =	sld [smem:$0x0];
	_ =	sdelay $0x2  }
0xbf: {  	s31 =	sshll.u32 s1, $0xD;
	s1 =	sshrl.u32 s1, $0x2  }
0xc0: {  	s3 =	sand.u32 $0x4000, s31;
	s1 =	sadd.s32 s1, s30  }
0xc1: {  	s0 =	sor.u32 s3, s0;
	s1 =	sshll.u32 s1, $0x11  }
0xc2: {  	s0 =	sor.u32 s1, s0  }
0xc3: {  	s0 =	sadd.s32 $0x8F2B, s0  }
0xc4: {  	[sflag:s0] =	ssyncadd.remote.s32 $0x1  }
0xc5: {  	_ =	sfence.sel $0xFFFF  }
0xc6: {  	[dreg:$0x0] =	wrdreg $0xFFFFFFFF;
	(pc) =	sbr.abs _section_cstart, $3  }
0xc7: {  	[dreg:$0x1] =	wrdreg $0xFFFFFFFF  }
0xc8: {  	_ =	task.clear_ibuf [dreg:s8], $0x2FFFF;
	_ =	strace $0x9FFFFFFF  }
0xc9: {  	(tm) =	ssettm $0x7FFFFFFF  }
tec
execute0_lowered:
.L_overlay_start_1:
0x0: {  	(tag) =	ssettag $0x1  }
0x1: {  	s0 =	rddreg [dreg:$0x0]  }
0x2: {  	s1 =	rddreg [dreg:$0x1]  }
0x3: {  	s3 =	rddreg [dreg:$0x2]  }
0x4: {  	s4 =	simm.s32 $0x0;
	s2 =	srdreg.scid;
	s11 =	stileid.u32  }
0x5: {  	s28 =	simm.s32 $0x17F00;
	s2 =	sand.u32 $0x1, s2;
	s5 =	sshll.u32 s11, $0x1  }
0x6: {  	s29 =	simm.s32 $0x15F80;
	s30 =	simm.s32 $0x19E80;
	s6 =	sor.u32 s2, s5  }
0x7: {  	s31 =	simm.s32 $0x3;
	[smem:$0x7FF] =	sst s4;
	s8 =	smul.u32 $0xA000, s6  }
0x8: {  	s7 =	sadd.s32 $0xE00, s0;
	s9 =	sadd.s32 $0x28E00, s0;
	s6 =	smul.u32 $0x1400, s6  }
0x9: {  	s0 =	sadd.s32 $0x50E00, s0;
	s11 =	smul.u32 $0x7D0, s11;
	s2 =	ssub.s32 $0x2, s2  }
0xa: {  	_ =	strace $0x80000047;
	s10 =	sshrl.u32 s2, $0x1;
	s17 =	sadd.s32 s7, s6  }
0xb: {  	s2 =	ssub.s32 s2, s10;
	s20 =	sadd.s32 s9, s6;
	[dreg:$0x4] =	wrdreg s17  }
0xc: {  	s8 =	sshrl.u32 s8, $0x3;
	s6 =	sadd.s32 s0, s6;
	[dreg:$0x8] =	wrdreg s20  }
0xd: {  	s26 =	smax.u32 s2, $0x1;
	s13 =	sadd.s32 $0x500, s8;
	[dreg:$0xc] =	wrdreg s6  }
0xe: {  	s14 =	sadd.s32 $0xA00, s8;
	[dreg:$0x10] =	wrdreg s26;
	s18 =	sadd.s32 s7, s13  }
0xf: {  	s8 =	sadd.s32 $0xF00, s8;
	s19 =	sadd.s32 s7, s14;
	[dreg:$0x5] =	wrdreg s18  }
0x10: {  	s12 =	sadd.s32 $0x2, s5;
	s7 =	sadd.s32 s7, s8;
	[dreg:$0x6] =	wrdreg s19  }
0x11: {  	s10 =	sadd.s32 s1, s11;
	s21 =	sadd.s32 s9, s13;
	[dreg:$0x7] =	wrdreg s7  }
0x12: {  	s11 =	sadd.s32 s3, s11;
	s22 =	sadd.s32 s9, s14;
	[dreg:$0x9] =	wrdreg s21  }
0x13: {  	s2 =	simm.s32 $0xC800;
	s23 =	sadd.s32 s9, s8;
	[dreg:$0xa] =	wrdreg s22  }
0x14: {  	s26 =	simm.s32 $0x14000;
	s24 =	sadd.s32 s0, s13;
	[dreg:$0xb] =	wrdreg s23  }
0x15: {  	s6 =	simm.s32 $0xF000;
	s25 =	sadd.s32 s0, s14;
	[dreg:$0xd] =	wrdreg s24  }
0x16: {  	s0 =	sadd.s32 s0, s8;
	s8 =	simm.s32 $0x2;
	[dreg:$0xe] =	wrdreg s25  }
0x17: {  	s9 =	simm.s32 $0x4;
	s13 =	simm.s32 $0x0;
	[dreg:$0xf] =	wrdreg s0  }
0x18: {  	s22 =	simm.s32 $0x2800;
	s23 =	simm.s32 $0x5000;
	s24 =	simm.s32 $0x7800  }
0x19: {  	v0 =	vimm.f32 $0.0e+00;
	s25 =	simm.s32 $0x1;
	s0 =	simm.s32 $0xA000;
	s7 =	simm.s32 $0x11800  }
.LBB2_1:
0x1a: {  	s14 =	rddreg [dreg:$0x4]  }
0x1b: {  	[tilespmem:s4], [sflag:$0x1] =	stream.linear.gather [hbm4b:s14+s4], $0x2800, $0x38;
	[tilespmem:$0x1BE00] =	vst v63  }
0x1c: {  	s19 =	rddreg [dreg:$0x5]  }
0x1d: {  	[tilespmem:s22], [sflag:$0x1] =	stream.linear.gather [hbm4b:s19+s4], $0x2800, $0x38;
	[tilespmem:$0x1BE00] =	vst v63  }
0x1e: {  	s20 =	rddreg [dreg:$0x6]  }
0x1f: {  	[tilespmem:s23], [sflag:$0x1] =	stream.linear.gather [hbm4b:s20+s4], $0x2800, $0x38;
	[tilespmem:$0x1BE00] =	vst v63  }
0x20: {  	s21 =	rddreg [dreg:$0x7]  }
0x21: {  	[tilespmem:s24], [sflag:$0x1] =	stream.linear.gather [hbm4b:s21+s4], $0x2800, $0x38;
	[tilespmem:$0x1BE00] =	vst v63  }
0x22: {  	_ =	swait.ge [sflag:s25], $0x2800  }
0x23: {  	[sflag:s25] =	ssyncset.done $0x0  }
0x24: {  	[sflag:s25] =	ssyncadd.s32 $0xFFFFD800  }
0x25: {  	_ =	swait.ge [sflag:s25], $0x2800  }
0x26: {  	[sflag:s25] =	ssyncset.done $0x0  }
0x27: {  	[sflag:s25] =	ssyncadd.s32 $0xFFFFD800  }
0x28: {  	_ =	swait.ge [sflag:s25], $0x2800  }
0x29: {  	[sflag:s25] =	ssyncset.done $0x0  }
0x2a: {  	[sflag:s25] =	ssyncadd.s32 $0xFFFFD800  }
0x2b: {  	_ =	swait.ge [sflag:s25], $0x2800  }
0x2c: {  	[sflag:s25] =	ssyncset.done $0x0  }
0x2d: {  	s16 =	simm.s32 $0xA040;
	[sflag:s25] =	ssyncadd.s32 $0xFFFFD800  }
0x2e: {  	[tilespmem:s16+$0x30] =	vst v0  }
0x2f: {  	[tilespmem:s16+$0xFFFFFFE0] =	vst v0  }
0x30: {  	[tilespmem:s16+$0xFFFFFFF0] =	vst v0  }
0x31: {  	[tilespmem:s16+$0x0] =	vst v0  }
0x32: {  	[tilespmem:s16+$0xFFFFFFC0] =	vst v0  }
0x33: {  	[tilespmem:s16+$0x10] =	vst v0  }
0x34: {  	[tilespmem:s16+$0x20] =	vst v0  }
0x35: {  	s15 =	simm.s32 $0xC840;
	[tilespmem:s16+$0xFFFFFFD0] =	vst v0  }
0x36: {  	[tilespmem:s15+$0x30] =	vst v0  }
0x37: {  	[tilespmem:s15+$0xFFFFFFC0] =	vst v0  }
0x38: {  	[tilespmem:s15+$0x10] =	vst v0  }
0x39: {  	[tilespmem:s15+$0xFFFFFFD0] =	vst v0  }
0x3a: {  	[tilespmem:s15+$0x20] =	vst v0  }
0x3b: {  	[tilespmem:s15+$0x0] =	vst v0  }
0x3c: {  	s14 =	simm.s32 $0xF040;
	[tilespmem:s15+$0xFFFFFFF0] =	vst v0  }
0x3d: {  	[tilespmem:s14+$0x30] =	vst v0  }
0x3e: {  	[tilespmem:s14+$0xFFFFFFC0] =	vst v0  }
0x3f: {  	[tilespmem:s14+$0x10] =	vst v0  }
0x40: {  	[tilespmem:s14+$0xFFFFFFD0] =	vst v0  }
0x41: {  	[tilespmem:s14+$0x20] =	vst v0  }
0x42: {  	[tilespmem:s14+$0x0] =	vst v0  }
0x43: {  	s17 =	simm.s32 $0x11840;
	[tilespmem:s14+$0xFFFFFFF0] =	vst v0  }
0x44: {  	[tilespmem:s17+$0x30] =	vst v0  }
0x45: {  	[tilespmem:s17+$0xFFFFFFC0] =	vst v0  }
0x46: {  	[tilespmem:s17+$0x10] =	vst v0  }
0x47: {  	[tilespmem:s17+$0xFFFFFFD0] =	vst v0  }
0x48: {  	s18 =	simm.s32 $0x0;
	s19 =	simm.s32 $0xF0C0;
	s20 =	simm.s32 $0x118C0;
	[tilespmem:s17+$0x20] =	vst v0  }
.LBB2_2:
0x49: {  	s18 =	sadd.s32 $0x80, s18;
	[tilespmem:s15+$0xFFFFFFE0] =	vst v0;
	s16 =	sadd.s32 $0x80, s16;
	s15 =	sadd.s32 $0x80, s15  }
0x4a: {  	[tilespmem:s16+$0x30] =	vst v0;
	p0 =	slt.u32 s18, $0x2780  }
0x4b: {  	[tilespmem:s15+$0x30] =	vst v0  }
0x4c: {  	[tilespmem:s19+$0x30] =	vst v0  }
0x4d: {  	[tilespmem:s17+$0xFFFFFFF0] =	vst v0  }
0x4e: {  	[tilespmem:s17+$0x0] =	vst v0  }
0x4f: {  	[tilespmem:s14+$0xFFFFFFE0] =	vst v0;
	s14 =	smov.u32 s19  }
0x50: {  	[tilespmem:s17+$0xFFFFFFE0] =	vst v0;
	s17 =	smov.u32 s20  }
0x51: {  	[tilespmem:s20+$0x30] =	vst v0  }
0x52: {  	[tilespmem:s16+$0xFFFFFFE0] =	vst v0  }
0x53: {  	[tilespmem:s16+$0xFFFFFFF0] =	vst v0  }
0x54: {  	[tilespmem:s16+$0x0] =	vst v0  }
0x55: {  	[tilespmem:s16+$0xFFFFFFC0] =	vst v0  }
0x56: {  	[tilespmem:s15+$0xFFFFFFC0] =	vst v0  }
0x57: {  	[tilespmem:s19+$0xFFFFFFC0] =	vst v0  }
0x58: {  	[tilespmem:s20+$0xFFFFFFC0] =	vst v0  }
0x59: {  	[tilespmem:s16+$0x10] =	vst v0  }
0x5a: {  	[tilespmem:s15+$0x10] =	vst v0  }
0x5b: {  	[tilespmem:s19+$0x10] =	vst v0  }
0x5c: {  	[tilespmem:s20+$0x10] =	vst v0  }
0x5d: {  	[tilespmem:s16+$0x20] =	vst v0  }
0x5e: {  	[tilespmem:s16+$0xFFFFFFD0] =	vst v0  }
0x5f: {  	[tilespmem:s15+$0xFFFFFFD0] =	vst v0  }
0x60: {  	[tilespmem:s19+$0xFFFFFFD0] =	vst v0  }
0x61: {  	[tilespmem:s20+$0xFFFFFFD0] =	vst v0  }
0x62: {  	[tilespmem:s15+$0x20] =	vst v0  }
0x63: {  	[tilespmem:s19+$0x20] =	vst v0  }
.Ltmp0:
0x64: {  	[tilespmem:s20+$0x20] =	vst v0;
	(pc) =	sbr.rel @p0 .LBB2_2-.Ltmp0, $4  }
0x65: {  	[tilespmem:s15+$0x0] =	vst v0  }
0x66: {  	[tilespmem:s19+$0x0] =	vst v0  }
0x67: {  	[tilespmem:s15+$0xFFFFFFF0] =	vst v0  }
0x68: {  	s20 =	sadd.s32 $0x80, s20;
	s19 =	sadd.s32 $0x80, s19;
	[tilespmem:s14+$0xFFFFFFF0] =	vst v0  }
0x69: {  	[tilespmem:s15+$0xFFFFFFE0] =	vst v0  }
0x6a: {  	[tilespmem:s17+$0xFFFFFFF0] =	vst v0  }
0x6b: {  	[tilespmem:s17+$0x0] =	vst v0  }
0x6c: {  	[tilespmem:s14+$0xFFFFFFE0] =	vst v0  }
0x6d: {  	s14 =	simm.s32 $0x0;
	[tilespmem:s17+$0xFFFFFFE0] =	vst v0  }
0x6e: {  	[tilespmem:s26], [sflag:$0x1] =	stream.linear.gather [hbm4b:s10+s14], $0x1F40, $0x38;
	[tilespmem:$0x1BE00] =	vst v63  }
0x6f: {  	_ = 	snop  }
0x70: {  	[tilespmem:s28], [sflag:$0x3] =	stream.linear.gather [hbm4b:s11+s14], $0x1F40, $0x38;
	[tilespmem:$0x1BE00] =	vst v63  }
.LBB2_4:
0x71: {  	s15 =	sshll.u32 s14, $0x1  }
0x72: {  	s16 =	sadd.s32 s15, s5  }
0x73: {  	s17 =	sadd.s32 $0x1, s16;
	s16 =	sadd.s32 $0xFFFFFFD9, s16  }
0x74: {  	s16 =	smin.u32 s16, s17  }
0x75: {  	s16 =	smul.u32 $0x1F40, s16;
	_ =	sdelay $0x1  }
0x76: {  	s16 =	sshrl.u32 s16, $0x3  }
0x77: {  	s20 =	sadd.s32 s1, s16  }
0x78: {  	[tilespmem:s29], [sflag:$0x2] =	stream.linear.gather [hbm4b:s20+s4], $0x1F40, $0x38;
	[tilespmem:$0x1BE00] =	vst v63  }
0x79: {  	s16 =	sadd.s32 s3, s16  }
0x7a: {  	[tilespmem:s30], [sflag:$0x4] =	stream.linear.gather [hbm4b:s16+s4], $0x1F40, $0x38;
	[tilespmem:$0x1BE00] =	vst v63  }
0x7b: {  	_ =	swait.ge [sflag:s25], $0x1F40  }
0x7c: {  	[sflag:s25] =	ssyncset.done $0x0  }
0x7d: {  	[sflag:s25] =	ssyncadd.s32 $0xFFFFE0C0  }
0x7e: {  	_ =	swait.ge [sflag:s31], $0x1F40  }
0x7f: {  	[sflag:s31] =	ssyncset.done $0x0  }
0x80: {  	s21 =	simm.s32 $0x14040;
	[sflag:s31] =	ssyncadd.s32 $0xFFFFE0C0  }
0x81: {  	v1 =	vld [tilespmem:s21+$0x30]  }
0x82: {  	v2 =	vld [tilespmem:s21+$0xFFFFFFD0]  }
0x83: {  	v3 =	vld [tilespmem:s21+$0xFFFFFFE0]  }
0x84: {  	v4 =	vld [tilespmem:s21+$0xFFFFFFF0]  }
0x85: {  	v5 =	vld [tilespmem:s21+$0x0]  }
0x86: {  	v7 =	vld [tilespmem:s21+$0x10]  }
0x87: {  	v9 =	vld [tilespmem:s21+$0xFFFFFFC0]  }
0x88: {  	s16 =	simm.s32 $0x17F40;
	v11 =	vld [tilespmem:s21+$0x20];
	v6 =	vand.u32 $0x3FFF, v1  }
0x89: {  	v16 =	vld [tilespmem:s16+$0x30]  }
0x8a: {  	v26 =	vld [tilespmem:s16+$0xFFFFFFC0]  }
0x8b: {  	v27 =	vld [tilespmem:s16+$0xFFFFFFD0]  }
0x8c: {  	v28 =	vld [tilespmem:s16+$0xFFFFFFE0]  }
0x8d: {  	v8 =	vand.u32 $0x3FFF, v2;
	v14 =	vld.idx.msk [tilespmem:v6+s4+$0x0], $0xffff  }
0x8e: {  	v29 =	vld [tilespmem:s16+$0xFFFFFFF0];
	v10 =	vand.u32 $0x3FFF, v3  }
0x8f: {  	v31 =	vld [tilespmem:s16+$0x0];
	v20 =	vshrl.u32 v1, $0xE  }
0x90: {  	v33 =	vld [tilespmem:s16+$0x10]  }
0x91: {  	v12 =	vand.u32 $0x3FFF, v4;
	v35 =	vshrl.u32 v4, $0xE;
	v4 =	vld [tilespmem:s16+$0x20]  }
0x92: {  	v15 =	vand.u32 $0x3FFF, v7;
	v18 =	vld.idx.msk [tilespmem:v8+s4+$0x0], $0xffff;
	v1 =	vmul.f32 v14, v16  }
0x93: {  	v13 =	vand.u32 $0x3FFF, v5;
	v19 =	vld.idx.msk [tilespmem:v10+s4+$0x0], $0xffff  }
0x94: {  	v22 =	vand.u32 $0x3FFF, v11;
	[tilespmem:v20+s0+$0x0] =	vst.idx.add.f32.msk $0xffff, v1  }
0x95: {  	v17 =	vand.u32 $0x3FFF, v9;
	v1 =	vld.idx.msk [tilespmem:v6+s22+$0x0], $0xffff  }
0x96: {  	v34 =	vshrl.u32 v3, $0xE;
	v21 =	vld.idx.msk [tilespmem:v12+s4+$0x0], $0xffff  }
0x97: {  	v24 =	vld.idx.msk [tilespmem:v15+s4+$0x0], $0xffff  }
0x98: {  	v23 =	vld.idx.msk [tilespmem:v13+s4+$0x0], $0xffff  }
0x99: {  	v32 =	vshrl.u32 v2, $0xE;
	v2 =	vshrl.u32 v7, $0xE;
	v25 =	vld.idx.msk [tilespmem:v22+s4+$0x0], $0xffff;
	v7 =	vmul.f32 v19, v28  }
0x9a: {  	v14 =	vld.idx.msk [tilespmem:v17+s4+$0x0], $0xffff;
	v1 =	vmul.f32 v1, v16  }
0x9b: {  	[tilespmem:v34+s0+$0x0] =	vst.idx.add.f32.msk $0xffff, v7  }
0x9c: {  	v30 =	vshrl.u32 v9, $0xE;
	v7 =	vmul.f32 v24, v33;
	[tilespmem:v20+s2+$0x0] =	vst.idx.add.f32.msk $0xffff, v1  }
0x9d: {  	v1 =	vshrl.u32 v5, $0xE;
	v9 =	vld.idx.msk [tilespmem:v6+s23+$0x0], $0xffff  }
0x9e: {  	[tilespmem:v2+s0+$0x0] =	vst.idx.add.f32.msk $0xffff, v7;
	v5 =	vmul.f32 v18, v27  }
0x9f: {  	v3 =	vmul.f32 v14, v26;
	v62 =	vld.idx.msk [tilespmem:v15+s22+$0x0], $0xffff  }
0xa0: {  	[tilespmem:v32+s0+$0x0] =	vst.idx.add.f32.msk $0xffff, v5;
	v5 =	vmul.f32 v23, v31  }
0xa1: {  	v14 =	vmul.f32 v21, v29;
	[tilespmem:v30+s0+$0x0] =	vst.idx.add.f32.msk $0xffff, v3;
	v3 =	vshrl.u32 v11, $0xE  }
0xa2: {  	[tilespmem:v1+s0+$0x0] =	vst.idx.add.f32.msk $0xffff, v5;
	v5 =	vmul.f32 v9, v16  }
0xa3: {  	[tilespmem:v35+s0+$0x0] =	vst.idx.add.f32.msk $0xffff, v14  }
0xa4: {  	v7 =	vmul.f32 v25, v4;
	[tilespmem:v20+s6+$0x0] =	vst.idx.add.f32.msk $0xffff, v5  }
0xa5: {  	v5 =	vld.idx.msk [tilespmem:v6+s24+$0x0], $0xffff  }
0xa6: {  	[tilespmem:v3+s0+$0x0] =	vst.idx.add.f32.msk $0xffff, v7  }
0xa7: {  	v6 =	vld.idx.msk [tilespmem:v17+s22+$0x0], $0xffff  }
0xa8: {  	v7 =	vld.idx.msk [tilespmem:v8+s22+$0x0], $0xffff  }
0xa9: {  	v9 =	vld.idx.msk [tilespmem:v10+s22+$0x0], $0xffff  }
0xaa: {  	v11 =	vld.idx.msk [tilespmem:v12+s22+$0x0], $0xffff;
	v5 =	vmul.f32 v5, v16  }
0xab: {  	v14 =	vld.idx.msk [tilespmem:v13+s22+$0x0], $0xffff  }
0xac: {  	v6 =	vmul.f32 v6, v26;
	[tilespmem:v20+s7+$0x0] =	vst.idx.add.f32.msk $0xffff, v5  }
0xad: {  	v5 =	vmul.f32 v7, v27;
	v7 =	vld.idx.msk [tilespmem:v22+s22+$0x0], $0xffff  }
0xae: {  	[tilespmem:v30+s2+$0x0] =	vst.idx.add.f32.msk $0xffff, v6;
	v6 =	vmul.f32 v9, v28  }
0xaf: {  	[tilespmem:v32+s2+$0x0] =	vst.idx.add.f32.msk $0xffff, v5;
	v5 =	vmul.f32 v11, v29  }
0xb0: {  	[tilespmem:v34+s2+$0x0] =	vst.idx.add.f32.msk $0xffff, v6;
	v6 =	vmul.f32 v14, v31  }
0xb1: {  	[tilespmem:v35+s2+$0x0] =	vst.idx.add.f32.msk $0xffff, v5  }
0xb2: {  	[tilespmem:v1+s2+$0x0] =	vst.idx.add.f32.msk $0xffff, v6  }
0xb3: {  	v5 =	vmul.f32 v62, v33;
	v6 =	vld.idx.msk [tilespmem:v17+s23+$0x0], $0xffff  }
0xb4: {  	v9 =	vld.idx.msk [tilespmem:v12+s23+$0x0], $0xffff  }
0xb5: {  	[tilespmem:v2+s2+$0x0] =	vst.idx.add.f32.msk $0xffff, v5;
	v5 =	vmul.f32 v7, v4  }
0xb6: {  	v7 =	vld.idx.msk [tilespmem:v10+s23+$0x0], $0xffff  }
0xb7: {  	[tilespmem:v3+s2+$0x0] =	vst.idx.add.f32.msk $0xffff, v5  }
0xb8: {  	v5 =	vld.idx.msk [tilespmem:v8+s23+$0x0], $0xffff  }
0xb9: {  	v11 =	vld.idx.msk [tilespmem:v13+s23+$0x0], $0xffff  }
0xba: {  	v14 =	vld.idx.msk [tilespmem:v15+s23+$0x0], $0xffff;
	v6 =	vmul.f32 v6, v26  }
0xbb: {  	v63 =	vld.idx.msk [tilespmem:v22+s23+$0x0], $0xffff  }
0xbc: {  	[tilespmem:v30+s6+$0x0] =	vst.idx.add.f32.msk $0xffff, v6;
	v7 =	vmul.f32 v7, v28  }
0xbd: {  	v6 =	vld.idx.msk [tilespmem:v17+s24+$0x0], $0xffff;
	v5 =	vmul.f32 v5, v27  }
0xbe: {  	[tilespmem:v34+s6+$0x0] =	vst.idx.add.f32.msk $0xffff, v7;
	v7 =	vmul.f32 v11, v31  }
0xbf: {  	[tilespmem:v32+s6+$0x0] =	vst.idx.add.f32.msk $0xffff, v5;
	v5 =	vmul.f32 v9, v29  }
0xc0: {  	[tilespmem:v1+s6+$0x0] =	vst.idx.add.f32.msk $0xffff, v7;
	v7 =	vmul.f32 v63, v4  }
0xc1: {  	[tilespmem:v35+s6+$0x0] =	vst.idx.add.f32.msk $0xffff, v5;
	v5 =	vmul.f32 v14, v33  }
0xc2: {  	[tilespmem:v3+s6+$0x0] =	vst.idx.add.f32.msk $0xffff, v7  }
0xc3: {  	[tilespmem:v2+s6+$0x0] =	vst.idx.add.f32.msk $0xffff, v5  }
0xc4: {  	v5 =	vld.idx.msk [tilespmem:v8+s24+$0x0], $0xffff  }
0xc5: {  	v7 =	vld.idx.msk [tilespmem:v10+s24+$0x0], $0xffff  }
0xc6: {  	v8 =	vld.idx.msk [tilespmem:v12+s24+$0x0], $0xffff  }
0xc7: {  	v10 =	vld.idx.msk [tilespmem:v13+s24+$0x0], $0xffff  }
0xc8: {  	v6 =	vmul.f32 v6, v26;
	v12 =	vld.idx.msk [tilespmem:v15+s24+$0x0], $0xffff  }
0xc9: {  	v9 =	vld.idx.msk [tilespmem:v22+s24+$0x0], $0xffff;
	v5 =	vmul.f32 v5, v27  }
0xca: {  	[tilespmem:v30+s7+$0x0] =	vst.idx.add.f32.msk $0xffff, v6;
	v6 =	vmul.f32 v7, v28  }
0xcb: {  	[tilespmem:v32+s7+$0x0] =	vst.idx.add.f32.msk $0xffff, v5;
	v5 =	vmul.f32 v8, v29  }
0xcc: {  	s18 =	simm.s32 $0x19E00;
	s19 =	simm.s32 $0x15F00;
	[tilespmem:v34+s7+$0x0] =	vst.idx.add.f32.msk $0xffff, v6  }
0xcd: {  	s17 =	simm.s32 $0x1EF0;
	s20 =	simm.s32 $0x0;
	s21 =	simm.s32 $0x140C0;
	v11 =	vmul.f32 v10, v31;
	v14 =	vmul.f32 v12, v33;
	[tilespmem:v35+s7+$0x0] =	vst.idx.add.f32.msk $0xffff, v5  }
.LBB2_5:
0xce: {  	v17 =	vld [tilespmem:s21+$0x30];
	s20 =	sadd.s32 $0x80, s20;
	v5 =	vmul.f32 v9, v4  }
0xcf: {  	v4 =	vld [tilespmem:s21+$0xFFFFFFD0];
	p0 =	slt.u32 s20, $0x1E80  }
0xd0: {  	v8 =	vld [tilespmem:s21+$0xFFFFFFE0]  }
0xd1: {  	v12 =	vld [tilespmem:s21+$0xFFFFFFF0]  }
0xd2: {  	v13 =	vld [tilespmem:s21+$0x0]  }
0xd3: {  	v15 =	vld [tilespmem:s21+$0x10];
	v22 =	vand.u32 $0x3FFF, v17  }
0xd4: {  	v6 =	vshrl.u32 v4, $0xE;
	v9 =	vand.u32 $0x3FFF, v4;
	v4 =	vld [tilespmem:s21+$0x20]  }
0xd5: {  	v18 =	vld [tilespmem:s21+$0xFFFFFFC0];
	v7 =	vshrl.u32 v8, $0xE;
	v10 =	vand.u32 $0x3FFF, v8  }
0xd6: {  	v8 =	vshrl.u32 v12, $0xE;
	v12 =	vand.u32 $0x3FFF, v12;
	[tilespmem:v1+s7+$0x0] =	vst.idx.add.f32.msk $0xffff, v11  }
0xd7: {  	v1 =	vshrl.u32 v13, $0xE;
	v13 =	vand.u32 $0x3FFF, v13;
	[tilespmem:v2+s7+$0x0] =	vst.idx.add.f32.msk $0xffff, v14  }
0xd8: {  	s16 =	sadd.s32 $0x80, s16;
	v2 =	vshrl.u32 v15, $0xE;
	v14 =	vand.u32 $0x3FFF, v15;
	v19 =	vld.idx.msk [tilespmem:v22+s4+$0x0], $0xffff  }
0xd9: {  	v11 =	vshrl.u32 v4, $0xE;
	v15 =	vand.u32 $0x3FFF, v4;
	v23 =	vld [tilespmem:s16+$0x30]  }
0xda: {  	v16 =	vshrl.u32 v18, $0xE;
	v24 =	vand.u32 $0x3FFF, v18;
	v4 =	vld.idx.msk [tilespmem:v9+s4+$0x0], $0xffff  }
0xdb: {  	v26 =	vshrl.u32 v17, $0xE;
	v25 =	vld.idx.msk [tilespmem:v10+s4+$0x0], $0xffff  }
0xdc: {  	v27 =	vld.idx.msk [tilespmem:v12+s4+$0x0], $0xffff  }
0xdd: {  	v28 =	vld.idx.msk [tilespmem:v13+s4+$0x0], $0xffff  }
0xde: {  	v29 =	vld.idx.msk [tilespmem:v14+s4+$0x0], $0xffff;
	v17 =	vmul.f32 v19, v23  }
0xdf: {  	v19 =	vld.idx.msk [tilespmem:v24+s4+$0x0], $0xffff  }
0xe0: {  	[tilespmem:v26+s0+$0x0] =	vst.idx.add.f32.msk $0xffff, v17  }
0xe1: {  	v30 =	vld.idx.msk [tilespmem:v22+s22+$0x0], $0xffff  }
0xe2: {  	v31 =	vld.idx.msk [tilespmem:v15+s4+$0x0], $0xffff  }
0xe3: {  	v32 =	vld [tilespmem:s16+$0xFFFFFFC0]  }
0xe4: {  	v20 =	vld [tilespmem:s16+$0xFFFFFFD0]  }
0xe5: {  	v21 =	vld [tilespmem:s16+$0xFFFFFFE0]  }
0xe6: {  	v18 =	vld [tilespmem:s16+$0xFFFFFFF0]  }
0xe7: {  	v30 =	vmul.f32 v30, v23;
	v17 =	vld [tilespmem:s16+$0x0]  }
0xe8: {  	v33 =	vmul.f32 v19, v32;
	v19 =	vld [tilespmem:s16+$0x10]  }
0xe9: {  	v34 =	vmul.f32 v4, v20;
	[tilespmem:v26+s2+$0x0] =	vst.idx.add.f32.msk $0xffff, v30  }
0xea: {  	v25 =	vmul.f32 v25, v21;
	v30 =	vld.idx.msk [tilespmem:v22+s23+$0x0], $0xffff  }
0xeb: {  	v27 =	vmul.f32 v27, v18;
	v4 =	vld [tilespmem:s16+$0x20]  }
0xec: {  	[tilespmem:v16+s0+$0x0] =	vst.idx.add.f32.msk $0xffff, v33;
	v28 =	vmul.f32 v28, v17  }
0xed: {  	[tilespmem:v6+s0+$0x0] =	vst.idx.add.f32.msk $0xffff, v34;
	v29 =	vmul.f32 v29, v19  }
0xee: {  	[tilespmem:v7+s0+$0x0] =	vst.idx.add.f32.msk $0xffff, v25  }
0xef: {  	[tilespmem:v8+s0+$0x0] =	vst.idx.add.f32.msk $0xffff, v27  }
0xf0: {  	v27 =	vmul.f32 v30, v23;
	[tilespmem:v1+s0+$0x0] =	vst.idx.add.f32.msk $0xffff, v28;
	v25 =	vmul.f32 v31, v4  }
0xf1: {  	[tilespmem:v2+s0+$0x0] =	vst.idx.add.f32.msk $0xffff, v29  }
0xf2: {  	[tilespmem:v26+s6+$0x0] =	vst.idx.add.f32.msk $0xffff, v27  }
0xf3: {  	v22 =	vld.idx.msk [tilespmem:v22+s24+$0x0], $0xffff  }
0xf4: {  	[tilespmem:v11+s0+$0x0] =	vst.idx.add.f32.msk $0xffff, v25  }
0xf5: {  	v25 =	vld.idx.msk [tilespmem:v24+s22+$0x0], $0xffff  }
0xf6: {  	v27 =	vld.idx.msk [tilespmem:v9+s22+$0x0], $0xffff  }
0xf7: {  	v28 =	vld.idx.msk [tilespmem:v10+s22+$0x0], $0xffff  }
0xf8: {  	v29 =	vld.idx.msk [tilespmem:v12+s22+$0x0], $0xffff  }
0xf9: {  	v22 =	vmul.f32 v22, v23;
	v30 =	vld.idx.msk [tilespmem:v13+s22+$0x0], $0xffff  }
0xfa: {  	v23 =	vld.idx.msk [tilespmem:v14+s22+$0x0], $0xffff  }
0xfb: {  	v25 =	vmul.f32 v25, v32;
	[tilespmem:v26+s7+$0x0] =	vst.idx.add.f32.msk $0xffff, v22  }
0xfc: {  	v22 =	vmul.f32 v27, v20;
	v26 =	vld.idx.msk [tilespmem:v15+s22+$0x0], $0xffff  }
0xfd: {  	[tilespmem:v16+s2+$0x0] =	vst.idx.add.f32.msk $0xffff, v25;
	v25 =	vmul.f32 v28, v21  }
0xfe: {  	[tilespmem:v6+s2+$0x0] =	vst.idx.add.f32.msk $0xffff, v22;
	v22 =	vmul.f32 v29, v18  }
0xff: {  	[tilespmem:v7+s2+$0x0] =	vst.idx.add.f32.msk $0xffff, v25;
	v25 =	vmul.f32 v30, v17  }
0x100: {  	[tilespmem:v8+s2+$0x0] =	vst.idx.add.f32.msk $0xffff, v22;
	v22 =	vmul.f32 v23, v19  }
0x101: {  	[tilespmem:v1+s2+$0x0] =	vst.idx.add.f32.msk $0xffff, v25  }
0x102: {  	[tilespmem:v2+s2+$0x0] =	vst.idx.add.f32.msk $0xffff, v22;
	v22 =	vmul.f32 v26, v4  }
0x103: {  	v23 =	vld.idx.msk [tilespmem:v24+s23+$0x0], $0xffff  }
0x104: {  	[tilespmem:v11+s2+$0x0] =	vst.idx.add.f32.msk $0xffff, v22  }
0x105: {  	v22 =	vld.idx.msk [tilespmem:v9+s23+$0x0], $0xffff  }
0x106: {  	v25 =	vld.idx.msk [tilespmem:v10+s23+$0x0], $0xffff  }
0x107: {  	v26 =	vld.idx.msk [tilespmem:v12+s23+$0x0], $0xffff  }
0x108: {  	v27 =	vld.idx.msk [tilespmem:v13+s23+$0x0], $0xffff  }
0x109: {  	v23 =	vmul.f32 v23, v32;
	v28 =	vld.idx.msk [tilespmem:v14+s23+$0x0], $0xffff  }
0x10a: {  	v29 =	vld.idx.msk [tilespmem:v15+s23+$0x0], $0xffff  }
0x10b: {  	v22 =	vmul.f32 v22, v20;
	[tilespmem:v16+s6+$0x0] =	vst.idx.add.f32.msk $0xffff, v23  }
0x10c: {  	v23 =	vld.idx.msk [tilespmem:v24+s24+$0x0], $0xffff;
	v24 =	vmul.f32 v25, v21  }
0x10d: {  	[tilespmem:v6+s6+$0x0] =	vst.idx.add.f32.msk $0xffff, v22;
	v22 =	vmul.f32 v26, v18  }
0x10e: {  	[tilespmem:v7+s6+$0x0] =	vst.idx.add.f32.msk $0xffff, v24;
	v24 =	vmul.f32 v27, v17  }
0x10f: {  	[tilespmem:v8+s6+$0x0] =	vst.idx.add.f32.msk $0xffff, v22;
	v22 =	vmul.f32 v28, v19  }
0x110: {  	[tilespmem:v1+s6+$0x0] =	vst.idx.add.f32.msk $0xffff, v24;
	v24 =	vmul.f32 v29, v4  }
0x111: {  	[tilespmem:v2+s6+$0x0] =	vst.idx.add.f32.msk $0xffff, v22  }
0x112: {  	v22 =	vmul.f32 v23, v32;
	[tilespmem:v11+s6+$0x0] =	vst.idx.add.f32.msk $0xffff, v24  }
0x113: {  	v23 =	vld.idx.msk [tilespmem:v9+s24+$0x0], $0xffff  }
0x114: {  	v10 =	vld.idx.msk [tilespmem:v10+s24+$0x0], $0xffff  }
0x115: {  	v12 =	vld.idx.msk [tilespmem:v12+s24+$0x0], $0xffff  }
0x116: {  	v13 =	vld.idx.msk [tilespmem:v13+s24+$0x0], $0xffff  }
0x117: {  	v14 =	vld.idx.msk [tilespmem:v14+s24+$0x0], $0xffff  }
0x118: {  	v9 =	vld.idx.msk [tilespmem:v15+s24+$0x0], $0xffff  }
.Ltmp1:
0x119: {  	v15 =	vmul.f32 v23, v20;
	[tilespmem:v16+s7+$0x0] =	vst.idx.add.f32.msk $0xffff, v22;
	(pc) =	sbr.rel @p0 .LBB2_5-.Ltmp1, $4  }
0x11a: {  	v10 =	vmul.f32 v10, v21;
	[tilespmem:v3+s7+$0x0] =	vst.idx.add.f32.msk $0xffff, v5;
	v3 =	vmov v11  }
0x11b: {  	v5 =	vmul.f32 v12, v18;
	[tilespmem:v6+s7+$0x0] =	vst.idx.add.f32.msk $0xffff, v15  }
0x11c: {  	v11 =	vmul.f32 v13, v17;
	[tilespmem:v7+s7+$0x0] =	vst.idx.add.f32.msk $0xffff, v10  }
0x11d: {  	s21 =	sadd.s32 $0x80, s21;
	v14 =	vmul.f32 v14, v19;
	[tilespmem:v8+s7+$0x0] =	vst.idx.add.f32.msk $0xffff, v5  }
0x11e: {  	_ =	sdelay $0x3  }
0x11f: {  	v4 =	vmul.f32 v9, v4;
	[tilespmem:v1+s7+$0x0] =	vst.idx.add.f32.msk $0xffff, v11  }
0x120: {  	[tilespmem:v2+s7+$0x0] =	vst.idx.add.f32.msk $0xffff, v14  }
0x121: {  	[tilespmem:v3+s7+$0x0] =	vst.idx.add.f32.msk $0xffff, v4  }
.LBB2_7:
0x122: {  	v1 =	vld [tilespmem:s19+$0x0];
	_ =	sdelay $0x4  }
0x123: {  	v2 =	vand.u32 $0x3FFF, v1;
	_ =	sdelay $0x3  }
0x124: {  	v3 =	vld [tilespmem:s18+$0x0]  }
0x125: {  	v4 =	vld.idx.msk [tilespmem:v2+s4+$0x0], $0xffff;
	_ =	sdelay $0x1  }
0x126: {  	v1 =	vshrl.u32 v1, $0xE;
	_ =	sdelay $0x2  }
0x127: {  	v4 =	vmul.f32 v4, v3;
	_ =	sdelay $0x1  }
0x128: {  	[tilespmem:v1+s0+$0x0] =	vst.idx.add.f32.msk $0xffff, v4  }
0x129: {  	v4 =	vld.idx.msk [tilespmem:v2+s22+$0x0], $0xffff;
	_ =	sdelay $0x4  }
0x12a: {  	v4 =	vmul.f32 v4, v3;
	_ =	sdelay $0x1  }
0x12b: {  	[tilespmem:v1+s2+$0x0] =	vst.idx.add.f32.msk $0xffff, v4  }
0x12c: {  	v4 =	vld.idx.msk [tilespmem:v2+s23+$0x0], $0xffff;
	_ =	sdelay $0x4  }
0x12d: {  	v4 =	vmul.f32 v4, v3;
	_ =	sdelay $0x1  }
0x12e: {  	[tilespmem:v1+s6+$0x0] =	vst.idx.add.f32.msk $0xffff, v4  }
0x12f: {  	v2 =	vld.idx.msk [tilespmem:v2+s24+$0x0], $0xffff  }
0x130: {  	s17 =	sadd.s32 $0x10, s17  }
0x131: {  	p0 =	slt.u32 s17, $0x1F30  }
.Ltmp2:
0x132: {  	_ = 	snop;
	(pc) =	sbr.rel @p0 .LBB2_7-.Ltmp2, $3  }
0x133: {  	_ = 	snop  }
0x134: {  	v2 =	vmul.f32 v2, v3;
	_ =	sdelay $0x1  }
0x135: {  	s18 =	sadd.s32 $0x10, s18;
	s19 =	sadd.s32 $0x10, s19;
	[tilespmem:v1+s7+$0x0] =	vst.idx.add.f32.msk $0xffff, v2  }
0x136: {  	s15 =	smin.u32 s15, $0x25  }
0x137: {  	s15 =	sadd.s32 s15, s12  }
0x138: {  	s16 =	sadd.s32 $0xFFFFFFD8, s15  }
0x139: {  	s15 =	smin.u32 s16, s15  }
0x13a: {  	s15 =	smul.u32 $0x1F40, s15;
	_ =	sdelay $0x1  }
0x13b: {  	s15 =	sshrl.u32 s15, $0x3  }
0x13c: {  	s20 =	sadd.s32 s1, s15  }
0x13d: {  	[tilespmem:s26], [sflag:$0x1] =	stream.linear.gather [hbm4b:s20+s4], $0x1F40, $0x38;
	[tilespmem:$0x1BE00] =	vst v63  }
0x13e: {  	s15 =	sadd.s32 s3, s15  }
0x13f: {  	[tilespmem:s28], [sflag:$0x3] =	stream.linear.gather [hbm4b:s15+s4], $0x1F40, $0x38;
	[tilespmem:$0x1BE00] =	vst v63  }
0x140: {  	_ =	swait.ge [sflag:s8], $0x1F40  }
0x141: {  	[sflag:s8] =	ssyncset.done $0x0  }
0x142: {  	[sflag:s8] =	ssyncadd.s32 $0xFFFFE0C0  }
0x143: {  	_ =	swait.ge [sflag:s9], $0x1F40  }
0x144: {  	[sflag:s9] =	ssyncset.done $0x0  }
0x145: {  	s21 =	simm.s32 $0x15FC0;
	[sflag:s9] =	ssyncadd.s32 $0xFFFFE0C0  }
0x146: {  	v1 =	vld [tilespmem:s21+$0x30]  }
0x147: {  	v2 =	vld [tilespmem:s21+$0xFFFFFFD0]  }
0x148: {  	v3 =	vld [tilespmem:s21+$0xFFFFFFE0]  }
0x149: {  	v4 =	vld [tilespmem:s21+$0xFFFFFFF0]  }
0x14a: {  	v5 =	vld [tilespmem:s21+$0x0]  }
0x14b: {  	v7 =	vld [tilespmem:s21+$0x10]  }
0x14c: {  	v9 =	vld [tilespmem:s21+$0xFFFFFFC0]  }
0x14d: {  	s15 =	simm.s32 $0x19EC0;
	v11 =	vld [tilespmem:s21+$0x20];
	v6 =	vand.u32 $0x3FFF, v1  }
0x14e: {  	v16 =	vld [tilespmem:s15+$0x30]  }
0x14f: {  	v26 =	vld [tilespmem:s15+$0xFFFFFFC0]  }
0x150: {  	v27 =	vld [tilespmem:s15+$0xFFFFFFD0]  }
0x151: {  	v28 =	vld [tilespmem:s15+$0xFFFFFFE0]  }
0x152: {  	v8 =	vand.u32 $0x3FFF, v2;
	v14 =	vld.idx.msk [tilespmem:v6+s4+$0x0], $0xffff  }
0x153: {  	v29 =	vld [tilespmem:s15+$0xFFFFFFF0];
	v10 =	vand.u32 $0x3FFF, v3  }
0x154: {  	v31 =	vld [tilespmem:s15+$0x0];
	v20 =	vshrl.u32 v1, $0xE  }
0x155: {  	v33 =	vld [tilespmem:s15+$0x10]  }
0x156: {  	v12 =	vand.u32 $0x3FFF, v4;
	v35 =	vshrl.u32 v4, $0xE;
	v4 =	vld [tilespmem:s15+$0x20]  }
0x157: {  	v15 =	vand.u32 $0x3FFF, v7;
	v18 =	vld.idx.msk [tilespmem:v8+s4+$0x0], $0xffff;
	v1 =	vmul.f32 v14, v16  }
0x158: {  	v13 =	vand.u32 $0x3FFF, v5;
	v19 =	vld.idx.msk [tilespmem:v10+s4+$0x0], $0xffff  }
0x159: {  	v22 =	vand.u32 $0x3FFF, v11;
	[tilespmem:v20+s0+$0x0] =	vst.idx.add.f32.msk $0xffff, v1  }
0x15a: {  	v17 =	vand.u32 $0x3FFF, v9;
	v1 =	vld.idx.msk [tilespmem:v6+s22+$0x0], $0xffff  }
0x15b: {  	v34 =	vshrl.u32 v3, $0xE;
	v21 =	vld.idx.msk [tilespmem:v12+s4+$0x0], $0xffff  }
0x15c: {  	v24 =	vld.idx.msk [tilespmem:v15+s4+$0x0], $0xffff  }
0x15d: {  	v23 =	vld.idx.msk [tilespmem:v13+s4+$0x0], $0xffff  }
0x15e: {  	v32 =	vshrl.u32 v2, $0xE;
	v2 =	vshrl.u32 v7, $0xE;
	v25 =	vld.idx.msk [tilespmem:v22+s4+$0x0], $0xffff;
	v7 =	vmul.f32 v19, v28  }
0x15f: {  	v14 =	vld.idx.msk [tilespmem:v17+s4+$0x0], $0xffff;
	v1 =	vmul.f32 v1, v16  }
0x160: {  	[tilespmem:v34+s0+$0x0] =	vst.idx.add.f32.msk $0xffff, v7  }
0x161: {  	v30 =	vshrl.u32 v9, $0xE;
	v7 =	vmul.f32 v24, v33;
	[tilespmem:v20+s2+$0x0] =	vst.idx.add.f32.msk $0xffff, v1  }
0x162: {  	v1 =	vshrl.u32 v5, $0xE;
	v9 =	vld.idx.msk [tilespmem:v6+s23+$0x0], $0xffff  }
0x163: {  	[tilespmem:v2+s0+$0x0] =	vst.idx.add.f32.msk $0xffff, v7;
	v5 =	vmul.f32 v18, v27  }
0x164: {  	v3 =	vmul.f32 v14, v26;
	v62 =	vld.idx.msk [tilespmem:v15+s22+$0x0], $0xffff  }
0x165: {  	[tilespmem:v32+s0+$0x0] =	vst.idx.add.f32.msk $0xffff, v5;
	v5 =	vmul.f32 v23, v31  }
0x166: {  	v14 =	vmul.f32 v21, v29;
	[tilespmem:v30+s0+$0x0] =	vst.idx.add.f32.msk $0xffff, v3;
	v3 =	vshrl.u32 v11, $0xE  }
0x167: {  	[tilespmem:v1+s0+$0x0] =	vst.idx.add.f32.msk $0xffff, v5;
	v5 =	vmul.f32 v9, v16  }
0x168: {  	[tilespmem:v35+s0+$0x0] =	vst.idx.add.f32.msk $0xffff, v14  }
0x169: {  	v7 =	vmul.f32 v25, v4;
	[tilespmem:v20+s6+$0x0] =	vst.idx.add.f32.msk $0xffff, v5  }
0x16a: {  	v5 =	vld.idx.msk [tilespmem:v6+s24+$0x0], $0xffff  }
0x16b: {  	[tilespmem:v3+s0+$0x0] =	vst.idx.add.f32.msk $0xffff, v7  }
0x16c: {  	v6 =	vld.idx.msk [tilespmem:v17+s22+$0x0], $0xffff  }
0x16d: {  	v7 =	vld.idx.msk [tilespmem:v8+s22+$0x0], $0xffff  }
0x16e: {  	v9 =	vld.idx.msk [tilespmem:v10+s22+$0x0], $0xffff  }
0x16f: {  	v11 =	vld.idx.msk [tilespmem:v12+s22+$0x0], $0xffff;
	v5 =	vmul.f32 v5, v16  }
0x170: {  	v14 =	vld.idx.msk [tilespmem:v13+s22+$0x0], $0xffff  }
0x171: {  	v6 =	vmul.f32 v6, v26;
	[tilespmem:v20+s7+$0x0] =	vst.idx.add.f32.msk $0xffff, v5  }
0x172: {  	v5 =	vmul.f32 v7, v27;
	v7 =	vld.idx.msk [tilespmem:v22+s22+$0x0], $0xffff  }
0x173: {  	[tilespmem:v30+s2+$0x0] =	vst.idx.add.f32.msk $0xffff, v6;
	v6 =	vmul.f32 v9, v28  }
0x174: {  	[tilespmem:v32+s2+$0x0] =	vst.idx.add.f32.msk $0xffff, v5;
	v5 =	vmul.f32 v11, v29  }
0x175: {  	[tilespmem:v34+s2+$0x0] =	vst.idx.add.f32.msk $0xffff, v6;
	v6 =	vmul.f32 v14, v31  }
0x176: {  	[tilespmem:v35+s2+$0x0] =	vst.idx.add.f32.msk $0xffff, v5  }
0x177: {  	[tilespmem:v1+s2+$0x0] =	vst.idx.add.f32.msk $0xffff, v6  }
0x178: {  	v5 =	vmul.f32 v62, v33;
	v6 =	vld.idx.msk [tilespmem:v17+s23+$0x0], $0xffff  }
0x179: {  	v9 =	vld.idx.msk [tilespmem:v12+s23+$0x0], $0xffff  }
0x17a: {  	[tilespmem:v2+s2+$0x0] =	vst.idx.add.f32.msk $0xffff, v5;
	v5 =	vmul.f32 v7, v4  }
0x17b: {  	v7 =	vld.idx.msk [tilespmem:v10+s23+$0x0], $0xffff  }
0x17c: {  	[tilespmem:v3+s2+$0x0] =	vst.idx.add.f32.msk $0xffff, v5  }
0x17d: {  	v5 =	vld.idx.msk [tilespmem:v8+s23+$0x0], $0xffff  }
0x17e: {  	v11 =	vld.idx.msk [tilespmem:v13+s23+$0x0], $0xffff  }
0x17f: {  	v14 =	vld.idx.msk [tilespmem:v15+s23+$0x0], $0xffff;
	v6 =	vmul.f32 v6, v26  }
0x180: {  	v63 =	vld.idx.msk [tilespmem:v22+s23+$0x0], $0xffff  }
0x181: {  	[tilespmem:v30+s6+$0x0] =	vst.idx.add.f32.msk $0xffff, v6;
	v7 =	vmul.f32 v7, v28  }
0x182: {  	v6 =	vld.idx.msk [tilespmem:v17+s24+$0x0], $0xffff;
	v5 =	vmul.f32 v5, v27  }
0x183: {  	[tilespmem:v34+s6+$0x0] =	vst.idx.add.f32.msk $0xffff, v7;
	v7 =	vmul.f32 v11, v31  }
0x184: {  	[tilespmem:v32+s6+$0x0] =	vst.idx.add.f32.msk $0xffff, v5;
	v5 =	vmul.f32 v9, v29  }
0x185: {  	[tilespmem:v1+s6+$0x0] =	vst.idx.add.f32.msk $0xffff, v7;
	v7 =	vmul.f32 v63, v4  }
0x186: {  	[tilespmem:v35+s6+$0x0] =	vst.idx.add.f32.msk $0xffff, v5;
	v5 =	vmul.f32 v14, v33  }
0x187: {  	[tilespmem:v3+s6+$0x0] =	vst.idx.add.f32.msk $0xffff, v7  }
0x188: {  	[tilespmem:v2+s6+$0x0] =	vst.idx.add.f32.msk $0xffff, v5  }
0x189: {  	v5 =	vld.idx.msk [tilespmem:v8+s24+$0x0], $0xffff  }
0x18a: {  	v7 =	vld.idx.msk [tilespmem:v10+s24+$0x0], $0xffff  }
0x18b: {  	v8 =	vld.idx.msk [tilespmem:v12+s24+$0x0], $0xffff  }
0x18c: {  	v10 =	vld.idx.msk [tilespmem:v13+s24+$0x0], $0xffff  }
0x18d: {  	v6 =	vmul.f32 v6, v26;
	v12 =	vld.idx.msk [tilespmem:v15+s24+$0x0], $0xffff  }
0x18e: {  	v9 =	vld.idx.msk [tilespmem:v22+s24+$0x0], $0xffff;
	v5 =	vmul.f32 v5, v27  }
0x18f: {  	[tilespmem:v30+s7+$0x0] =	vst.idx.add.f32.msk $0xffff, v6;
	v6 =	vmul.f32 v7, v28  }
0x190: {  	[tilespmem:v32+s7+$0x0] =	vst.idx.add.f32.msk $0xffff, v5;
	v5 =	vmul.f32 v8, v29  }
0x191: {  	s18 =	simm.s32 $0x0;
	[tilespmem:v34+s7+$0x0] =	vst.idx.add.f32.msk $0xffff, v6  }
0x192: {  	s17 =	simm.s32 $0x17E80;
	s19 =	simm.s32 $0x16040;
	s16 =	simm.s32 $0x1BD80;
	v11 =	vmul.f32 v10, v31;
	v14 =	vmul.f32 v12, v33;
	[tilespmem:v35+s7+$0x0] =	vst.idx.add.f32.msk $0xffff, v5  }
.LBB2_9:
0x193: {  	v17 =	vld [tilespmem:s19+$0x30];
	s18 =	sadd.s32 $0x80, s18;
	v5 =	vmul.f32 v9, v4  }
0x194: {  	v4 =	vld [tilespmem:s19+$0xFFFFFFD0];
	p0 =	slt.u32 s18, $0x1E80  }
0x195: {  	v8 =	vld [tilespmem:s19+$0xFFFFFFE0]  }
0x196: {  	v12 =	vld [tilespmem:s19+$0xFFFFFFF0]  }
0x197: {  	v13 =	vld [tilespmem:s19+$0x0]  }
0x198: {  	v15 =	vld [tilespmem:s19+$0x10];
	v22 =	vand.u32 $0x3FFF, v17  }
0x199: {  	v6 =	vshrl.u32 v4, $0xE;
	v9 =	vand.u32 $0x3FFF, v4;
	v4 =	vld [tilespmem:s19+$0x20]  }
0x19a: {  	v18 =	vld [tilespmem:s19+$0xFFFFFFC0];
	v7 =	vshrl.u32 v8, $0xE;
	v10 =	vand.u32 $0x3FFF, v8  }
0x19b: {  	v8 =	vshrl.u32 v12, $0xE;
	v12 =	vand.u32 $0x3FFF, v12;
	[tilespmem:v1+s7+$0x0] =	vst.idx.add.f32.msk $0xffff, v11  }
0x19c: {  	v1 =	vshrl.u32 v13, $0xE;
	v13 =	vand.u32 $0x3FFF, v13;
	[tilespmem:v2+s7+$0x0] =	vst.idx.add.f32.msk $0xffff, v14  }
0x19d: {  	s15 =	sadd.s32 $0x80, s15;
	v2 =	vshrl.u32 v15, $0xE;
	v14 =	vand.u32 $0x3FFF, v15;
	v19 =	vld.idx.msk [tilespmem:v22+s4+$0x0], $0xffff  }
0x19e: {  	v11 =	vshrl.u32 v4, $0xE;
	v15 =	vand.u32 $0x3FFF, v4;
	v23 =	vld [tilespmem:s15+$0x30]  }
0x19f: {  	v16 =	vshrl.u32 v18, $0xE;
	v24 =	vand.u32 $0x3FFF, v18;
	v4 =	vld.idx.msk [tilespmem:v9+s4+$0x0], $0xffff  }
0x1a0: {  	v26 =	vshrl.u32 v17, $0xE;
	v25 =	vld.idx.msk [tilespmem:v10+s4+$0x0], $0xffff  }
0x1a1: {  	v27 =	vld.idx.msk [tilespmem:v12+s4+$0x0], $0xffff  }
0x1a2: {  	v28 =	vld.idx.msk [tilespmem:v13+s4+$0x0], $0xffff  }
0x1a3: {  	v29 =	vld.idx.msk [tilespmem:v14+s4+$0x0], $0xffff;
	v17 =	vmul.f32 v19, v23  }
0x1a4: {  	v19 =	vld.idx.msk [tilespmem:v24+s4+$0x0], $0xffff  }
0x1a5: {  	[tilespmem:v26+s0+$0x0] =	vst.idx.add.f32.msk $0xffff, v17  }
0x1a6: {  	v30 =	vld.idx.msk [tilespmem:v22+s22+$0x0], $0xffff  }
0x1a7: {  	v31 =	vld.idx.msk [tilespmem:v15+s4+$0x0], $0xffff  }
0x1a8: {  	v32 =	vld [tilespmem:s15+$0xFFFFFFC0]  }
0x1a9: {  	v20 =	vld [tilespmem:s15+$0xFFFFFFD0]  }
0x1aa: {  	v21 =	vld [tilespmem:s15+$0xFFFFFFE0]  }
0x1ab: {  	v18 =	vld [tilespmem:s15+$0xFFFFFFF0]  }
0x1ac: {  	v30 =	vmul.f32 v30, v23;
	v17 =	vld [tilespmem:s15+$0x0]  }
0x1ad: {  	v33 =	vmul.f32 v19, v32;
	v19 =	vld [tilespmem:s15+$0x10]  }
0x1ae: {  	v34 =	vmul.f32 v4, v20;
	[tilespmem:v26+s2+$0x0] =	vst.idx.add.f32.msk $0xffff, v30  }
0x1af: {  	v25 =	vmul.f32 v25, v21;
	v30 =	vld.idx.msk [tilespmem:v22+s23+$0x0], $0xffff  }
0x1b0: {  	v27 =	vmul.f32 v27, v18;
	v4 =	vld [tilespmem:s15+$0x20]  }
0x1b1: {  	[tilespmem:v16+s0+$0x0] =	vst.idx.add.f32.msk $0xffff, v33;
	v28 =	vmul.f32 v28, v17  }
0x1b2: {  	[tilespmem:v6+s0+$0x0] =	vst.idx.add.f32.msk $0xffff, v34;
	v29 =	vmul.f32 v29, v19  }
0x1b3: {  	[tilespmem:v7+s0+$0x0] =	vst.idx.add.f32.msk $0xffff, v25  }
0x1b4: {  	[tilespmem:v8+s0+$0x0] =	vst.idx.add.f32.msk $0xffff, v27  }
0x1b5: {  	v27 =	vmul.f32 v30, v23;
	[tilespmem:v1+s0+$0x0] =	vst.idx.add.f32.msk $0xffff, v28;
	v25 =	vmul.f32 v31, v4  }
0x1b6: {  	[tilespmem:v2+s0+$0x0] =	vst.idx.add.f32.msk $0xffff, v29  }
0x1b7: {  	[tilespmem:v26+s6+$0x0] =	vst.idx.add.f32.msk $0xffff, v27  }
0x1b8: {  	v22 =	vld.idx.msk [tilespmem:v22+s24+$0x0], $0xffff  }
0x1b9: {  	[tilespmem:v11+s0+$0x0] =	vst.idx.add.f32.msk $0xffff, v25  }
0x1ba: {  	v25 =	vld.idx.msk [tilespmem:v24+s22+$0x0], $0xffff  }
0x1bb: {  	v27 =	vld.idx.msk [tilespmem:v9+s22+$0x0], $0xffff  }
0x1bc: {  	v28 =	vld.idx.msk [tilespmem:v10+s22+$0x0], $0xffff  }
0x1bd: {  	v29 =	vld.idx.msk [tilespmem:v12+s22+$0x0], $0xffff  }
0x1be: {  	v22 =	vmul.f32 v22, v23;
	v30 =	vld.idx.msk [tilespmem:v13+s22+$0x0], $0xffff  }
0x1bf: {  	v23 =	vld.idx.msk [tilespmem:v14+s22+$0x0], $0xffff  }
0x1c0: {  	s20 =	simm.s32 $0x1EF0;
	v25 =	vmul.f32 v25, v32;
	[tilespmem:v26+s7+$0x0] =	vst.idx.add.f32.msk $0xffff, v22  }
0x1c1: {  	v22 =	vmul.f32 v27, v20;
	v26 =	vld.idx.msk [tilespmem:v15+s22+$0x0], $0xffff  }
0x1c2: {  	[tilespmem:v16+s2+$0x0] =	vst.idx.add.f32.msk $0xffff, v25;
	v25 =	vmul.f32 v28, v21  }
0x1c3: {  	[tilespmem:v6+s2+$0x0] =	vst.idx.add.f32.msk $0xffff, v22;
	v22 =	vmul.f32 v29, v18  }
0x1c4: {  	[tilespmem:v7+s2+$0x0] =	vst.idx.add.f32.msk $0xffff, v25;
	v25 =	vmul.f32 v30, v17  }
0x1c5: {  	[tilespmem:v8+s2+$0x0] =	vst.idx.add.f32.msk $0xffff, v22;
	v22 =	vmul.f32 v23, v19  }
0x1c6: {  	[tilespmem:v1+s2+$0x0] =	vst.idx.add.f32.msk $0xffff, v25  }
0x1c7: {  	[tilespmem:v2+s2+$0x0] =	vst.idx.add.f32.msk $0xffff, v22;
	v22 =	vmul.f32 v26, v4  }
0x1c8: {  	v23 =	vld.idx.msk [tilespmem:v24+s23+$0x0], $0xffff  }
0x1c9: {  	[tilespmem:v11+s2+$0x0] =	vst.idx.add.f32.msk $0xffff, v22  }
0x1ca: {  	v22 =	vld.idx.msk [tilespmem:v9+s23+$0x0], $0xffff  }
0x1cb: {  	v25 =	vld.idx.msk [tilespmem:v10+s23+$0x0], $0xffff  }
0x1cc: {  	v26 =	vld.idx.msk [tilespmem:v12+s23+$0x0], $0xffff  }
0x1cd: {  	v27 =	vld.idx.msk [tilespmem:v13+s23+$0x0], $0xffff  }
0x1ce: {  	v23 =	vmul.f32 v23, v32;
	v28 =	vld.idx.msk [tilespmem:v14+s23+$0x0], $0xffff  }
0x1cf: {  	v29 =	vld.idx.msk [tilespmem:v15+s23+$0x0], $0xffff  }
0x1d0: {  	v22 =	vmul.f32 v22, v20;
	[tilespmem:v16+s6+$0x0] =	vst.idx.add.f32.msk $0xffff, v23  }
0x1d1: {  	v23 =	vld.idx.msk [tilespmem:v24+s24+$0x0], $0xffff;
	v24 =	vmul.f32 v25, v21  }
0x1d2: {  	[tilespmem:v6+s6+$0x0] =	vst.idx.add.f32.msk $0xffff, v22;
	v22 =	vmul.f32 v26, v18  }
0x1d3: {  	[tilespmem:v7+s6+$0x0] =	vst.idx.add.f32.msk $0xffff, v24;
	v24 =	vmul.f32 v27, v17  }
0x1d4: {  	[tilespmem:v8+s6+$0x0] =	vst.idx.add.f32.msk $0xffff, v22;
	v22 =	vmul.f32 v28, v19  }
0x1d5: {  	[tilespmem:v1+s6+$0x0] =	vst.idx.add.f32.msk $0xffff, v24;
	v24 =	vmul.f32 v29, v4  }
0x1d6: {  	[tilespmem:v2+s6+$0x0] =	vst.idx.add.f32.msk $0xffff, v22  }
0x1d7: {  	v22 =	vmul.f32 v23, v32;
	[tilespmem:v11+s6+$0x0] =	vst.idx.add.f32.msk $0xffff, v24  }
0x1d8: {  	v23 =	vld.idx.msk [tilespmem:v9+s24+$0x0], $0xffff  }
0x1d9: {  	v10 =	vld.idx.msk [tilespmem:v10+s24+$0x0], $0xffff  }
0x1da: {  	v12 =	vld.idx.msk [tilespmem:v12+s24+$0x0], $0xffff  }
0x1db: {  	v13 =	vld.idx.msk [tilespmem:v13+s24+$0x0], $0xffff  }
0x1dc: {  	v14 =	vld.idx.msk [tilespmem:v14+s24+$0x0], $0xffff  }
0x1dd: {  	v9 =	vld.idx.msk [tilespmem:v15+s24+$0x0], $0xffff  }
.Ltmp3:
0x1de: {  	v15 =	vmul.f32 v23, v20;
	[tilespmem:v16+s7+$0x0] =	vst.idx.add.f32.msk $0xffff, v22;
	(pc) =	sbr.rel @p0 .LBB2_9-.Ltmp3, $4  }
0x1df: {  	v10 =	vmul.f32 v10, v21;
	[tilespmem:v3+s7+$0x0] =	vst.idx.add.f32.msk $0xffff, v5;
	v3 =	vmov v11  }
0x1e0: {  	v5 =	vmul.f32 v12, v18;
	[tilespmem:v6+s7+$0x0] =	vst.idx.add.f32.msk $0xffff, v15  }
0x1e1: {  	v11 =	vmul.f32 v13, v17;
	[tilespmem:v7+s7+$0x0] =	vst.idx.add.f32.msk $0xffff, v10  }
0x1e2: {  	s19 =	sadd.s32 $0x80, s19;
	v14 =	vmul.f32 v14, v19;
	[tilespmem:v8+s7+$0x0] =	vst.idx.add.f32.msk $0xffff, v5  }
0x1e3: {  	_ =	sdelay $0x3  }
0x1e4: {  	v4 =	vmul.f32 v9, v4;
	[tilespmem:v1+s7+$0x0] =	vst.idx.add.f32.msk $0xffff, v11  }
0x1e5: {  	[tilespmem:v2+s7+$0x0] =	vst.idx.add.f32.msk $0xffff, v14  }
0x1e6: {  	[tilespmem:v3+s7+$0x0] =	vst.idx.add.f32.msk $0xffff, v4  }
.LBB2_11:
0x1e7: {  	v1 =	vld [tilespmem:s17+$0x0];
	_ =	sdelay $0x4  }
0x1e8: {  	v2 =	vand.u32 $0x3FFF, v1;
	_ =	sdelay $0x3  }
0x1e9: {  	v3 =	vld [tilespmem:s16+$0x0]  }
0x1ea: {  	v4 =	vld.idx.msk [tilespmem:v2+s4+$0x0], $0xffff;
	_ =	sdelay $0x1  }
0x1eb: {  	v1 =	vshrl.u32 v1, $0xE;
	_ =	sdelay $0x2  }
0x1ec: {  	v4 =	vmul.f32 v4, v3;
	_ =	sdelay $0x1  }
0x1ed: {  	[tilespmem:v1+s0+$0x0] =	vst.idx.add.f32.msk $0xffff, v4  }
0x1ee: {  	v4 =	vld.idx.msk [tilespmem:v2+s22+$0x0], $0xffff;
	_ =	sdelay $0x4  }
0x1ef: {  	v4 =	vmul.f32 v4, v3;
	_ =	sdelay $0x1  }
0x1f0: {  	[tilespmem:v1+s2+$0x0] =	vst.idx.add.f32.msk $0xffff, v4  }
0x1f1: {  	v4 =	vld.idx.msk [tilespmem:v2+s23+$0x0], $0xffff;
	_ =	sdelay $0x4  }
0x1f2: {  	v4 =	vmul.f32 v4, v3;
	_ =	sdelay $0x1  }
0x1f3: {  	[tilespmem:v1+s6+$0x0] =	vst.idx.add.f32.msk $0xffff, v4  }
0x1f4: {  	v2 =	vld.idx.msk [tilespmem:v2+s24+$0x0], $0xffff  }
0x1f5: {  	s20 =	sadd.s32 $0x10, s20  }
0x1f6: {  	p0 =	slt.u32 s20, $0x1F30  }
.Ltmp4:
0x1f7: {  	_ = 	snop;
	(pc) =	sbr.rel @p0 .LBB2_11-.Ltmp4, $3  }
0x1f8: {  	_ = 	snop  }
0x1f9: {  	v2 =	vmul.f32 v2, v3;
	_ =	sdelay $0x1  }
0x1fa: {  	s16 =	sadd.s32 $0x10, s16;
	s17 =	sadd.s32 $0x10, s17;
	[tilespmem:v1+s7+$0x0] =	vst.idx.add.f32.msk $0xffff, v2  }
0x1fb: {  	s14 =	sadd.s32 $0x1, s14  }
0x1fc: {  	p0 =	sne.s32 s14, $0x14  }
.Ltmp5:
0x1fd: {  	_ = 	snop;
	(pc) =	sbr.rel @p0 .LBB2_4-.Ltmp5, $1  }
0x1fe: {  	_ =	sdelay $0x3  }
0x1ff: {  	_ =	swait.ge [sflag:s25], $0x1F40  }
0x200: {  	[sflag:s25] =	ssyncset.done $0x0  }
0x201: {  	[sflag:s25] =	ssyncadd.s32 $0xFFFFE0C0  }
0x202: {  	_ =	swait.ge [sflag:s31], $0x1F40  }
0x203: {  	[sflag:s31] =	ssyncset.done $0x0  }
0x204: {  	s14 =	rddreg [dreg:$0x8];
	[sflag:s31] =	ssyncadd.s32 $0xFFFFE0C0  }
0x205: {  	[hbm4b:s14+s4] =	stream.linear.scatter [tilespmem:s0], [sflag:$0x1], $0x2800, $0x38;
	[tilespmem:$0x1BE00] =	vst v63  }
0x206: {  	s19 =	rddreg [dreg:$0x9]  }
0x207: {  	[hbm4b:s19+s4] =	stream.linear.scatter [tilespmem:s2], [sflag:$0x1], $0x2800, $0x38;
	[tilespmem:$0x1BE00] =	vst v63  }
0x208: {  	s20 =	rddreg [dreg:$0xa]  }
0x209: {  	[hbm4b:s20+s4] =	stream.linear.scatter [tilespmem:s6], [sflag:$0x1], $0x2800, $0x38;
	[tilespmem:$0x1BE00] =	vst v63  }
0x20a: {  	s21 =	rddreg [dreg:$0xb]  }
0x20b: {  	[hbm4b:s21+s4] =	stream.linear.scatter [tilespmem:s7], [sflag:$0x1], $0x2800, $0x38;
	[tilespmem:$0x1BE00] =	vst v63  }
0x20c: {  	_ =	swait.ge [sflag:s25], $0x2800  }
0x20d: {  	[sflag:s25] =	ssyncset.done $0x0  }
0x20e: {  	[sflag:s25] =	ssyncadd.s32 $0xFFFFD800  }
0x20f: {  	_ =	swait.ge [sflag:s25], $0x2800  }
0x210: {  	[sflag:s25] =	ssyncset.done $0x0  }
0x211: {  	[sflag:s25] =	ssyncadd.s32 $0xFFFFD800  }
0x212: {  	_ =	swait.ge [sflag:s25], $0x2800  }
0x213: {  	[sflag:s25] =	ssyncset.done $0x0  }
0x214: {  	[sflag:s25] =	ssyncadd.s32 $0xFFFFD800  }
0x215: {  	_ =	swait.ge [sflag:s25], $0x2800  }
0x216: {  	[sflag:s25] =	ssyncset.done $0x0  }
0x217: {  	s16 =	simm.s32 $0x40;
	[sflag:s25] =	ssyncadd.s32 $0xFFFFD800  }
0x218: {  	[tilespmem:s16+$0x30] =	vst v0  }
0x219: {  	[tilespmem:s16+$0xFFFFFFE0] =	vst v0  }
0x21a: {  	[tilespmem:s16+$0xFFFFFFF0] =	vst v0  }
0x21b: {  	[tilespmem:s16+$0x0] =	vst v0  }
0x21c: {  	[tilespmem:s16+$0xFFFFFFC0] =	vst v0  }
0x21d: {  	[tilespmem:s16+$0x10] =	vst v0  }
0x21e: {  	[tilespmem:s16+$0x20] =	vst v0  }
0x21f: {  	s15 =	simm.s32 $0x2840;
	[tilespmem:s16+$0xFFFFFFD0] =	vst v0  }
0x220: {  	[tilespmem:s15+$0x30] =	vst v0  }
0x221: {  	[tilespmem:s15+$0xFFFFFFC0] =	vst v0  }
0x222: {  	[tilespmem:s15+$0x10] =	vst v0  }
0x223: {  	[tilespmem:s15+$0xFFFFFFD0] =	vst v0  }
0x224: {  	[tilespmem:s15+$0x20] =	vst v0  }
0x225: {  	[tilespmem:s15+$0x0] =	vst v0  }
0x226: {  	s14 =	simm.s32 $0x5040;
	[tilespmem:s15+$0xFFFFFFF0] =	vst v0  }
0x227: {  	[tilespmem:s14+$0x30] =	vst v0  }
0x228: {  	[tilespmem:s14+$0xFFFFFFC0] =	vst v0  }
0x229: {  	[tilespmem:s14+$0x10] =	vst v0  }
0x22a: {  	[tilespmem:s14+$0xFFFFFFD0] =	vst v0  }
0x22b: {  	[tilespmem:s14+$0x20] =	vst v0  }
0x22c: {  	[tilespmem:s14+$0x0] =	vst v0  }
0x22d: {  	s17 =	simm.s32 $0x7840;
	[tilespmem:s14+$0xFFFFFFF0] =	vst v0  }
0x22e: {  	[tilespmem:s17+$0x30] =	vst v0  }
0x22f: {  	[tilespmem:s17+$0xFFFFFFC0] =	vst v0  }
0x230: {  	[tilespmem:s17+$0x10] =	vst v0  }
0x231: {  	[tilespmem:s17+$0xFFFFFFD0] =	vst v0  }
0x232: {  	s18 =	simm.s32 $0x0;
	s19 =	simm.s32 $0x50C0;
	s20 =	simm.s32 $0x78C0;
	[tilespmem:s17+$0x20] =	vst v0  }
.LBB2_14:
0x233: {  	s18 =	sadd.s32 $0x80, s18;
	[tilespmem:s15+$0xFFFFFFE0] =	vst v0;
	s16 =	sadd.s32 $0x80, s16;
	s15 =	sadd.s32 $0x80, s15  }
0x234: {  	[tilespmem:s16+$0x30] =	vst v0;
	p0 =	slt.u32 s18, $0x2780  }
0x235: {  	[tilespmem:s15+$0x30] =	vst v0  }
0x236: {  	[tilespmem:s19+$0x30] =	vst v0  }
0x237: {  	[tilespmem:s17+$0xFFFFFFF0] =	vst v0  }
0x238: {  	[tilespmem:s17+$0x0] =	vst v0  }
0x239: {  	[tilespmem:s14+$0xFFFFFFE0] =	vst v0;
	s14 =	smov.u32 s19  }
0x23a: {  	[tilespmem:s17+$0xFFFFFFE0] =	vst v0;
	s17 =	smov.u32 s20  }
0x23b: {  	[tilespmem:s20+$0x30] =	vst v0  }
0x23c: {  	[tilespmem:s16+$0xFFFFFFE0] =	vst v0  }
0x23d: {  	[tilespmem:s16+$0xFFFFFFF0] =	vst v0  }
0x23e: {  	[tilespmem:s16+$0x0] =	vst v0  }
0x23f: {  	[tilespmem:s16+$0xFFFFFFC0] =	vst v0  }
0x240: {  	[tilespmem:s15+$0xFFFFFFC0] =	vst v0  }
0x241: {  	[tilespmem:s19+$0xFFFFFFC0] =	vst v0  }
0x242: {  	[tilespmem:s20+$0xFFFFFFC0] =	vst v0  }
0x243: {  	[tilespmem:s16+$0x10] =	vst v0  }
0x244: {  	[tilespmem:s15+$0x10] =	vst v0  }
0x245: {  	[tilespmem:s19+$0x10] =	vst v0  }
0x246: {  	[tilespmem:s20+$0x10] =	vst v0  }
0x247: {  	[tilespmem:s16+$0x20] =	vst v0  }
0x248: {  	[tilespmem:s16+$0xFFFFFFD0] =	vst v0  }
0x249: {  	[tilespmem:s15+$0xFFFFFFD0] =	vst v0  }
0x24a: {  	[tilespmem:s19+$0xFFFFFFD0] =	vst v0  }
0x24b: {  	[tilespmem:s20+$0xFFFFFFD0] =	vst v0  }
0x24c: {  	[tilespmem:s15+$0x20] =	vst v0  }
0x24d: {  	[tilespmem:s19+$0x20] =	vst v0  }
.Ltmp6:
0x24e: {  	[tilespmem:s20+$0x20] =	vst v0;
	(pc) =	sbr.rel @p0 .LBB2_14-.Ltmp6, $4  }
0x24f: {  	[tilespmem:s15+$0x0] =	vst v0  }
0x250: {  	[tilespmem:s19+$0x0] =	vst v0  }
0x251: {  	[tilespmem:s15+$0xFFFFFFF0] =	vst v0  }
0x252: {  	s20 =	sadd.s32 $0x80, s20;
	s19 =	sadd.s32 $0x80, s19;
	[tilespmem:s14+$0xFFFFFFF0] =	vst v0  }
0x253: {  	[tilespmem:s15+$0xFFFFFFE0] =	vst v0  }
0x254: {  	[tilespmem:s17+$0xFFFFFFF0] =	vst v0  }
0x255: {  	[tilespmem:s17+$0x0] =	vst v0  }
0x256: {  	[tilespmem:s14+$0xFFFFFFE0] =	vst v0  }
0x257: {  	s14 =	simm.s32 $0x0;
	[tilespmem:s17+$0xFFFFFFE0] =	vst v0  }
0x258: {  	[tilespmem:s26], [sflag:$0x1] =	stream.linear.gather [hbm4b:s10+s14], $0x1F40, $0x38;
	[tilespmem:$0x1BE00] =	vst v63  }
0x259: {  	_ = 	snop  }
0x25a: {  	[tilespmem:s28], [sflag:$0x3] =	stream.linear.gather [hbm4b:s11+s14], $0x1F40, $0x38;
	[tilespmem:$0x1BE00] =	vst v63  }
.LBB2_16:
0x25b: {  	s15 =	sshll.u32 s14, $0x1  }
0x25c: {  	s16 =	sadd.s32 s15, s5  }
0x25d: {  	s17 =	sadd.s32 $0x1, s16;
	s16 =	sadd.s32 $0xFFFFFFD9, s16  }
0x25e: {  	s16 =	smin.u32 s16, s17  }
0x25f: {  	s16 =	smul.u32 $0x1F40, s16;
	_ =	sdelay $0x1  }
0x260: {  	s16 =	sshrl.u32 s16, $0x3  }
0x261: {  	s20 =	sadd.s32 s1, s16  }
0x262: {  	[tilespmem:s29], [sflag:$0x2] =	stream.linear.gather [hbm4b:s20+s4], $0x1F40, $0x38;
	[tilespmem:$0x1BE00] =	vst v63  }
0x263: {  	s16 =	sadd.s32 s3, s16  }
0x264: {  	[tilespmem:s30], [sflag:$0x4] =	stream.linear.gather [hbm4b:s16+s4], $0x1F40, $0x38;
	[tilespmem:$0x1BE00] =	vst v63  }
0x265: {  	_ =	swait.ge [sflag:s25], $0x1F40  }
0x266: {  	[sflag:s25] =	ssyncset.done $0x0  }
0x267: {  	[sflag:s25] =	ssyncadd.s32 $0xFFFFE0C0  }
0x268: {  	_ =	swait.ge [sflag:s31], $0x1F40  }
0x269: {  	[sflag:s31] =	ssyncset.done $0x0  }
0x26a: {  	s21 =	simm.s32 $0x14040;
	[sflag:s31] =	ssyncadd.s32 $0xFFFFE0C0  }
0x26b: {  	v1 =	vld [tilespmem:s21+$0x30]  }
0x26c: {  	v2 =	vld [tilespmem:s21+$0xFFFFFFD0]  }
0x26d: {  	v3 =	vld [tilespmem:s21+$0xFFFFFFE0]  }
0x26e: {  	v4 =	vld [tilespmem:s21+$0xFFFFFFF0]  }
0x26f: {  	v5 =	vld [tilespmem:s21+$0x0]  }
0x270: {  	v7 =	vld [tilespmem:s21+$0x10]  }
0x271: {  	v9 =	vld [tilespmem:s21+$0xFFFFFFC0]  }
0x272: {  	s16 =	simm.s32 $0x17F40;
	v11 =	vld [tilespmem:s21+$0x20];
	v6 =	vand.u32 $0x3FFF, v1  }
0x273: {  	v16 =	vld [tilespmem:s16+$0x30]  }
0x274: {  	v26 =	vld [tilespmem:s16+$0xFFFFFFC0]  }
0x275: {  	v27 =	vld [tilespmem:s16+$0xFFFFFFD0]  }
0x276: {  	v28 =	vld [tilespmem:s16+$0xFFFFFFE0]  }
0x277: {  	v8 =	vand.u32 $0x3FFF, v2;
	v14 =	vld.idx.msk [tilespmem:v6+s0+$0x0], $0xffff  }
0x278: {  	v29 =	vld [tilespmem:s16+$0xFFFFFFF0];
	v10 =	vand.u32 $0x3FFF, v3  }
0x279: {  	v31 =	vld [tilespmem:s16+$0x0];
	v20 =	vshrl.u32 v1, $0xE  }
0x27a: {  	v33 =	vld [tilespmem:s16+$0x10]  }
0x27b: {  	v12 =	vand.u32 $0x3FFF, v4;
	v35 =	vshrl.u32 v4, $0xE;
	v4 =	vld [tilespmem:s16+$0x20]  }
0x27c: {  	v15 =	vand.u32 $0x3FFF, v7;
	v18 =	vld.idx.msk [tilespmem:v8+s0+$0x0], $0xffff;
	v1 =	vmul.f32 v14, v16  }
0x27d: {  	v13 =	vand.u32 $0x3FFF, v5;
	v19 =	vld.idx.msk [tilespmem:v10+s0+$0x0], $0xffff  }
0x27e: {  	v22 =	vand.u32 $0x3FFF, v11;
	[tilespmem:v20+s4+$0x0] =	vst.idx.add.f32.msk $0xffff, v1  }
0x27f: {  	v17 =	vand.u32 $0x3FFF, v9;
	v1 =	vld.idx.msk [tilespmem:v6+s2+$0x0], $0xffff  }
0x280: {  	v34 =	vshrl.u32 v3, $0xE;
	v21 =	vld.idx.msk [tilespmem:v12+s0+$0x0], $0xffff  }
0x281: {  	v24 =	vld.idx.msk [tilespmem:v15+s0+$0x0], $0xffff  }
0x282: {  	v23 =	vld.idx.msk [tilespmem:v13+s0+$0x0], $0xffff  }
0x283: {  	v32 =	vshrl.u32 v2, $0xE;
	v2 =	vshrl.u32 v7, $0xE;
	v25 =	vld.idx.msk [tilespmem:v22+s0+$0x0], $0xffff;
	v7 =	vmul.f32 v19, v28  }
0x284: {  	v14 =	vld.idx.msk [tilespmem:v17+s0+$0x0], $0xffff;
	v1 =	vmul.f32 v1, v16  }
0x285: {  	[tilespmem:v34+s4+$0x0] =	vst.idx.add.f32.msk $0xffff, v7  }
0x286: {  	v30 =	vshrl.u32 v9, $0xE;
	v7 =	vmul.f32 v24, v33;
	[tilespmem:v20+s22+$0x0] =	vst.idx.add.f32.msk $0xffff, v1  }
0x287: {  	v1 =	vshrl.u32 v5, $0xE;
	v9 =	vld.idx.msk [tilespmem:v6+s6+$0x0], $0xffff  }
0x288: {  	[tilespmem:v2+s4+$0x0] =	vst.idx.add.f32.msk $0xffff, v7;
	v5 =	vmul.f32 v18, v27  }
0x289: {  	v3 =	vmul.f32 v14, v26;
	v62 =	vld.idx.msk [tilespmem:v15+s2+$0x0], $0xffff  }
0x28a: {  	[tilespmem:v32+s4+$0x0] =	vst.idx.add.f32.msk $0xffff, v5;
	v5 =	vmul.f32 v23, v31  }
0x28b: {  	v14 =	vmul.f32 v21, v29;
	[tilespmem:v30+s4+$0x0] =	vst.idx.add.f32.msk $0xffff, v3;
	v3 =	vshrl.u32 v11, $0xE  }
0x28c: {  	[tilespmem:v1+s4+$0x0] =	vst.idx.add.f32.msk $0xffff, v5;
	v5 =	vmul.f32 v9, v16  }
0x28d: {  	[tilespmem:v35+s4+$0x0] =	vst.idx.add.f32.msk $0xffff, v14  }
0x28e: {  	v7 =	vmul.f32 v25, v4;
	[tilespmem:v20+s23+$0x0] =	vst.idx.add.f32.msk $0xffff, v5  }
0x28f: {  	v5 =	vld.idx.msk [tilespmem:v6+s7+$0x0], $0xffff  }
0x290: {  	[tilespmem:v3+s4+$0x0] =	vst.idx.add.f32.msk $0xffff, v7  }
0x291: {  	v6 =	vld.idx.msk [tilespmem:v17+s2+$0x0], $0xffff  }
0x292: {  	v7 =	vld.idx.msk [tilespmem:v8+s2+$0x0], $0xffff  }
0x293: {  	v9 =	vld.idx.msk [tilespmem:v10+s2+$0x0], $0xffff  }
0x294: {  	v11 =	vld.idx.msk [tilespmem:v12+s2+$0x0], $0xffff;
	v5 =	vmul.f32 v5, v16  }
0x295: {  	v14 =	vld.idx.msk [tilespmem:v13+s2+$0x0], $0xffff  }
0x296: {  	v6 =	vmul.f32 v6, v26;
	[tilespmem:v20+s24+$0x0] =	vst.idx.add.f32.msk $0xffff, v5  }
0x297: {  	v5 =	vmul.f32 v7, v27;
	v7 =	vld.idx.msk [tilespmem:v22+s2+$0x0], $0xffff  }
0x298: {  	[tilespmem:v30+s22+$0x0] =	vst.idx.add.f32.msk $0xffff, v6;
	v6 =	vmul.f32 v9, v28  }
0x299: {  	[tilespmem:v32+s22+$0x0] =	vst.idx.add.f32.msk $0xffff, v5;
	v5 =	vmul.f32 v11, v29  }
0x29a: {  	[tilespmem:v34+s22+$0x0] =	vst.idx.add.f32.msk $0xffff, v6;
	v6 =	vmul.f32 v14, v31  }
0x29b: {  	[tilespmem:v35+s22+$0x0] =	vst.idx.add.f32.msk $0xffff, v5  }
0x29c: {  	[tilespmem:v1+s22+$0x0] =	vst.idx.add.f32.msk $0xffff, v6  }
0x29d: {  	v5 =	vmul.f32 v62, v33;
	v6 =	vld.idx.msk [tilespmem:v17+s6+$0x0], $0xffff  }
0x29e: {  	v9 =	vld.idx.msk [tilespmem:v12+s6+$0x0], $0xffff  }
0x29f: {  	[tilespmem:v2+s22+$0x0] =	vst.idx.add.f32.msk $0xffff, v5;
	v5 =	vmul.f32 v7, v4  }
0x2a0: {  	v7 =	vld.idx.msk [tilespmem:v10+s6+$0x0], $0xffff  }
0x2a1: {  	[tilespmem:v3+s22+$0x0] =	vst.idx.add.f32.msk $0xffff, v5  }
0x2a2: {  	v5 =	vld.idx.msk [tilespmem:v8+s6+$0x0], $0xffff  }
0x2a3: {  	v11 =	vld.idx.msk [tilespmem:v13+s6+$0x0], $0xffff  }
0x2a4: {  	v14 =	vld.idx.msk [tilespmem:v15+s6+$0x0], $0xffff;
	v6 =	vmul.f32 v6, v26  }
0x2a5: {  	v63 =	vld.idx.msk [tilespmem:v22+s6+$0x0], $0xffff  }
0x2a6: {  	[tilespmem:v30+s23+$0x0] =	vst.idx.add.f32.msk $0xffff, v6;
	v7 =	vmul.f32 v7, v28  }
0x2a7: {  	v6 =	vld.idx.msk [tilespmem:v17+s7+$0x0], $0xffff;
	v5 =	vmul.f32 v5, v27  }
0x2a8: {  	[tilespmem:v34+s23+$0x0] =	vst.idx.add.f32.msk $0xffff, v7;
	v7 =	vmul.f32 v11, v31  }
0x2a9: {  	[tilespmem:v32+s23+$0x0] =	vst.idx.add.f32.msk $0xffff, v5;
	v5 =	vmul.f32 v9, v29  }
0x2aa: {  	[tilespmem:v1+s23+$0x0] =	vst.idx.add.f32.msk $0xffff, v7;
	v7 =	vmul.f32 v63, v4  }
0x2ab: {  	[tilespmem:v35+s23+$0x0] =	vst.idx.add.f32.msk $0xffff, v5;
	v5 =	vmul.f32 v14, v33  }
0x2ac: {  	[tilespmem:v3+s23+$0x0] =	vst.idx.add.f32.msk $0xffff, v7  }
0x2ad: {  	[tilespmem:v2+s23+$0x0] =	vst.idx.add.f32.msk $0xffff, v5  }
0x2ae: {  	v5 =	vld.idx.msk [tilespmem:v8+s7+$0x0], $0xffff  }
0x2af: {  	v7 =	vld.idx.msk [tilespmem:v10+s7+$0x0], $0xffff  }
0x2b0: {  	v8 =	vld.idx.msk [tilespmem:v12+s7+$0x0], $0xffff  }
0x2b1: {  	v10 =	vld.idx.msk [tilespmem:v13+s7+$0x0], $0xffff  }
0x2b2: {  	v6 =	vmul.f32 v6, v26;
	v12 =	vld.idx.msk [tilespmem:v15+s7+$0x0], $0xffff  }
0x2b3: {  	v9 =	vld.idx.msk [tilespmem:v22+s7+$0x0], $0xffff;
	v5 =	vmul.f32 v5, v27  }
0x2b4: {  	[tilespmem:v30+s24+$0x0] =	vst.idx.add.f32.msk $0xffff, v6;
	v6 =	vmul.f32 v7, v28  }
0x2b5: {  	[tilespmem:v32+s24+$0x0] =	vst.idx.add.f32.msk $0xffff, v5;
	v5 =	vmul.f32 v8, v29  }
0x2b6: {  	[tilespmem:v34+s24+$0x0] =	vst.idx.add.f32.msk $0xffff, v6  }
0x2b7: {  	s18 =	simm.s32 $0x140C0;
	s17 =	simm.s32 $0x0;
	v11 =	vmul.f32 v10, v31;
	v14 =	vmul.f32 v12, v33;
	[tilespmem:v35+s24+$0x0] =	vst.idx.add.f32.msk $0xffff, v5  }
.LBB2_17:
0x2b8: {  	v17 =	vld [tilespmem:s18+$0x30];
	s17 =	sadd.s32 $0x80, s17;
	v5 =	vmul.f32 v9, v4  }
0x2b9: {  	v4 =	vld [tilespmem:s18+$0xFFFFFFD0];
	p0 =	slt.u32 s17, $0x1E80  }
0x2ba: {  	v8 =	vld [tilespmem:s18+$0xFFFFFFE0]  }
0x2bb: {  	v12 =	vld [tilespmem:s18+$0xFFFFFFF0]  }
0x2bc: {  	v13 =	vld [tilespmem:s18+$0x0]  }
0x2bd: {  	v15 =	vld [tilespmem:s18+$0x10];
	v22 =	vand.u32 $0x3FFF, v17  }
0x2be: {  	v6 =	vshrl.u32 v4, $0xE;
	v9 =	vand.u32 $0x3FFF, v4;
	v4 =	vld [tilespmem:s18+$0x20]  }
0x2bf: {  	v18 =	vld [tilespmem:s18+$0xFFFFFFC0];
	v7 =	vshrl.u32 v8, $0xE;
	v10 =	vand.u32 $0x3FFF, v8  }
0x2c0: {  	v8 =	vshrl.u32 v12, $0xE;
	v12 =	vand.u32 $0x3FFF, v12;
	[tilespmem:v1+s24+$0x0] =	vst.idx.add.f32.msk $0xffff, v11  }
0x2c1: {  	v1 =	vshrl.u32 v13, $0xE;
	v13 =	vand.u32 $0x3FFF, v13;
	[tilespmem:v2+s24+$0x0] =	vst.idx.add.f32.msk $0xffff, v14  }
0x2c2: {  	s16 =	sadd.s32 $0x80, s16;
	v2 =	vshrl.u32 v15, $0xE;
	v14 =	vand.u32 $0x3FFF, v15;
	v19 =	vld.idx.msk [tilespmem:v22+s0+$0x0], $0xffff  }
0x2c3: {  	v11 =	vshrl.u32 v4, $0xE;
	v15 =	vand.u32 $0x3FFF, v4;
	v23 =	vld [tilespmem:s16+$0x30]  }
0x2c4: {  	v16 =	vshrl.u32 v18, $0xE;
	v24 =	vand.u32 $0x3FFF, v18;
	v4 =	vld.idx.msk [tilespmem:v9+s0+$0x0], $0xffff  }
0x2c5: {  	v26 =	vshrl.u32 v17, $0xE;
	v25 =	vld.idx.msk [tilespmem:v10+s0+$0x0], $0xffff  }
0x2c6: {  	v27 =	vld.idx.msk [tilespmem:v12+s0+$0x0], $0xffff  }
0x2c7: {  	v28 =	vld.idx.msk [tilespmem:v13+s0+$0x0], $0xffff  }
0x2c8: {  	v29 =	vld.idx.msk [tilespmem:v14+s0+$0x0], $0xffff;
	v17 =	vmul.f32 v19, v23  }
0x2c9: {  	v19 =	vld.idx.msk [tilespmem:v24+s0+$0x0], $0xffff  }
0x2ca: {  	[tilespmem:v26+s4+$0x0] =	vst.idx.add.f32.msk $0xffff, v17  }
0x2cb: {  	v30 =	vld.idx.msk [tilespmem:v22+s2+$0x0], $0xffff  }
0x2cc: {  	v31 =	vld.idx.msk [tilespmem:v15+s0+$0x0], $0xffff  }
0x2cd: {  	v32 =	vld [tilespmem:s16+$0xFFFFFFC0]  }
0x2ce: {  	v20 =	vld [tilespmem:s16+$0xFFFFFFD0]  }
0x2cf: {  	v21 =	vld [tilespmem:s16+$0xFFFFFFE0]  }
0x2d0: {  	v18 =	vld [tilespmem:s16+$0xFFFFFFF0]  }
0x2d1: {  	v30 =	vmul.f32 v30, v23;
	v17 =	vld [tilespmem:s16+$0x0]  }
0x2d2: {  	v33 =	vmul.f32 v19, v32;
	v19 =	vld [tilespmem:s16+$0x10]  }
0x2d3: {  	v34 =	vmul.f32 v4, v20;
	[tilespmem:v26+s22+$0x0] =	vst.idx.add.f32.msk $0xffff, v30  }
0x2d4: {  	v25 =	vmul.f32 v25, v21;
	v30 =	vld.idx.msk [tilespmem:v22+s6+$0x0], $0xffff  }
0x2d5: {  	v27 =	vmul.f32 v27, v18;
	v4 =	vld [tilespmem:s16+$0x20]  }
0x2d6: {  	[tilespmem:v16+s4+$0x0] =	vst.idx.add.f32.msk $0xffff, v33;
	v28 =	vmul.f32 v28, v17  }
0x2d7: {  	[tilespmem:v6+s4+$0x0] =	vst.idx.add.f32.msk $0xffff, v34;
	v29 =	vmul.f32 v29, v19  }
0x2d8: {  	[tilespmem:v7+s4+$0x0] =	vst.idx.add.f32.msk $0xffff, v25  }
0x2d9: {  	[tilespmem:v8+s4+$0x0] =	vst.idx.add.f32.msk $0xffff, v27  }
0x2da: {  	v27 =	vmul.f32 v30, v23;
	[tilespmem:v1+s4+$0x0] =	vst.idx.add.f32.msk $0xffff, v28;
	v25 =	vmul.f32 v31, v4  }
0x2db: {  	[tilespmem:v2+s4+$0x0] =	vst.idx.add.f32.msk $0xffff, v29  }
0x2dc: {  	[tilespmem:v26+s23+$0x0] =	vst.idx.add.f32.msk $0xffff, v27  }
0x2dd: {  	v22 =	vld.idx.msk [tilespmem:v22+s7+$0x0], $0xffff  }
0x2de: {  	[tilespmem:v11+s4+$0x0] =	vst.idx.add.f32.msk $0xffff, v25  }
0x2df: {  	v25 =	vld.idx.msk [tilespmem:v24+s2+$0x0], $0xffff  }
0x2e0: {  	v27 =	vld.idx.msk [tilespmem:v9+s2+$0x0], $0xffff  }
0x2e1: {  	v28 =	vld.idx.msk [tilespmem:v10+s2+$0x0], $0xffff  }
0x2e2: {  	v29 =	vld.idx.msk [tilespmem:v12+s2+$0x0], $0xffff  }
0x2e3: {  	v22 =	vmul.f32 v22, v23;
	v30 =	vld.idx.msk [tilespmem:v13+s2+$0x0], $0xffff  }
0x2e4: {  	v23 =	vld.idx.msk [tilespmem:v14+s2+$0x0], $0xffff  }
0x2e5: {  	s19 =	simm.s32 $0x1EF0;
	s20 =	simm.s32 $0x19E00;
	s21 =	simm.s32 $0x15F00;
	v25 =	vmul.f32 v25, v32;
	[tilespmem:v26+s24+$0x0] =	vst.idx.add.f32.msk $0xffff, v22  }
0x2e6: {  	v22 =	vmul.f32 v27, v20;
	v26 =	vld.idx.msk [tilespmem:v15+s2+$0x0], $0xffff  }
0x2e7: {  	[tilespmem:v16+s22+$0x0] =	vst.idx.add.f32.msk $0xffff, v25;
	v25 =	vmul.f32 v28, v21  }
0x2e8: {  	[tilespmem:v6+s22+$0x0] =	vst.idx.add.f32.msk $0xffff, v22;
	v22 =	vmul.f32 v29, v18  }
0x2e9: {  	[tilespmem:v7+s22+$0x0] =	vst.idx.add.f32.msk $0xffff, v25;
	v25 =	vmul.f32 v30, v17  }
0x2ea: {  	[tilespmem:v8+s22+$0x0] =	vst.idx.add.f32.msk $0xffff, v22;
	v22 =	vmul.f32 v23, v19  }
0x2eb: {  	[tilespmem:v1+s22+$0x0] =	vst.idx.add.f32.msk $0xffff, v25  }
0x2ec: {  	[tilespmem:v2+s22+$0x0] =	vst.idx.add.f32.msk $0xffff, v22;
	v22 =	vmul.f32 v26, v4  }
0x2ed: {  	v23 =	vld.idx.msk [tilespmem:v24+s6+$0x0], $0xffff  }
0x2ee: {  	[tilespmem:v11+s22+$0x0] =	vst.idx.add.f32.msk $0xffff, v22  }
0x2ef: {  	v22 =	vld.idx.msk [tilespmem:v9+s6+$0x0], $0xffff  }
0x2f0: {  	v25 =	vld.idx.msk [tilespmem:v10+s6+$0x0], $0xffff  }
0x2f1: {  	v26 =	vld.idx.msk [tilespmem:v12+s6+$0x0], $0xffff  }
0x2f2: {  	v27 =	vld.idx.msk [tilespmem:v13+s6+$0x0], $0xffff  }
0x2f3: {  	v23 =	vmul.f32 v23, v32;
	v28 =	vld.idx.msk [tilespmem:v14+s6+$0x0], $0xffff  }
0x2f4: {  	v29 =	vld.idx.msk [tilespmem:v15+s6+$0x0], $0xffff  }
0x2f5: {  	v22 =	vmul.f32 v22, v20;
	[tilespmem:v16+s23+$0x0] =	vst.idx.add.f32.msk $0xffff, v23  }
0x2f6: {  	v23 =	vld.idx.msk [tilespmem:v24+s7+$0x0], $0xffff;
	v24 =	vmul.f32 v25, v21  }
0x2f7: {  	[tilespmem:v6+s23+$0x0] =	vst.idx.add.f32.msk $0xffff, v22;
	v22 =	vmul.f32 v26, v18  }
0x2f8: {  	[tilespmem:v7+s23+$0x0] =	vst.idx.add.f32.msk $0xffff, v24;
	v24 =	vmul.f32 v27, v17  }
0x2f9: {  	[tilespmem:v8+s23+$0x0] =	vst.idx.add.f32.msk $0xffff, v22;
	v22 =	vmul.f32 v28, v19  }
0x2fa: {  	[tilespmem:v1+s23+$0x0] =	vst.idx.add.f32.msk $0xffff, v24;
	v24 =	vmul.f32 v29, v4  }
0x2fb: {  	[tilespmem:v2+s23+$0x0] =	vst.idx.add.f32.msk $0xffff, v22  }
0x2fc: {  	v22 =	vmul.f32 v23, v32;
	[tilespmem:v11+s23+$0x0] =	vst.idx.add.f32.msk $0xffff, v24  }
0x2fd: {  	v23 =	vld.idx.msk [tilespmem:v9+s7+$0x0], $0xffff  }
0x2fe: {  	v10 =	vld.idx.msk [tilespmem:v10+s7+$0x0], $0xffff  }
0x2ff: {  	v12 =	vld.idx.msk [tilespmem:v12+s7+$0x0], $0xffff  }
0x300: {  	v13 =	vld.idx.msk [tilespmem:v13+s7+$0x0], $0xffff  }
0x301: {  	v14 =	vld.idx.msk [tilespmem:v14+s7+$0x0], $0xffff  }
0x302: {  	v9 =	vld.idx.msk [tilespmem:v15+s7+$0x0], $0xffff  }
.Ltmp7:
0x303: {  	v15 =	vmul.f32 v23, v20;
	[tilespmem:v16+s24+$0x0] =	vst.idx.add.f32.msk $0xffff, v22;
	(pc) =	sbr.rel @p0 .LBB2_17-.Ltmp7, $4  }
0x304: {  	v10 =	vmul.f32 v10, v21;
	[tilespmem:v3+s24+$0x0] =	vst.idx.add.f32.msk $0xffff, v5;
	v3 =	vmov v11  }
0x305: {  	v5 =	vmul.f32 v12, v18;
	[tilespmem:v6+s24+$0x0] =	vst.idx.add.f32.msk $0xffff, v15  }
0x306: {  	v11 =	vmul.f32 v13, v17;
	[tilespmem:v7+s24+$0x0] =	vst.idx.add.f32.msk $0xffff, v10  }
0x307: {  	s18 =	sadd.s32 $0x80, s18;
	v14 =	vmul.f32 v14, v19;
	[tilespmem:v8+s24+$0x0] =	vst.idx.add.f32.msk $0xffff, v5  }
0x308: {  	_ =	sdelay $0x3  }
0x309: {  	v4 =	vmul.f32 v9, v4;
	[tilespmem:v1+s24+$0x0] =	vst.idx.add.f32.msk $0xffff, v11  }
0x30a: {  	[tilespmem:v2+s24+$0x0] =	vst.idx.add.f32.msk $0xffff, v14  }
0x30b: {  	[tilespmem:v3+s24+$0x0] =	vst.idx.add.f32.msk $0xffff, v4  }
.LBB2_19:
0x30c: {  	v1 =	vld [tilespmem:s21+$0x0];
	_ =	sdelay $0x4  }
0x30d: {  	v2 =	vand.u32 $0x3FFF, v1;
	_ =	sdelay $0x3  }
0x30e: {  	v3 =	vld [tilespmem:s20+$0x0]  }
0x30f: {  	v4 =	vld.idx.msk [tilespmem:v2+s0+$0x0], $0xffff;
	_ =	sdelay $0x1  }
0x310: {  	v1 =	vshrl.u32 v1, $0xE;
	_ =	sdelay $0x2  }
0x311: {  	v4 =	vmul.f32 v4, v3;
	_ =	sdelay $0x1  }
0x312: {  	[tilespmem:v1+s4+$0x0] =	vst.idx.add.f32.msk $0xffff, v4  }
0x313: {  	v4 =	vld.idx.msk [tilespmem:v2+s2+$0x0], $0xffff;
	_ =	sdelay $0x4  }
0x314: {  	v4 =	vmul.f32 v4, v3;
	_ =	sdelay $0x1  }
0x315: {  	[tilespmem:v1+s22+$0x0] =	vst.idx.add.f32.msk $0xffff, v4  }
0x316: {  	v4 =	vld.idx.msk [tilespmem:v2+s6+$0x0], $0xffff;
	_ =	sdelay $0x4  }
0x317: {  	v4 =	vmul.f32 v4, v3;
	_ =	sdelay $0x1  }
0x318: {  	[tilespmem:v1+s23+$0x0] =	vst.idx.add.f32.msk $0xffff, v4  }
0x319: {  	v2 =	vld.idx.msk [tilespmem:v2+s7+$0x0], $0xffff  }
0x31a: {  	s19 =	sadd.s32 $0x10, s19  }
0x31b: {  	p0 =	slt.u32 s19, $0x1F30  }
.Ltmp8:
0x31c: {  	_ = 	snop;
	(pc) =	sbr.rel @p0 .LBB2_19-.Ltmp8, $3  }
0x31d: {  	_ = 	snop  }
0x31e: {  	v2 =	vmul.f32 v2, v3;
	_ =	sdelay $0x1  }
0x31f: {  	s20 =	sadd.s32 $0x10, s20;
	s21 =	sadd.s32 $0x10, s21;
	[tilespmem:v1+s24+$0x0] =	vst.idx.add.f32.msk $0xffff, v2  }
0x320: {  	s15 =	smin.u32 s15, $0x25  }
0x321: {  	s15 =	sadd.s32 s15, s12  }
0x322: {  	s16 =	sadd.s32 $0xFFFFFFD8, s15  }
0x323: {  	s15 =	smin.u32 s16, s15  }
0x324: {  	s15 =	smul.u32 $0x1F40, s15;
	_ =	sdelay $0x1  }
0x325: {  	s15 =	sshrl.u32 s15, $0x3  }
0x326: {  	s20 =	sadd.s32 s1, s15  }
0x327: {  	[tilespmem:s26], [sflag:$0x1] =	stream.linear.gather [hbm4b:s20+s4], $0x1F40, $0x38;
	[tilespmem:$0x1BE00] =	vst v63  }
0x328: {  	s15 =	sadd.s32 s3, s15  }
0x329: {  	[tilespmem:s28], [sflag:$0x3] =	stream.linear.gather [hbm4b:s15+s4], $0x1F40, $0x38;
	[tilespmem:$0x1BE00] =	vst v63  }
0x32a: {  	_ =	swait.ge [sflag:s8], $0x1F40  }
0x32b: {  	[sflag:s8] =	ssyncset.done $0x0  }
0x32c: {  	[sflag:s8] =	ssyncadd.s32 $0xFFFFE0C0  }
0x32d: {  	_ =	swait.ge [sflag:s9], $0x1F40  }
0x32e: {  	[sflag:s9] =	ssyncset.done $0x0  }
0x32f: {  	s21 =	simm.s32 $0x15FC0;
	[sflag:s9] =	ssyncadd.s32 $0xFFFFE0C0  }
0x330: {  	v1 =	vld [tilespmem:s21+$0x30]  }
0x331: {  	v2 =	vld [tilespmem:s21+$0xFFFFFFD0]  }
0x332: {  	v3 =	vld [tilespmem:s21+$0xFFFFFFE0]  }
0x333: {  	v4 =	vld [tilespmem:s21+$0xFFFFFFF0]  }
0x334: {  	v5 =	vld [tilespmem:s21+$0x0]  }
0x335: {  	v7 =	vld [tilespmem:s21+$0x10]  }
0x336: {  	v9 =	vld [tilespmem:s21+$0xFFFFFFC0]  }
0x337: {  	s15 =	simm.s32 $0x19EC0;
	v11 =	vld [tilespmem:s21+$0x20];
	v6 =	vand.u32 $0x3FFF, v1  }
0x338: {  	v16 =	vld [tilespmem:s15+$0x30]  }
0x339: {  	v26 =	vld [tilespmem:s15+$0xFFFFFFC0]  }
0x33a: {  	v27 =	vld [tilespmem:s15+$0xFFFFFFD0]  }
0x33b: {  	v28 =	vld [tilespmem:s15+$0xFFFFFFE0]  }
0x33c: {  	v8 =	vand.u32 $0x3FFF, v2;
	v14 =	vld.idx.msk [tilespmem:v6+s0+$0x0], $0xffff  }
0x33d: {  	v29 =	vld [tilespmem:s15+$0xFFFFFFF0];
	v10 =	vand.u32 $0x3FFF, v3  }
0x33e: {  	v31 =	vld [tilespmem:s15+$0x0];
	v20 =	vshrl.u32 v1, $0xE  }
0x33f: {  	v33 =	vld [tilespmem:s15+$0x10]  }
0x340: {  	v12 =	vand.u32 $0x3FFF, v4;
	v35 =	vshrl.u32 v4, $0xE;
	v4 =	vld [tilespmem:s15+$0x20]  }
0x341: {  	v15 =	vand.u32 $0x3FFF, v7;
	v18 =	vld.idx.msk [tilespmem:v8+s0+$0x0], $0xffff;
	v1 =	vmul.f32 v14, v16  }
0x342: {  	v13 =	vand.u32 $0x3FFF, v5;
	v19 =	vld.idx.msk [tilespmem:v10+s0+$0x0], $0xffff  }
0x343: {  	v22 =	vand.u32 $0x3FFF, v11;
	[tilespmem:v20+s4+$0x0] =	vst.idx.add.f32.msk $0xffff, v1  }
0x344: {  	v17 =	vand.u32 $0x3FFF, v9;
	v1 =	vld.idx.msk [tilespmem:v6+s2+$0x0], $0xffff  }
0x345: {  	v34 =	vshrl.u32 v3, $0xE;
	v21 =	vld.idx.msk [tilespmem:v12+s0+$0x0], $0xffff  }
0x346: {  	v24 =	vld.idx.msk [tilespmem:v15+s0+$0x0], $0xffff  }
0x347: {  	v23 =	vld.idx.msk [tilespmem:v13+s0+$0x0], $0xffff  }
0x348: {  	v32 =	vshrl.u32 v2, $0xE;
	v2 =	vshrl.u32 v7, $0xE;
	v25 =	vld.idx.msk [tilespmem:v22+s0+$0x0], $0xffff;
	v7 =	vmul.f32 v19, v28  }
0x349: {  	v14 =	vld.idx.msk [tilespmem:v17+s0+$0x0], $0xffff;
	v1 =	vmul.f32 v1, v16  }
0x34a: {  	[tilespmem:v34+s4+$0x0] =	vst.idx.add.f32.msk $0xffff, v7  }
0x34b: {  	v30 =	vshrl.u32 v9, $0xE;
	v7 =	vmul.f32 v24, v33;
	[tilespmem:v20+s22+$0x0] =	vst.idx.add.f32.msk $0xffff, v1  }
0x34c: {  	v1 =	vshrl.u32 v5, $0xE;
	v9 =	vld.idx.msk [tilespmem:v6+s6+$0x0], $0xffff  }
0x34d: {  	[tilespmem:v2+s4+$0x0] =	vst.idx.add.f32.msk $0xffff, v7;
	v5 =	vmul.f32 v18, v27  }
0x34e: {  	v3 =	vmul.f32 v14, v26;
	v62 =	vld.idx.msk [tilespmem:v15+s2+$0x0], $0xffff  }
0x34f: {  	[tilespmem:v32+s4+$0x0] =	vst.idx.add.f32.msk $0xffff, v5;
	v5 =	vmul.f32 v23, v31  }
0x350: {  	v14 =	vmul.f32 v21, v29;
	[tilespmem:v30+s4+$0x0] =	vst.idx.add.f32.msk $0xffff, v3;
	v3 =	vshrl.u32 v11, $0xE  }
0x351: {  	[tilespmem:v1+s4+$0x0] =	vst.idx.add.f32.msk $0xffff, v5;
	v5 =	vmul.f32 v9, v16  }
0x352: {  	[tilespmem:v35+s4+$0x0] =	vst.idx.add.f32.msk $0xffff, v14  }
0x353: {  	v7 =	vmul.f32 v25, v4;
	[tilespmem:v20+s23+$0x0] =	vst.idx.add.f32.msk $0xffff, v5  }
0x354: {  	v5 =	vld.idx.msk [tilespmem:v6+s7+$0x0], $0xffff  }
0x355: {  	[tilespmem:v3+s4+$0x0] =	vst.idx.add.f32.msk $0xffff, v7  }
0x356: {  	v6 =	vld.idx.msk [tilespmem:v17+s2+$0x0], $0xffff  }
0x357: {  	v7 =	vld.idx.msk [tilespmem:v8+s2+$0x0], $0xffff  }
0x358: {  	v9 =	vld.idx.msk [tilespmem:v10+s2+$0x0], $0xffff  }
0x359: {  	v11 =	vld.idx.msk [tilespmem:v12+s2+$0x0], $0xffff;
	v5 =	vmul.f32 v5, v16  }
0x35a: {  	v14 =	vld.idx.msk [tilespmem:v13+s2+$0x0], $0xffff  }
0x35b: {  	v6 =	vmul.f32 v6, v26;
	[tilespmem:v20+s24+$0x0] =	vst.idx.add.f32.msk $0xffff, v5  }
0x35c: {  	v5 =	vmul.f32 v7, v27;
	v7 =	vld.idx.msk [tilespmem:v22+s2+$0x0], $0xffff  }
0x35d: {  	[tilespmem:v30+s22+$0x0] =	vst.idx.add.f32.msk $0xffff, v6;
	v6 =	vmul.f32 v9, v28  }
0x35e: {  	[tilespmem:v32+s22+$0x0] =	vst.idx.add.f32.msk $0xffff, v5;
	v5 =	vmul.f32 v11, v29  }
0x35f: {  	[tilespmem:v34+s22+$0x0] =	vst.idx.add.f32.msk $0xffff, v6;
	v6 =	vmul.f32 v14, v31  }
0x360: {  	[tilespmem:v35+s22+$0x0] =	vst.idx.add.f32.msk $0xffff, v5  }
0x361: {  	[tilespmem:v1+s22+$0x0] =	vst.idx.add.f32.msk $0xffff, v6  }
0x362: {  	v5 =	vmul.f32 v62, v33;
	v6 =	vld.idx.msk [tilespmem:v17+s6+$0x0], $0xffff  }
0x363: {  	v9 =	vld.idx.msk [tilespmem:v12+s6+$0x0], $0xffff  }
0x364: {  	[tilespmem:v2+s22+$0x0] =	vst.idx.add.f32.msk $0xffff, v5;
	v5 =	vmul.f32 v7, v4  }
0x365: {  	v7 =	vld.idx.msk [tilespmem:v10+s6+$0x0], $0xffff  }
0x366: {  	[tilespmem:v3+s22+$0x0] =	vst.idx.add.f32.msk $0xffff, v5  }
0x367: {  	v5 =	vld.idx.msk [tilespmem:v8+s6+$0x0], $0xffff  }
0x368: {  	v11 =	vld.idx.msk [tilespmem:v13+s6+$0x0], $0xffff  }
0x369: {  	v14 =	vld.idx.msk [tilespmem:v15+s6+$0x0], $0xffff;
	v6 =	vmul.f32 v6, v26  }
0x36a: {  	v63 =	vld.idx.msk [tilespmem:v22+s6+$0x0], $0xffff  }
0x36b: {  	[tilespmem:v30+s23+$0x0] =	vst.idx.add.f32.msk $0xffff, v6;
	v7 =	vmul.f32 v7, v28  }
0x36c: {  	v6 =	vld.idx.msk [tilespmem:v17+s7+$0x0], $0xffff;
	v5 =	vmul.f32 v5, v27  }
0x36d: {  	[tilespmem:v34+s23+$0x0] =	vst.idx.add.f32.msk $0xffff, v7;
	v7 =	vmul.f32 v11, v31  }
0x36e: {  	[tilespmem:v32+s23+$0x0] =	vst.idx.add.f32.msk $0xffff, v5;
	v5 =	vmul.f32 v9, v29  }
0x36f: {  	[tilespmem:v1+s23+$0x0] =	vst.idx.add.f32.msk $0xffff, v7;
	v7 =	vmul.f32 v63, v4  }
0x370: {  	[tilespmem:v35+s23+$0x0] =	vst.idx.add.f32.msk $0xffff, v5;
	v5 =	vmul.f32 v14, v33  }
0x371: {  	[tilespmem:v3+s23+$0x0] =	vst.idx.add.f32.msk $0xffff, v7  }
0x372: {  	[tilespmem:v2+s23+$0x0] =	vst.idx.add.f32.msk $0xffff, v5  }
0x373: {  	v5 =	vld.idx.msk [tilespmem:v8+s7+$0x0], $0xffff  }
0x374: {  	v7 =	vld.idx.msk [tilespmem:v10+s7+$0x0], $0xffff  }
0x375: {  	v8 =	vld.idx.msk [tilespmem:v12+s7+$0x0], $0xffff  }
0x376: {  	v10 =	vld.idx.msk [tilespmem:v13+s7+$0x0], $0xffff  }
0x377: {  	v6 =	vmul.f32 v6, v26;
	v12 =	vld.idx.msk [tilespmem:v15+s7+$0x0], $0xffff  }
0x378: {  	v9 =	vld.idx.msk [tilespmem:v22+s7+$0x0], $0xffff;
	v5 =	vmul.f32 v5, v27  }
0x379: {  	[tilespmem:v30+s24+$0x0] =	vst.idx.add.f32.msk $0xffff, v6;
	v6 =	vmul.f32 v7, v28  }
0x37a: {  	[tilespmem:v32+s24+$0x0] =	vst.idx.add.f32.msk $0xffff, v5;
	v5 =	vmul.f32 v8, v29  }
0x37b: {  	[tilespmem:v34+s24+$0x0] =	vst.idx.add.f32.msk $0xffff, v6  }
0x37c: {  	s17 =	simm.s32 $0x16040;
	s16 =	simm.s32 $0x0;
	v11 =	vmul.f32 v10, v31;
	v14 =	vmul.f32 v12, v33;
	[tilespmem:v35+s24+$0x0] =	vst.idx.add.f32.msk $0xffff, v5  }
.LBB2_21:
0x37d: {  	v17 =	vld [tilespmem:s17+$0x30];
	s16 =	sadd.s32 $0x80, s16;
	v5 =	vmul.f32 v9, v4  }
0x37e: {  	v4 =	vld [tilespmem:s17+$0xFFFFFFD0];
	p0 =	slt.u32 s16, $0x1E80  }
0x37f: {  	v8 =	vld [tilespmem:s17+$0xFFFFFFE0]  }
0x380: {  	v12 =	vld [tilespmem:s17+$0xFFFFFFF0]  }
0x381: {  	v13 =	vld [tilespmem:s17+$0x0]  }
0x382: {  	v15 =	vld [tilespmem:s17+$0x10];
	v22 =	vand.u32 $0x3FFF, v17  }
0x383: {  	v6 =	vshrl.u32 v4, $0xE;
	v9 =	vand.u32 $0x3FFF, v4;
	v4 =	vld [tilespmem:s17+$0x20]  }
0x384: {  	v18 =	vld [tilespmem:s17+$0xFFFFFFC0];
	v7 =	vshrl.u32 v8, $0xE;
	v10 =	vand.u32 $0x3FFF, v8  }
0x385: {  	v8 =	vshrl.u32 v12, $0xE;
	v12 =	vand.u32 $0x3FFF, v12;
	[tilespmem:v1+s24+$0x0] =	vst.idx.add.f32.msk $0xffff, v11  }
0x386: {  	v1 =	vshrl.u32 v13, $0xE;
	v13 =	vand.u32 $0x3FFF, v13;
	[tilespmem:v2+s24+$0x0] =	vst.idx.add.f32.msk $0xffff, v14  }
0x387: {  	s15 =	sadd.s32 $0x80, s15;
	v2 =	vshrl.u32 v15, $0xE;
	v14 =	vand.u32 $0x3FFF, v15;
	v19 =	vld.idx.msk [tilespmem:v22+s0+$0x0], $0xffff  }
0x388: {  	v11 =	vshrl.u32 v4, $0xE;
	v15 =	vand.u32 $0x3FFF, v4;
	v23 =	vld [tilespmem:s15+$0x30]  }
0x389: {  	v16 =	vshrl.u32 v18, $0xE;
	v24 =	vand.u32 $0x3FFF, v18;
	v4 =	vld.idx.msk [tilespmem:v9+s0+$0x0], $0xffff  }
0x38a: {  	v26 =	vshrl.u32 v17, $0xE;
	v25 =	vld.idx.msk [tilespmem:v10+s0+$0x0], $0xffff  }
0x38b: {  	v27 =	vld.idx.msk [tilespmem:v12+s0+$0x0], $0xffff  }
0x38c: {  	v28 =	vld.idx.msk [tilespmem:v13+s0+$0x0], $0xffff  }
0x38d: {  	v29 =	vld.idx.msk [tilespmem:v14+s0+$0x0], $0xffff;
	v17 =	vmul.f32 v19, v23  }
0x38e: {  	v19 =	vld.idx.msk [tilespmem:v24+s0+$0x0], $0xffff  }
0x38f: {  	[tilespmem:v26+s4+$0x0] =	vst.idx.add.f32.msk $0xffff, v17  }
0x390: {  	v30 =	vld.idx.msk [tilespmem:v22+s2+$0x0], $0xffff  }
0x391: {  	v31 =	vld.idx.msk [tilespmem:v15+s0+$0x0], $0xffff  }
0x392: {  	v32 =	vld [tilespmem:s15+$0xFFFFFFC0]  }
0x393: {  	v20 =	vld [tilespmem:s15+$0xFFFFFFD0]  }
0x394: {  	v21 =	vld [tilespmem:s15+$0xFFFFFFE0]  }
0x395: {  	v18 =	vld [tilespmem:s15+$0xFFFFFFF0]  }
0x396: {  	v30 =	vmul.f32 v30, v23;
	v17 =	vld [tilespmem:s15+$0x0]  }
0x397: {  	v33 =	vmul.f32 v19, v32;
	v19 =	vld [tilespmem:s15+$0x10]  }
0x398: {  	v34 =	vmul.f32 v4, v20;
	[tilespmem:v26+s22+$0x0] =	vst.idx.add.f32.msk $0xffff, v30  }
0x399: {  	v25 =	vmul.f32 v25, v21;
	v30 =	vld.idx.msk [tilespmem:v22+s6+$0x0], $0xffff  }
0x39a: {  	v27 =	vmul.f32 v27, v18;
	v4 =	vld [tilespmem:s15+$0x20]  }
0x39b: {  	[tilespmem:v16+s4+$0x0] =	vst.idx.add.f32.msk $0xffff, v33;
	v28 =	vmul.f32 v28, v17  }
0x39c: {  	[tilespmem:v6+s4+$0x0] =	vst.idx.add.f32.msk $0xffff, v34;
	v29 =	vmul.f32 v29, v19  }
0x39d: {  	[tilespmem:v7+s4+$0x0] =	vst.idx.add.f32.msk $0xffff, v25  }
0x39e: {  	[tilespmem:v8+s4+$0x0] =	vst.idx.add.f32.msk $0xffff, v27  }
0x39f: {  	v27 =	vmul.f32 v30, v23;
	[tilespmem:v1+s4+$0x0] =	vst.idx.add.f32.msk $0xffff, v28;
	v25 =	vmul.f32 v31, v4  }
0x3a0: {  	[tilespmem:v2+s4+$0x0] =	vst.idx.add.f32.msk $0xffff, v29  }
0x3a1: {  	[tilespmem:v26+s23+$0x0] =	vst.idx.add.f32.msk $0xffff, v27  }
0x3a2: {  	v22 =	vld.idx.msk [tilespmem:v22+s7+$0x0], $0xffff  }
0x3a3: {  	[tilespmem:v11+s4+$0x0] =	vst.idx.add.f32.msk $0xffff, v25  }
0x3a4: {  	v25 =	vld.idx.msk [tilespmem:v24+s2+$0x0], $0xffff  }
0x3a5: {  	v27 =	vld.idx.msk [tilespmem:v9+s2+$0x0], $0xffff  }
0x3a6: {  	v28 =	vld.idx.msk [tilespmem:v10+s2+$0x0], $0xffff  }
0x3a7: {  	v29 =	vld.idx.msk [tilespmem:v12+s2+$0x0], $0xffff  }
0x3a8: {  	v22 =	vmul.f32 v22, v23;
	v30 =	vld.idx.msk [tilespmem:v13+s2+$0x0], $0xffff  }
0x3a9: {  	v23 =	vld.idx.msk [tilespmem:v14+s2+$0x0], $0xffff  }
0x3aa: {  	s18 =	simm.s32 $0x1EF0;
	s19 =	simm.s32 $0x1BD80;
	s20 =	simm.s32 $0x17E80;
	v25 =	vmul.f32 v25, v32;
	[tilespmem:v26+s24+$0x0] =	vst.idx.add.f32.msk $0xffff, v22  }
0x3ab: {  	v22 =	vmul.f32 v27, v20;
	v26 =	vld.idx.msk [tilespmem:v15+s2+$0x0], $0xffff  }
0x3ac: {  	[tilespmem:v16+s22+$0x0] =	vst.idx.add.f32.msk $0xffff, v25;
	v25 =	vmul.f32 v28, v21  }
0x3ad: {  	[tilespmem:v6+s22+$0x0] =	vst.idx.add.f32.msk $0xffff, v22;
	v22 =	vmul.f32 v29, v18  }
0x3ae: {  	[tilespmem:v7+s22+$0x0] =	vst.idx.add.f32.msk $0xffff, v25;
	v25 =	vmul.f32 v30, v17  }
0x3af: {  	[tilespmem:v8+s22+$0x0] =	vst.idx.add.f32.msk $0xffff, v22;
	v22 =	vmul.f32 v23, v19  }
0x3b0: {  	[tilespmem:v1+s22+$0x0] =	vst.idx.add.f32.msk $0xffff, v25  }
0x3b1: {  	[tilespmem:v2+s22+$0x0] =	vst.idx.add.f32.msk $0xffff, v22;
	v22 =	vmul.f32 v26, v4  }
0x3b2: {  	v23 =	vld.idx.msk [tilespmem:v24+s6+$0x0], $0xffff  }
0x3b3: {  	[tilespmem:v11+s22+$0x0] =	vst.idx.add.f32.msk $0xffff, v22  }
0x3b4: {  	v22 =	vld.idx.msk [tilespmem:v9+s6+$0x0], $0xffff  }
0x3b5: {  	v25 =	vld.idx.msk [tilespmem:v10+s6+$0x0], $0xffff  }
0x3b6: {  	v26 =	vld.idx.msk [tilespmem:v12+s6+$0x0], $0xffff  }
0x3b7: {  	v27 =	vld.idx.msk [tilespmem:v13+s6+$0x0], $0xffff  }
0x3b8: {  	v23 =	vmul.f32 v23, v32;
	v28 =	vld.idx.msk [tilespmem:v14+s6+$0x0], $0xffff  }
0x3b9: {  	v29 =	vld.idx.msk [tilespmem:v15+s6+$0x0], $0xffff  }
0x3ba: {  	v22 =	vmul.f32 v22, v20;
	[tilespmem:v16+s23+$0x0] =	vst.idx.add.f32.msk $0xffff, v23  }
0x3bb: {  	v23 =	vld.idx.msk [tilespmem:v24+s7+$0x0], $0xffff;
	v24 =	vmul.f32 v25, v21  }
0x3bc: {  	[tilespmem:v6+s23+$0x0] =	vst.idx.add.f32.msk $0xffff, v22;
	v22 =	vmul.f32 v26, v18  }
0x3bd: {  	[tilespmem:v7+s23+$0x0] =	vst.idx.add.f32.msk $0xffff, v24;
	v24 =	vmul.f32 v27, v17  }
0x3be: {  	[tilespmem:v8+s23+$0x0] =	vst.idx.add.f32.msk $0xffff, v22;
	v22 =	vmul.f32 v28, v19  }
0x3bf: {  	[tilespmem:v1+s23+$0x0] =	vst.idx.add.f32.msk $0xffff, v24;
	v24 =	vmul.f32 v29, v4  }
0x3c0: {  	[tilespmem:v2+s23+$0x0] =	vst.idx.add.f32.msk $0xffff, v22  }
0x3c1: {  	v22 =	vmul.f32 v23, v32;
	[tilespmem:v11+s23+$0x0] =	vst.idx.add.f32.msk $0xffff, v24  }
0x3c2: {  	v23 =	vld.idx.msk [tilespmem:v9+s7+$0x0], $0xffff  }
0x3c3: {  	v10 =	vld.idx.msk [tilespmem:v10+s7+$0x0], $0xffff  }
0x3c4: {  	v12 =	vld.idx.msk [tilespmem:v12+s7+$0x0], $0xffff  }
0x3c5: {  	v13 =	vld.idx.msk [tilespmem:v13+s7+$0x0], $0xffff  }
0x3c6: {  	v14 =	vld.idx.msk [tilespmem:v14+s7+$0x0], $0xffff  }
0x3c7: {  	v9 =	vld.idx.msk [tilespmem:v15+s7+$0x0], $0xffff  }
.Ltmp9:
0x3c8: {  	v15 =	vmul.f32 v23, v20;
	[tilespmem:v16+s24+$0x0] =	vst.idx.add.f32.msk $0xffff, v22;
	(pc) =	sbr.rel @p0 .LBB2_21-.Ltmp9, $4  }
0x3c9: {  	v10 =	vmul.f32 v10, v21;
	[tilespmem:v3+s24+$0x0] =	vst.idx.add.f32.msk $0xffff, v5;
	v3 =	vmov v11  }
0x3ca: {  	v5 =	vmul.f32 v12, v18;
	[tilespmem:v6+s24+$0x0] =	vst.idx.add.f32.msk $0xffff, v15  }
0x3cb: {  	v11 =	vmul.f32 v13, v17;
	[tilespmem:v7+s24+$0x0] =	vst.idx.add.f32.msk $0xffff, v10  }
0x3cc: {  	s17 =	sadd.s32 $0x80, s17;
	v14 =	vmul.f32 v14, v19;
	[tilespmem:v8+s24+$0x0] =	vst.idx.add.f32.msk $0xffff, v5  }
0x3cd: {  	_ =	sdelay $0x3  }
0x3ce: {  	v4 =	vmul.f32 v9, v4;
	[tilespmem:v1+s24+$0x0] =	vst.idx.add.f32.msk $0xffff, v11  }
0x3cf: {  	[tilespmem:v2+s24+$0x0] =	vst.idx.add.f32.msk $0xffff, v14  }
0x3d0: {  	[tilespmem:v3+s24+$0x0] =	vst.idx.add.f32.msk $0xffff, v4  }
.LBB2_23:
0x3d1: {  	v1 =	vld [tilespmem:s20+$0x0];
	_ =	sdelay $0x4  }
0x3d2: {  	v2 =	vand.u32 $0x3FFF, v1;
	_ =	sdelay $0x3  }
0x3d3: {  	v3 =	vld [tilespmem:s19+$0x0]  }
0x3d4: {  	v4 =	vld.idx.msk [tilespmem:v2+s0+$0x0], $0xffff;
	_ =	sdelay $0x1  }
0x3d5: {  	v1 =	vshrl.u32 v1, $0xE;
	_ =	sdelay $0x2  }
0x3d6: {  	v4 =	vmul.f32 v4, v3;
	_ =	sdelay $0x1  }
0x3d7: {  	[tilespmem:v1+s4+$0x0] =	vst.idx.add.f32.msk $0xffff, v4  }
0x3d8: {  	v4 =	vld.idx.msk [tilespmem:v2+s2+$0x0], $0xffff;
	_ =	sdelay $0x4  }
0x3d9: {  	v4 =	vmul.f32 v4, v3;
	_ =	sdelay $0x1  }
0x3da: {  	[tilespmem:v1+s22+$0x0] =	vst.idx.add.f32.msk $0xffff, v4  }
0x3db: {  	v4 =	vld.idx.msk [tilespmem:v2+s6+$0x0], $0xffff;
	_ =	sdelay $0x4  }
0x3dc: {  	v4 =	vmul.f32 v4, v3;
	_ =	sdelay $0x1  }
0x3dd: {  	[tilespmem:v1+s23+$0x0] =	vst.idx.add.f32.msk $0xffff, v4  }
0x3de: {  	v2 =	vld.idx.msk [tilespmem:v2+s7+$0x0], $0xffff  }
0x3df: {  	s18 =	sadd.s32 $0x10, s18  }
0x3e0: {  	p0 =	slt.u32 s18, $0x1F30  }
.Ltmp10:
0x3e1: {  	_ = 	snop;
	(pc) =	sbr.rel @p0 .LBB2_23-.Ltmp10, $3  }
0x3e2: {  	_ = 	snop  }
0x3e3: {  	v2 =	vmul.f32 v2, v3;
	_ =	sdelay $0x1  }
0x3e4: {  	s19 =	sadd.s32 $0x10, s19;
	s20 =	sadd.s32 $0x10, s20;
	[tilespmem:v1+s24+$0x0] =	vst.idx.add.f32.msk $0xffff, v2  }
0x3e5: {  	s14 =	sadd.s32 $0x1, s14  }
0x3e6: {  	p0 =	sne.s32 s14, $0x14  }
.Ltmp11:
0x3e7: {  	_ = 	snop;
	(pc) =	sbr.rel @p0 .LBB2_16-.Ltmp11, $1  }
0x3e8: {  	_ =	sdelay $0x3  }
0x3e9: {  	_ =	swait.ge [sflag:s25], $0x1F40  }
0x3ea: {  	[sflag:s25] =	ssyncset.done $0x0  }
0x3eb: {  	[sflag:s25] =	ssyncadd.s32 $0xFFFFE0C0  }
0x3ec: {  	_ =	swait.ge [sflag:s31], $0x1F40  }
0x3ed: {  	[sflag:s31] =	ssyncset.done $0x0  }
0x3ee: {  	s14 =	rddreg [dreg:$0xc];
	[sflag:s31] =	ssyncadd.s32 $0xFFFFE0C0  }
0x3ef: {  	[hbm4b:s14+s4] =	stream.linear.scatter [tilespmem:s4], [sflag:$0x1], $0x2800, $0x38;
	[tilespmem:$0x1BE00] =	vst v63  }
0x3f0: {  	s18 =	rddreg [dreg:$0xd]  }
0x3f1: {  	[hbm4b:s18+s4] =	stream.linear.scatter [tilespmem:s22], [sflag:$0x1], $0x2800, $0x38;
	[tilespmem:$0x1BE00] =	vst v63  }
0x3f2: {  	s19 =	rddreg [dreg:$0xe]  }
0x3f3: {  	[hbm4b:s19+s4] =	stream.linear.scatter [tilespmem:s23], [sflag:$0x1], $0x2800, $0x38;
	[tilespmem:$0x1BE00] =	vst v63  }
0x3f4: {  	s20 =	rddreg [dreg:$0xf]  }
0x3f5: {  	[hbm4b:s20+s4] =	stream.linear.scatter [tilespmem:s24], [sflag:$0x1], $0x2800, $0x38;
	[tilespmem:$0x1BE00] =	vst v63  }
0x3f6: {  	_ =	swait.ge [sflag:s25], $0x2800  }
0x3f7: {  	[sflag:s25] =	ssyncset.done $0x0  }
0x3f8: {  	[sflag:s25] =	ssyncadd.s32 $0xFFFFD800  }
0x3f9: {  	_ =	swait.ge [sflag:s25], $0x2800  }
0x3fa: {  	[sflag:s25] =	ssyncset.done $0x0  }
0x3fb: {  	[sflag:s25] =	ssyncadd.s32 $0xFFFFD800  }
0x3fc: {  	_ =	swait.ge [sflag:s25], $0x2800  }
0x3fd: {  	[sflag:s25] =	ssyncset.done $0x0  }
0x3fe: {  	[sflag:s25] =	ssyncadd.s32 $0xFFFFD800  }
0x3ff: {  	_ =	swait.ge [sflag:s25], $0x2800  }
0x400: {  	s13 =	sadd.s32 $0x1, s13;
	s21 =	rddreg [dreg:$0x10]  }
0x401: {  	p0 =	sne.s32 s13, s21  }
.Ltmp12:
0x402: {  	_ = 	snop;
	(pc) =	sbr.rel @p0 .LBB2_1-.Ltmp12, $3  }
0x403: {  	_ =	sdelay $0x1  }
0x404: {  	[sflag:s25] =	ssyncset.done $0x0  }
0x405: {  	[sflag:s25] =	ssyncadd.s32 $0xFFFFD800  }
0x406: {  	_ =	sfence.sel $0x180000  }
0x407: {  	[bflag:$0x0] =	sbarrier.arrive $0xFFFF  }
0x408: {  	_ =	strace $0x90000047  }
0x409: {  	s0 =	stileid.u32;
	[bflag:$0x2] =	sbarrier.arrive $0xFFFF  }
0x40a: {  	p0 =	sne.s32 s0, $0x0;
	s0 =	rddreg [dreg:$0x3]  }
0x40b: {  	s0 =	sadd.s32 @!p0 $0x100000, s0  }
0x40c: {  	[sflag:s0] =	ssyncadd.tile.s32 @!p0 $0x1;
	_ =	shalt  }
.Lfunc_end2:
_tile_overlayer_lowered:
.L_overlay_start_2:
0x40d: {  	(tag) =	ssettag $0x2  }
0x40e: {  	s0 =	rddreg [dreg:$0x0];
	s2 =	stileid.u32  }
0x40f: {  	s1 =	rddreg [dreg:$0x1];
	p0 =	sne.s32 s2, $0x0  }
0x410: {  	s3 =	rddreg [dreg:$0x2];
	[bflag:$0x3] =	sbarrier.arrive $0xFFFF;
	s2 =	simm.s32 @!p0 $0x1C05  }
0x411: {  	[timem:s3], [sflag:s2] =	dma.local @!p0 [hbm:s0], s1  }
0x412: {  	s0 =	simm.s32 @!p0 $0x5  }
0x413: {  	_ =	swait.ge @!p0 [sflag:s0], s1  }
0x414: {  	s1 =	ssub.s32 @!p0 $0x0, s1;
	[sflag:s0] =	ssyncset.done @!p0 $0x0  }
0x415: {  	[sflag:s0] =	ssyncadd.s32 @!p0 s1  }
0x416: {  	[bflag:$0x3] =	sbarrier.arrive $0xFFFF  }
0x417: {  	_ =	shalt  }

</sc_bundles>
